<compile_context>
chip_gen: v7x
topology: tpu7x:2x2x1
jax: 0.10.2.dev20260603
libtpu: 0.0.44.dev20260713+nightly
codegen_flags: <defaults>
</compile_context>

<pallas_src>
import jax
import jax.numpy as jnp
from jax import lax
from jax.experimental import pallas as pl
from jax.experimental.pallas import tpu as pltpu
from jax.experimental.pallas import tpu_sc as plsc

N = 10000
D = 128
NP = 10240
NC = 2
NS = 16
NW = NC * NS
CH = 80
EPW = 10240
NCH = EPW // CH
EPAD = NW * EPW
RPS = NP // NS

_MESH = plsc.VectorSubcoreMesh(
    core_axis_name="c", subcore_axis_name="s", num_cores=NC, num_subcores=NS)


L = 16


def _sc_deg_body(dst_hbm, zeros_hbm, out_hbm, dst_v, accv):
    c = lax.axis_index("c")
    s = lax.axis_index("s")
    w = c * NS + s
    pltpu.sync_copy(dst_hbm.at[w], dst_v)
    pltpu.sync_copy(zeros_hbm, accv)
    ones = jnp.full((L,), 1.0, jnp.float32)

    def step(t, carry):
        plsc.addupdate_scatter(accv, [dst_v[pl.ds(t * L, L)]], ones)
        return carry

    lax.fori_loop(0, EPW // L, step, 0)
    pltpu.sync_copy(accv, out_hbm.at[pl.ds(w * NP, NP)])


_sc_deg = pl.kernel(
    _sc_deg_body,
    out_type=jax.ShapeDtypeStruct((NW * NP,), jnp.float32),
    mesh=_MESH,
    scratch_types=[
        pltpu.VMEM((EPW,), jnp.int32),
        pltpu.VMEM((NP,), jnp.float32),
    ],
    compiler_params=pltpu.CompilerParams(needs_layout_passes=False),
)


NBUF = 4
NIB = 8


def _sc_agg_body(tab_hbm, idx_hbm, zeros_hbm, out_hbm, idx_v, gb, acc, si, sg, ss):
    c = lax.axis_index("c")
    s = lax.axis_index("s")
    w = c * NS + s
    pltpu.sync_copy(zeros_hbm.at[pl.ds(s * RPS, RPS)], acc.at[pl.ds(s * RPS, RPS)])
    for q in range(NBUF):
        pltpu.async_copy(idx_hbm.at[w, q], idx_v.at[q], si.at[q])
    plsc.subcore_barrier()

    @pl.loop(0, NCH, step=NBUF)
    def _(g):
        for b in range(NBUF):
            j = g + b
            q = j % NIB

            @pl.when(j >= NBUF)
            def _():
                qq = (j - NBUF) % NIB
                pltpu.make_async_copy(gb.at[b], acc.at[idx_v.at[qq, 1]],
                                      ss.at[b]).wait()

            @pl.when(j + NBUF < NCH)
            def _():
                qn = (j + NBUF) % NIB
                pltpu.async_copy(idx_hbm.at[w, j + NBUF], idx_v.at[qn], si.at[qn])

            pltpu.make_async_copy(idx_hbm.at[w, j], idx_v.at[q], si.at[q]).wait()
            pltpu.async_copy(tab_hbm.at[idx_v.at[q, 0]], gb.at[b], sg.at[b])
        for b in range(NBUF):
            j = g + b
            q = j % NIB
            pltpu.make_async_copy(tab_hbm.at[idx_v.at[q, 0]], gb.at[b],
                                  sg.at[b]).wait()
            pltpu.async_copy(gb.at[b], acc.at[idx_v.at[q, 1]], ss.at[b], add=True)

    for b in range(NBUF):
        j = NCH - NBUF + b
        pltpu.make_async_copy(gb.at[b], acc.at[idx_v.at[j % NIB, 1]],
                              ss.at[b]).wait()

    plsc.subcore_barrier()
    pltpu.sync_copy(acc.at[pl.ds(s * RPS, RPS)], out_hbm.at[c, pl.ds(s * RPS, RPS)])


_sc_agg = pl.kernel(
    _sc_agg_body,
    out_type=jax.ShapeDtypeStruct((NC, NP, D), jnp.float32),
    mesh=_MESH,
    scratch_types=[
        pltpu.VMEM((NIB, 2, CH), jnp.int32),
        pltpu.VMEM((NBUF, CH, D), jnp.float32),
        pltpu.VMEM_SHARED((NP, D), jnp.float32),
        pltpu.SemaphoreType.DMA((NIB,)),
        pltpu.SemaphoreType.DMA((NBUF,)),
        pltpu.SemaphoreType.DMA((NBUF,)),
    ],
)


BLK = 512
NBLK = NP // BLK


def _tc0_body(degp_ref, dinv_ref):
    dinv_ref[...] = lax.rsqrt(jnp.sum(degp_ref[...], axis=0) + 1.0)


_tc0 = pl.pallas_call(
    _tc0_body,
    grid=(1,),
    in_specs=[pl.BlockSpec((NW, NP // D, D), lambda i: (0, 0, 0))],
    out_specs=pl.BlockSpec((NP // D, D), lambda i: (0, 0)),
    out_shape=jax.ShapeDtypeStruct((NP // D, D), jnp.float32),
)


def _tc1_body(x_ref, w1_ref, dinv_ref, z_ref, p_ref):
    dinv = dinv_ref[...]
    z = jnp.dot(x_ref[...], w1_ref[...],
                preferred_element_type=jnp.float32, precision=lax.Precision.HIGHEST)
    z_ref[...] = z
    p_ref[...] = z * dinv


_tc1 = pl.pallas_call(
    _tc1_body,
    grid=(NBLK,),
    in_specs=[
        pl.BlockSpec((BLK, D), lambda i: (i, 0)),
        pl.BlockSpec((D, D), lambda i: (0, 0)),
        pl.BlockSpec((BLK, 1), lambda i: (i, 0)),
    ],
    out_specs=[
        pl.BlockSpec((BLK, D), lambda i: (i, 0)),
        pl.BlockSpec((BLK, D), lambda i: (i, 0)),
    ],
    out_shape=[
        jax.ShapeDtypeStruct((NP, D), jnp.float32),
        jax.ShapeDtypeStruct((NP, D), jnp.float32),
    ],
)


def _tc2_body(sp_ref, z1_ref, dinv_ref, b1_ref, w2_ref, z2_ref, p2_ref):
    i = pl.program_id(0)
    sp = sp_ref[...]
    dinv = dinv_ref[...]
    h = dinv * (sp[0] + sp[1]) + dinv * dinv * z1_ref[...] + b1_ref[...]
    h = jnp.maximum(h, 0.0)
    rows = i * BLK + lax.broadcasted_iota(jnp.int32, (BLK, 1), 0)
    h = jnp.where(rows < N, h, 0.0)
    z2 = jnp.dot(h, w2_ref[...],
                 preferred_element_type=jnp.float32, precision=lax.Precision.HIGHEST)
    z2_ref[...] = z2
    p2_ref[...] = z2 * dinv


_tc2 = pl.pallas_call(
    _tc2_body,
    grid=(NBLK,),
    in_specs=[
        pl.BlockSpec((2, BLK, D), lambda i: (0, i, 0)),
        pl.BlockSpec((BLK, D), lambda i: (i, 0)),
        pl.BlockSpec((BLK, 1), lambda i: (i, 0)),
        pl.BlockSpec((1, D), lambda i: (0, 0)),
        pl.BlockSpec((D, D), lambda i: (0, 0)),
    ],
    out_specs=[
        pl.BlockSpec((BLK, D), lambda i: (i, 0)),
        pl.BlockSpec((BLK, D), lambda i: (i, 0)),
    ],
    out_shape=[
        jax.ShapeDtypeStruct((NP, D), jnp.float32),
        jax.ShapeDtypeStruct((NP, D), jnp.float32),
    ],
)


def _tc3_body(sp_ref, z2_ref, dinv_ref, b2_ref, out_ref, ss_ref, h2_s):
    p = pl.program_id(0)
    i = pl.program_id(1)

    @pl.when(p == 0)
    def _():
        sp = sp_ref[...]
        dinv = dinv_ref[...]
        h = dinv * (sp[0] + sp[1]) + dinv * dinv * z2_ref[...] + b2_ref[...]
        rows = i * BLK + lax.broadcasted_iota(jnp.int32, (BLK, 1), 0)
        h = jnp.where(rows < N, h, 0.0)
        h2_s[pl.ds(i * BLK, BLK), :] = h

        @pl.when(i == 0)
        def _():
            ss_ref[...] = jnp.zeros_like(ss_ref)

        ss_ref[...] = ss_ref[...] + jnp.sum(h * h, axis=0, keepdims=True)

    @pl.when(p == 1)
    def _():
        denom = jnp.maximum(jnp.sqrt(ss_ref[...]), 1e-12)
        out_ref[...] = h2_s[pl.ds(i * BLK, BLK), :] / denom


_tc3 = pl.pallas_call(
    _tc3_body,
    grid=(2, NBLK),
    in_specs=[
        pl.BlockSpec((2, BLK, D), lambda p, i: (0, (1 - p) * i, 0)),
        pl.BlockSpec((BLK, D), lambda p, i: ((1 - p) * i, 0)),
        pl.BlockSpec((BLK, 1), lambda p, i: ((1 - p) * i, 0)),
        pl.BlockSpec((1, D), lambda p, i: (0, 0)),
    ],
    out_specs=[
        pl.BlockSpec((BLK, D), lambda p, i: (p * i, 0)),
        pl.BlockSpec((1, D), lambda p, i: (0, 0)),
    ],
    out_shape=[
        jax.ShapeDtypeStruct((NP, D), jnp.float32),
        jax.ShapeDtypeStruct((1, D), jnp.float32),
    ],
    scratch_shapes=[pltpu.VMEM((NP, D), jnp.float32)],
)


def kernel(node_features, edge_index, W1, b1, W2, b2):
    x = jnp.zeros((NP, D), jnp.float32).at[:N].set(node_features)
    ei = edge_index.astype(jnp.int32)
    pad = N + jnp.arange(EPAD - ei.shape[1], dtype=jnp.int32) % (NP - N)
    src_f = jnp.concatenate([ei[0], pad])
    dst_f = jnp.concatenate([ei[1], pad])
    idx = jnp.stack([src_f.reshape(NW, NCH, CH),
                     dst_f.reshape(NW, NCH, CH)], axis=2)
    zeros_deg = jnp.zeros((NP,), jnp.float32)
    zeros_tab = jnp.zeros((NP, D), jnp.float32)

    degp = _sc_deg(dst_f.reshape(NW, EPW), zeros_deg)
    dinv = _tc0(degp.reshape(NW, NP // D, D)).reshape(NP, 1)
    z1, p1 = _tc1(x, W1, dinv)
    s1 = _sc_agg(p1, idx, zeros_tab)
    z2, p2 = _tc2(s1, z1, dinv, b1.reshape(1, D), W2)
    s2 = _sc_agg(p2, idx, zeros_tab)
    out, _ = _tc3(s2, z2, dinv, b2.reshape(1, D))
    return out[:N]

# --- scband reference (transcript-rebuilt; emitter-appended) ---
"""Pipeline reference for scband-network-feature-extractor-87746181857801 (READ-ONLY COPY).

The authoritative reference and input builder live on the scoring server;
editing this copy changes nothing except your own understanding.
"""

import jax, jax.numpy as jnp
import numpy as np

N_NODES = 10000
N_EDGES = 320000
D_IN = 128
H1 = 128
H2 = 128


def setup_inputs(seed: int = 0) -> dict:
    key = jax.random.key(seed)
    k1, k2, k3, k4, k5, k6 = jax.random.split(key, 6)
    node_features = jax.random.normal(k1, (N_NODES, D_IN), dtype=jnp.float32)
    edge_index = jax.random.randint(k2, (2, N_EDGES), 0, N_NODES).astype(jnp.int64)
    # Glorot-style init for GCN layer weights (PyG GCNConv: lin weight [out,in] -> here stored [in,out])
    s1 = float(np.sqrt(6.0 / (D_IN + H1)))
    s2 = float(np.sqrt(6.0 / (H1 + H2)))
    W1 = jax.random.uniform(k3, (D_IN, H1), minval=-s1, maxval=s1, dtype=jnp.float32)
    b1 = jnp.zeros((H1,), dtype=jnp.float32)
    W2 = jax.random.uniform(k4, (H1, H2), minval=-s2, maxval=s2, dtype=jnp.float32)
    b2 = jnp.zeros((H2,), dtype=jnp.float32)
    return {"node_features": node_features, "edge_index": edge_index,
            "W1": W1, "b1": b1, "W2": W2, "b2": b2}


def _gcn_conv(x, src, dst, norm, W, b, n_nodes):
    h = x @ W
    msg = jnp.take(h, src, axis=0) * norm[:, None]
    out = jax.ops.segment_sum(msg, dst, num_segments=n_nodes)
    return out + b


def reference(node_features, edge_index, W1, b1, W2, b2):
    n = node_features.shape[0]
    # add self-loops (GCNConv default)
    loop = jnp.arange(n, dtype=edge_index.dtype)
    src = jnp.concatenate([edge_index[0], loop])
    dst = jnp.concatenate([edge_index[1], loop])
    # symmetric normalization D^{-1/2} A D^{-1/2}
    deg = jax.ops.segment_sum(jnp.ones_like(dst, dtype=jnp.float32), dst, num_segments=n)
    dinv = jnp.where(deg > 0, deg ** -0.5, 0.0)
    norm = jnp.take(dinv, src) * jnp.take(dinv, dst)
    h = _gcn_conv(node_features, src, dst, norm, W1, b1, n)
    h = jax.nn.relu(h)
    h = _gcn_conv(h, src, dst, norm, W2, b2, n)
    # F.normalize(h, dim=0): column-wise L2 normalization
    denom = jnp.maximum(jnp.linalg.norm(h, axis=0, keepdims=True), 1e-12)
    return h / denom

if __name__ == "__main__":
    import jax
    _d = setup_inputs()
    print(jax.jit(kernel)(*tuple(_d.values())))

</pallas_src>

<mosaic_0001>
#map = affine_map<(d0, d1) -> (0, 0)>
#map1 = affine_map<(d0, d1) -> (0, 0, 0, 0)>
#map2 = affine_map<(d0, d1) -> (0, 0, 0)>
module attributes {stable_mosaic.version = 14 : i64} {
  func.func @_sc_agg_body(%arg0: i32, %arg1: i32, %arg2: memref<10240x128xf32, #tpu.memory_space<hbm>>, %arg3: memref<32x128x2x80xi32, #tpu.memory_space<hbm>>, %arg4: memref<10240x128xf32, #tpu.memory_space<hbm>>, %arg5: memref<2x10240x128xf32, #tpu.memory_space<hbm>>, %arg6: memref<8x2x80xi32, #tpu.memory_space<vmem>>, %arg7: memref<4x80x128xf32, #tpu.memory_space<vmem>>, %arg8: memref<10240x128xf32, #tpu.memory_space<vmem_shared>>, %arg9: memref<8x!tpu.dma_semaphore, #tpu.memory_space<semaphore_mem>>, %arg10: memref<4x!tpu.dma_semaphore, #tpu.memory_space<semaphore_mem>>, %arg11: memref<4x!tpu.dma_semaphore, #tpu.memory_space<semaphore_mem>>) attributes {dimension_semantics = [#tpu.dimension_semantics<core_parallel>, #tpu.dimension_semantics<subcore_parallel>], iteration_bounds = array<i64: 2, 16>, scalar_prefetch = 0 : i64, scratch_operands = 6 : i64, tpu.core_type = #tpu.core_type<sc_vector_subcore>, window_params = [{transform_indices = #map}, {transform_indices = #map1}, {transform_indices = #map}, {transform_indices = #map2}]} {
    %mul3A = arith.constant 16 : i32
    %mul3A_0 = arith.muli %arg0, %mul3A : i32
    %add3A = arith.addi %mul3A_0, %arg1 : i32
    %mul3A_1 = arith.constant 640 : i32
    %mul3A_2 = arith.muli %arg1, %mul3A_1 : i32
    %mul3A_3 = arith.constant 640 : i32
    %mul3A_4 = arith.muli %arg1, %mul3A_3 : i32
    "tpu.region"() ({
      %run_scoped3A = tpu.sem_alloc : memref<!tpu.dma_semaphore, #tpu.memory_space<semaphore_mem>>
      %dma_start3A_160 = arith.constant 0 : i32
      %dma_start3A_161 = tpu.memref_slice %arg8[%mul3A_4, %dma_start3A_160] : memref<10240x128xf32, #tpu.memory_space<vmem_shared>> -> memref<640x128xf32, #tpu.memory_space<vmem_shared>>
      %dma_start3A_162 = arith.constant 0 : i32
      %dma_start3A_163 = tpu.memref_slice %arg4[%mul3A_2, %dma_start3A_162] : memref<10240x128xf32, #tpu.memory_space<hbm>> -> memref<640x128xf32, #tpu.memory_space<hbm>>
      tpu.enqueue_dma source(%dma_start3A_163 : memref<640x128xf32, #tpu.memory_space<hbm>>) target(%dma_start3A_161 : memref<640x128xf32, #tpu.memory_space<vmem_shared>>) target_semaphore(%run_scoped3A : memref<!tpu.dma_semaphore, #tpu.memory_space<semaphore_mem>>)
      %dma_wait3A_164 = arith.constant 0 : i32
      %dma_wait3A_165 = tpu.memref_slice %arg8[%mul3A_4, %dma_wait3A_164] : memref<10240x128xf32, #tpu.memory_space<vmem_shared>> -> memref<640x128xf32, #tpu.memory_space<vmem_shared>>
      %dma_wait3A_166 = arith.constant 0 : i32
      %dma_wait3A_167 = tpu.memref_slice %arg4[%mul3A_2, %dma_wait3A_166] : memref<10240x128xf32, #tpu.memory_space<hbm>> -> memref<640x128xf32, #tpu.memory_space<hbm>>
      tpu.wait_dma2 semaphore(%run_scoped3A : memref<!tpu.dma_semaphore, #tpu.memory_space<semaphore_mem>>) src(%dma_wait3A_167 : memref<640x128xf32, #tpu.memory_space<hbm>>) dst(%dma_wait3A_165 : memref<640x128xf32, #tpu.memory_space<vmem_shared>>)
      tpu.yield
    }) : () -> ()
    %dma_start3A = arith.constant 0 : i32
    %dma_start3A_5 = arith.constant 0 : i32
    %dma_start3A_6 = arith.constant 0 : i32
    %dma_start3A_7 = arith.constant 0 : i32
    %dma_start3A_8 = arith.constant 0 : i32
    %dma_start3A_9 = tpu.memref_slice %arg6[%dma_start3A_5, %dma_start3A_7, %dma_start3A_8] : memref<8x2x80xi32, #tpu.memory_space<vmem>> -> memref<1x2x80xi32, #tpu.memory_space<vmem>>
    %dma_start3A_10 = tpu.memref_squeeze %dma_start3A_9 : memref<1x2x80xi32, #tpu.memory_space<vmem>> -> memref<2x80xi32, #tpu.memory_space<vmem>>
    %dma_start3A_11 = arith.constant 0 : i32
    %dma_start3A_12 = arith.constant 0 : i32
    %dma_start3A_13 = tpu.memref_slice %arg3[%add3A, %dma_start3A, %dma_start3A_11, %dma_start3A_12] : memref<32x128x2x80xi32, #tpu.memory_space<hbm>> -> memref<1x1x2x80xi32, #tpu.memory_space<hbm>>
    %dma_start3A_14 = tpu.memref_squeeze %dma_start3A_13 : memref<1x1x2x80xi32, #tpu.memory_space<hbm>> -> memref<2x80xi32, #tpu.memory_space<hbm>>
    %dma_start3A_15 = tpu.memref_slice %arg9[%dma_start3A_6] : memref<8x!tpu.dma_semaphore, #tpu.memory_space<semaphore_mem>> -> memref<1x!tpu.dma_semaphore, #tpu.memory_space<semaphore_mem>>
    %dma_start3A_16 = tpu.memref_squeeze %dma_start3A_15 : memref<1x!tpu.dma_semaphore, #tpu.memory_space<semaphore_mem>> -> memref<!tpu.dma_semaphore, #tpu.memory_space<semaphore_mem>>
    %dma_start3A_17 = arith.constant 0 : i32
    %dma_start3A_18 = arith.constant 0 : i32
    %dma_start3A_19 = tpu.memref_slice %arg6[%dma_start3A_5, %dma_start3A_17, %dma_start3A_18] : memref<8x2x80xi32, #tpu.memory_space<vmem>> -> memref<1x2x80xi32, #tpu.memory_space<vmem>>
    %dma_start3A_20 = tpu.memref_squeeze %dma_start3A_19 : memref<1x2x80xi32, #tpu.memory_space<vmem>> -> memref<2x80xi32, #tpu.memory_space<vmem>>
    %dma_start3A_21 = arith.constant 0 : i32
    %dma_start3A_22 = arith.constant 0 : i32
    %dma_start3A_23 = tpu.memref_slice %arg3[%add3A, %dma_start3A, %dma_start3A_21, %dma_start3A_22] : memref<32x128x2x80xi32, #tpu.memory_space<hbm>> -> memref<1x1x2x80xi32, #tpu.memory_space<hbm>>
    %dma_start3A_24 = tpu.memref_squeeze %dma_start3A_23 : memref<1x1x2x80xi32, #tpu.memory_space<hbm>> -> memref<2x80xi32, #tpu.memory_space<hbm>>
    tpu.enqueue_dma source(%dma_start3A_24 : memref<2x80xi32, #tpu.memory_space<hbm>>) target(%dma_start3A_20 : memref<2x80xi32, #tpu.memory_space<vmem>>) target_semaphore(%dma_start3A_16 : memref<!tpu.dma_semaphore, #tpu.memory_space<semaphore_mem>>)
    %dma_start3A_25 = arith.constant 1 : i32
    %dma_start3A_26 = arith.constant 1 : i32
    %dma_start3A_27 = arith.constant 1 : i32
    %dma_start3A_28 = arith.constant 0 : i32
    %dma_start3A_29 = arith.constant 0 : i32
    %dma_start3A_30 = tpu.memref_slice %arg6[%dma_start3A_26, %dma_start3A_28, %dma_start3A_29] : memref<8x2x80xi32, #tpu.memory_space<vmem>> -> memref<1x2x80xi32, #tpu.memory_space<vmem>>
    %dma_start3A_31 = tpu.memref_squeeze %dma_start3A_30 : memref<1x2x80xi32, #tpu.memory_space<vmem>> -> memref<2x80xi32, #tpu.memory_space<vmem>>
    %dma_start3A_32 = arith.constant 0 : i32
    %dma_start3A_33 = arith.constant 0 : i32
    %dma_start3A_34 = tpu.memref_slice %arg3[%add3A, %dma_start3A_25, %dma_start3A_32, %dma_start3A_33] : memref<32x128x2x80xi32, #tpu.memory_space<hbm>> -> memref<1x1x2x80xi32, #tpu.memory_space<hbm>>
    %dma_start3A_35 = tpu.memref_squeeze %dma_start3A_34 : memref<1x1x2x80xi32, #tpu.memory_space<hbm>> -> memref<2x80xi32, #tpu.memory_space<hbm>>
    %dma_start3A_36 = tpu.memref_slice %arg9[%dma_start3A_27] : memref<8x!tpu.dma_semaphore, #tpu.memory_space<semaphore_mem>> -> memref<1x!tpu.dma_semaphore, #tpu.memory_space<semaphore_mem>>
    %dma_start3A_37 = tpu.memref_squeeze %dma_start3A_36 : memref<1x!tpu.dma_semaphore, #tpu.memory_space<semaphore_mem>> -> memref<!tpu.dma_semaphore, #tpu.memory_space<semaphore_mem>>
    %dma_start3A_38 = arith.constant 0 : i32
    %dma_start3A_39 = arith.constant 0 : i32
    %dma_start3A_40 = tpu.memref_slice %arg6[%dma_start3A_26, %dma_start3A_38, %dma_start3A_39] : memref<8x2x80xi32, #tpu.memory_space<vmem>> -> memref<1x2x80xi32, #tpu.memory_space<vmem>>
    %dma_start3A_41 = tpu.memref_squeeze %dma_start3A_40 : memref<1x2x80xi32, #tpu.memory_space<vmem>> -> memref<2x80xi32, #tpu.memory_space<vmem>>
    %dma_start3A_42 = arith.constant 0 : i32
    %dma_start3A_43 = arith.constant 0 : i32
    %dma_start3A_44 = tpu.memref_slice %arg3[%add3A, %dma_start3A_25, %dma_start3A_42, %dma_start3A_43] : memref<32x128x2x80xi32, #tpu.memory_space<hbm>> -> memref<1x1x2x80xi32, #tpu.memory_space<hbm>>
    %dma_start3A_45 = tpu.memref_squeeze %dma_start3A_44 : memref<1x1x2x80xi32, #tpu.memory_space<hbm>> -> memref<2x80xi32, #tpu.memory_space<hbm>>
    tpu.enqueue_dma source(%dma_start3A_45 : memref<2x80xi32, #tpu.memory_space<hbm>>) target(%dma_start3A_41 : memref<2x80xi32, #tpu.memory_space<vmem>>) target_semaphore(%dma_start3A_37 : memref<!tpu.dma_semaphore, #tpu.memory_space<semaphore_mem>>)
    %dma_start3A_46 = arith.constant 2 : i32
    %dma_start3A_47 = arith.constant 2 : i32
    %dma_start3A_48 = arith.constant 2 : i32
    %dma_start3A_49 = arith.constant 0 : i32
    %dma_start3A_50 = arith.constant 0 : i32
    %dma_start3A_51 = tpu.memref_slice %arg6[%dma_start3A_47, %dma_start3A_49, %dma_start3A_50] : memref<8x2x80xi32, #tpu.memory_space<vmem>> -> memref<1x2x80xi32, #tpu.memory_space<vmem>>
    %dma_start3A_52 = tpu.memref_squeeze %dma_start3A_51 : memref<1x2x80xi32, #tpu.memory_space<vmem>> -> memref<2x80xi32, #tpu.memory_space<vmem>>
    %dma_start3A_53 = arith.constant 0 : i32
    %dma_start3A_54 = arith.constant 0 : i32
    %dma_start3A_55 = tpu.memref_slice %arg3[%add3A, %dma_start3A_46, %dma_start3A_53, %dma_start3A_54] : memref<32x128x2x80xi32, #tpu.memory_space<hbm>> -> memref<1x1x2x80xi32, #tpu.memory_space<hbm>>
    %dma_start3A_56 = tpu.memref_squeeze %dma_start3A_55 : memref<1x1x2x80xi32, #tpu.memory_space<hbm>> -> memref<2x80xi32, #tpu.memory_space<hbm>>
    %dma_start3A_57 = tpu.memref_slice %arg9[%dma_start3A_48] : memref<8x!tpu.dma_semaphore, #tpu.memory_space<semaphore_mem>> -> memref<1x!tpu.dma_semaphore, #tpu.memory_space<semaphore_mem>>
    %dma_start3A_58 = tpu.memref_squeeze %dma_start3A_57 : memref<1x!tpu.dma_semaphore, #tpu.memory_space<semaphore_mem>> -> memref<!tpu.dma_semaphore, #tpu.memory_space<semaphore_mem>>
    %dma_start3A_59 = arith.constant 0 : i32
    %dma_start3A_60 = arith.constant 0 : i32
    %dma_start3A_61 = tpu.memref_slice %arg6[%dma_start3A_47, %dma_start3A_59, %dma_start3A_60] : memref<8x2x80xi32, #tpu.memory_space<vmem>> -> memref<1x2x80xi32, #tpu.memory_space<vmem>>
    %dma_start3A_62 = tpu.memref_squeeze %dma_start3A_61 : memref<1x2x80xi32, #tpu.memory_space<vmem>> -> memref<2x80xi32, #tpu.memory_space<vmem>>
    %dma_start3A_63 = arith.constant 0 : i32
    %dma_start3A_64 = arith.constant 0 : i32
    %dma_start3A_65 = tpu.memref_slice %arg3[%add3A, %dma_start3A_46, %dma_start3A_63, %dma_start3A_64] : memref<32x128x2x80xi32, #tpu.memory_space<hbm>> -> memref<1x1x2x80xi32, #tpu.memory_space<hbm>>
    %dma_start3A_66 = tpu.memref_squeeze %dma_start3A_65 : memref<1x1x2x80xi32, #tpu.memory_space<hbm>> -> memref<2x80xi32, #tpu.memory_space<hbm>>
    tpu.enqueue_dma source(%dma_start3A_66 : memref<2x80xi32, #tpu.memory_space<hbm>>) target(%dma_start3A_62 : memref<2x80xi32, #tpu.memory_space<vmem>>) target_semaphore(%dma_start3A_58 : memref<!tpu.dma_semaphore, #tpu.memory_space<semaphore_mem>>)
    %dma_start3A_67 = arith.constant 3 : i32
    %dma_start3A_68 = arith.constant 3 : i32
    %dma_start3A_69 = arith.constant 3 : i32
    %dma_start3A_70 = arith.constant 0 : i32
    %dma_start3A_71 = arith.constant 0 : i32
    %dma_start3A_72 = tpu.memref_slice %arg6[%dma_start3A_68, %dma_start3A_70, %dma_start3A_71] : memref<8x2x80xi32, #tpu.memory_space<vmem>> -> memref<1x2x80xi32, #tpu.memory_space<vmem>>
    %dma_start3A_73 = tpu.memref_squeeze %dma_start3A_72 : memref<1x2x80xi32, #tpu.memory_space<vmem>> -> memref<2x80xi32, #tpu.memory_space<vmem>>
    %dma_start3A_74 = arith.constant 0 : i32
    %dma_start3A_75 = arith.constant 0 : i32
    %dma_start3A_76 = tpu.memref_slice %arg3[%add3A, %dma_start3A_67, %dma_start3A_74, %dma_start3A_75] : memref<32x128x2x80xi32, #tpu.memory_space<hbm>> -> memref<1x1x2x80xi32, #tpu.memory_space<hbm>>
    %dma_start3A_77 = tpu.memref_squeeze %dma_start3A_76 : memref<1x1x2x80xi32, #tpu.memory_space<hbm>> -> memref<2x80xi32, #tpu.memory_space<hbm>>
    %dma_start3A_78 = tpu.memref_slice %arg9[%dma_start3A_69] : memref<8x!tpu.dma_semaphore, #tpu.memory_space<semaphore_mem>> -> memref<1x!tpu.dma_semaphore, #tpu.memory_space<semaphore_mem>>
    %dma_start3A_79 = tpu.memref_squeeze %dma_start3A_78 : memref<1x!tpu.dma_semaphore, #tpu.memory_space<semaphore_mem>> -> memref<!tpu.dma_semaphore, #tpu.memory_space<semaphore_mem>>
    %dma_start3A_80 = arith.constant 0 : i32
    %dma_start3A_81 = arith.constant 0 : i32
    %dma_start3A_82 = tpu.memref_slice %arg6[%dma_start3A_68, %dma_start3A_80, %dma_start3A_81] : memref<8x2x80xi32, #tpu.memory_space<vmem>> -> memref<1x2x80xi32, #tpu.memory_space<vmem>>
    %dma_start3A_83 = tpu.memref_squeeze %dma_start3A_82 : memref<1x2x80xi32, #tpu.memory_space<vmem>> -> memref<2x80xi32, #tpu.memory_space<vmem>>
    %dma_start3A_84 = arith.constant 0 : i32
    %dma_start3A_85 = arith.constant 0 : i32
    %dma_start3A_86 = tpu.memref_slice %arg3[%add3A, %dma_start3A_67, %dma_start3A_84, %dma_start3A_85] : memref<32x128x2x80xi32, #tpu.memory_space<hbm>> -> memref<1x1x2x80xi32, #tpu.memory_space<hbm>>
    %dma_start3A_87 = tpu.memref_squeeze %dma_start3A_86 : memref<1x1x2x80xi32, #tpu.memory_space<hbm>> -> memref<2x80xi32, #tpu.memory_space<hbm>>
    tpu.enqueue_dma source(%dma_start3A_87 : memref<2x80xi32, #tpu.memory_space<hbm>>) target(%dma_start3A_83 : memref<2x80xi32, #tpu.memory_space<vmem>>) target_semaphore(%dma_start3A_79 : memref<!tpu.dma_semaphore, #tpu.memory_space<semaphore_mem>>)
    %barrier3A = arith.constant 0 : index
    tpu.barrier barrier_id(%barrier3A)
    %scan3A = arith.constant 0 : i32
    %scan3A_88 = arith.constant 32 : i32
    %scan3A_89 = arith.addi %scan3A, %scan3A_88 : i32
    %scan3A_90 = arith.constant 1 : i32
    scf.for %scan3A_160 = %scan3A to %scan3A_89 step %scan3A_90  : i32 {
      %mul3A_161 = arith.constant 4 : i32
      %mul3A_162 = arith.muli %scan3A_160, %mul3A_161 : i32
      %add3A_163 = arith.constant 0 : i32
      %add3A_164 = arith.addi %add3A_163, %mul3A_162 : i32
      %add3A_165 = arith.constant 0 : i32
      %add3A_166 = arith.addi %add3A_164, %add3A_165 : i32
      %jit3A = arith.constant 8 : i32
      %eq3A = arith.constant 0 : i32
      %eq3A_167 = arith.cmpi eq, %jit3A, %eq3A : i32
      %jit3A_168 = arith.constant 1 : i32
      %select_n3A = arith.select %eq3A_167, %jit3A_168, %jit3A : i32
      %rem3A = arith.remsi %add3A_166, %select_n3A : i32
      %ne3A = arith.constant 0 : i32
      %ne3A_169 = arith.cmpi ne, %rem3A, %ne3A : i32
      %lt3A = arith.constant 0 : i32
      %lt3A_170 = arith.cmpi slt, %rem3A, %lt3A : i32
      %lt3A_171 = arith.constant 0 : i32
      %lt3A_172 = arith.cmpi slt, %select_n3A, %lt3A_171 : i32
      %ne3A_173 = arith.xori %lt3A_170, %lt3A_172 : i1
      %and3A = arith.andi %ne3A_173, %ne3A_169 : i1
      %add3A_174 = arith.addi %rem3A, %select_n3A : i32
      %select_n3A_175 = arith.select %and3A, %add3A_174, %rem3A : i32
      %ge3A = arith.constant 4 : i32
      %ge3A_176 = arith.cmpi sge, %add3A_166, %ge3A : i32
      %convert_element_type3A = arith.extui %ge3A_176 : i1 to i32
      %cond3A = arith.constant 0 : i32
      %cond3A_177 = arith.cmpi ne, %convert_element_type3A, %cond3A : i32
      scf.if %cond3A_177 {
        %sub3A = arith.constant 4 : i32
        %sub3A_599 = arith.subi %add3A_166, %sub3A : i32
        %jit3A_600 = arith.constant 8 : i32
        %eq3A_601 = arith.constant 0 : i32
        %eq3A_602 = arith.cmpi eq, %jit3A_600, %eq3A_601 : i32
        %jit3A_603 = arith.constant 1 : i32
        %select_n3A_604 = arith.select %eq3A_602, %jit3A_603, %jit3A_600 : i32
        %rem3A_605 = arith.remsi %sub3A_599, %select_n3A_604 : i32
        %ne3A_606 = arith.constant 0 : i32
        %ne3A_607 = arith.cmpi ne, %rem3A_605, %ne3A_606 : i32
        %lt3A_608 = arith.constant 0 : i32
        %lt3A_609 = arith.cmpi slt, %rem3A_605, %lt3A_608 : i32
        %lt3A_610 = arith.constant 0 : i32
        %lt3A_611 = arith.cmpi slt, %select_n3A_604, %lt3A_610 : i32
        %ne3A_612 = arith.xori %lt3A_609, %lt3A_611 : i1
        %and3A_613 = arith.andi %ne3A_612, %ne3A_607 : i1
        %add3A_614 = arith.addi %rem3A_605, %select_n3A_604 : i32
        %select_n3A_615 = arith.select %and3A_613, %add3A_614, %rem3A_605 : i32
        %dma_wait3A_616 = arith.constant 0 : i32
        %dma_wait3A_617 = arith.constant 1 : i32
        %dma_wait3A_618 = arith.constant 0 : i32
        %dma_wait3A_619 = arith.constant 0 : i32
        %dma_wait3A_620 = arith.constant 0 : i32
        %dma_wait3A_621 = tpu.memref_slice %arg7[%dma_wait3A_616, %dma_wait3A_619, %dma_wait3A_620] : memref<4x80x128xf32, #tpu.memory_space<vmem>> -> memref<1x80x128xf32, #tpu.memory_space<vmem>>
        %dma_wait3A_622 = tpu.memref_squeeze %dma_wait3A_621 : memref<1x80x128xf32, #tpu.memory_space<vmem>> -> memref<80x128xf32, #tpu.memory_space<vmem>>
        %dma_wait3A_623 = arith.constant 0 : i32
        %dma_wait3A_624 = tpu.memref_slice %arg6[%select_n3A_615, %dma_wait3A_617, %dma_wait3A_623] : memref<8x2x80xi32, #tpu.memory_space<vmem>> -> memref<1x1x80xi32, #tpu.memory_space<vmem>>
        %dma_wait3A_625 = tpu.memref_squeeze %dma_wait3A_624 : memref<1x1x80xi32, #tpu.memory_space<vmem>> -> memref<80xi32, #tpu.memory_space<vmem>>
        %dma_wait3A_626 = arith.constant 0 : i32
        %dma_wait3A_627 = arith.constant 0 : i32
        %dma_wait3A_628 = tpu.memref_slice %arg8[%dma_wait3A_626, %dma_wait3A_627] : memref<10240x128xf32, #tpu.memory_space<vmem_shared>> -> memref<10240x128xf32, #tpu.memory_space<vmem_shared>>
        %dma_wait3A_629 = tpu.memref_slice %arg11[%dma_wait3A_618] : memref<4x!tpu.dma_semaphore, #tpu.memory_space<semaphore_mem>> -> memref<1x!tpu.dma_semaphore, #tpu.memory_space<semaphore_mem>>
        %dma_wait3A_630 = tpu.memref_squeeze %dma_wait3A_629 : memref<1x!tpu.dma_semaphore, #tpu.memory_space<semaphore_mem>> -> memref<!tpu.dma_semaphore, #tpu.memory_space<semaphore_mem>>
        tpu.wait_indirect_dma semaphore(%dma_wait3A_630 : memref<!tpu.dma_semaphore, #tpu.memory_space<semaphore_mem>>) src(%dma_wait3A_622 : memref<80x128xf32, #tpu.memory_space<vmem>>) dst(%dma_wait3A_628 : memref<10240x128xf32, #tpu.memory_space<vmem_shared>>)
      } else {
      }
      %add3A_178 = arith.constant 4 : i32
      %add3A_179 = arith.addi %add3A_166, %add3A_178 : i32
      %lt3A_180 = arith.constant 128 : i32
      %lt3A_181 = arith.cmpi slt, %add3A_179, %lt3A_180 : i32
      %convert_element_type3A_182 = arith.extui %lt3A_181 : i1 to i32
      %cond3A_183 = arith.constant 0 : i32
      %cond3A_184 = arith.cmpi ne, %convert_element_type3A_182, %cond3A_183 : i32
      scf.if %cond3A_184 {
        %add3A_599 = arith.constant 4 : i32
        %add3A_600 = arith.addi %add3A_166, %add3A_599 : i32
        %jit3A_601 = arith.constant 8 : i32
        %eq3A_602 = arith.constant 0 : i32
        %eq3A_603 = arith.cmpi eq, %jit3A_601, %eq3A_602 : i32
        %jit3A_604 = arith.constant 1 : i32
        %select_n3A_605 = arith.select %eq3A_603, %jit3A_604, %jit3A_601 : i32
        %rem3A_606 = arith.remsi %add3A_600, %select_n3A_605 : i32
        %ne3A_607 = arith.constant 0 : i32
        %ne3A_608 = arith.cmpi ne, %rem3A_606, %ne3A_607 : i32
        %lt3A_609 = arith.constant 0 : i32
        %lt3A_610 = arith.cmpi slt, %rem3A_606, %lt3A_609 : i32
        %lt3A_611 = arith.constant 0 : i32
        %lt3A_612 = arith.cmpi slt, %select_n3A_605, %lt3A_611 : i32
        %ne3A_613 = arith.xori %lt3A_610, %lt3A_612 : i1
        %and3A_614 = arith.andi %ne3A_613, %ne3A_608 : i1
        %add3A_615 = arith.addi %rem3A_606, %select_n3A_605 : i32
        %select_n3A_616 = arith.select %and3A_614, %add3A_615, %rem3A_606 : i32
        %add3A_617 = arith.constant 4 : i32
        %add3A_618 = arith.addi %add3A_166, %add3A_617 : i32
        %dma_start3A_619 = arith.constant 0 : i32
        %dma_start3A_620 = arith.constant 0 : i32
        %dma_start3A_621 = tpu.memref_slice %arg6[%select_n3A_616, %dma_start3A_619, %dma_start3A_620] : memref<8x2x80xi32, #tpu.memory_space<vmem>> -> memref<1x2x80xi32, #tpu.memory_space<vmem>>
        %dma_start3A_622 = tpu.memref_squeeze %dma_start3A_621 : memref<1x2x80xi32, #tpu.memory_space<vmem>> -> memref<2x80xi32, #tpu.memory_space<vmem>>
        %dma_start3A_623 = arith.constant 0 : i32
        %dma_start3A_624 = arith.constant 0 : i32
        %dma_start3A_625 = tpu.memref_slice %arg3[%add3A, %add3A_618, %dma_start3A_623, %dma_start3A_624] : memref<32x128x2x80xi32, #tpu.memory_space<hbm>> -> memref<1x1x2x80xi32, #tpu.memory_space<hbm>>
        %dma_start3A_626 = tpu.memref_squeeze %dma_start3A_625 : memref<1x1x2x80xi32, #tpu.memory_space<hbm>> -> memref<2x80xi32, #tpu.memory_space<hbm>>
        %dma_start3A_627 = tpu.memref_slice %arg9[%select_n3A_616] : memref<8x!tpu.dma_semaphore, #tpu.memory_space<semaphore_mem>> -> memref<1x!tpu.dma_semaphore, #tpu.memory_space<semaphore_mem>>
        %dma_start3A_628 = tpu.memref_squeeze %dma_start3A_627 : memref<1x!tpu.dma_semaphore, #tpu.memory_space<semaphore_mem>> -> memref<!tpu.dma_semaphore, #tpu.memory_space<semaphore_mem>>
        %dma_start3A_629 = arith.constant 0 : i32
        %dma_start3A_630 = arith.constant 0 : i32
        %dma_start3A_631 = tpu.memref_slice %arg6[%select_n3A_616, %dma_start3A_629, %dma_start3A_630] : memref<8x2x80xi32, #tpu.memory_space<vmem>> -> memref<1x2x80xi32, #tpu.memory_space<vmem>>
        %dma_start3A_632 = tpu.memref_squeeze %dma_start3A_631 : memref<1x2x80xi32, #tpu.memory_space<vmem>> -> memref<2x80xi32, #tpu.memory_space<vmem>>
        %dma_start3A_633 = arith.constant 0 : i32
        %dma_start3A_634 = arith.constant 0 : i32
        %dma_start3A_635 = tpu.memref_slice %arg3[%add3A, %add3A_618, %dma_start3A_633, %dma_start3A_634] : memref<32x128x2x80xi32, #tpu.memory_space<hbm>> -> memref<1x1x2x80xi32, #tpu.memory_space<hbm>>
        %dma_start3A_636 = tpu.memref_squeeze %dma_start3A_635 : memref<1x1x2x80xi32, #tpu.memory_space<hbm>> -> memref<2x80xi32, #tpu.memory_space<hbm>>
        tpu.enqueue_dma source(%dma_start3A_636 : memref<2x80xi32, #tpu.memory_space<hbm>>) target(%dma_start3A_632 : memref<2x80xi32, #tpu.memory_space<vmem>>) target_semaphore(%dma_start3A_628 : memref<!tpu.dma_semaphore, #tpu.memory_space<semaphore_mem>>)
      } else {
      }
      %dma_wait3A_185 = arith.constant 0 : i32
      %dma_wait3A_186 = arith.constant 0 : i32
      %dma_wait3A_187 = tpu.memref_slice %arg6[%select_n3A_175, %dma_wait3A_185, %dma_wait3A_186] : memref<8x2x80xi32, #tpu.memory_space<vmem>> -> memref<1x2x80xi32, #tpu.memory_space<vmem>>
      %dma_wait3A_188 = tpu.memref_squeeze %dma_wait3A_187 : memref<1x2x80xi32, #tpu.memory_space<vmem>> -> memref<2x80xi32, #tpu.memory_space<vmem>>
      %dma_wait3A_189 = arith.constant 0 : i32
      %dma_wait3A_190 = arith.constant 0 : i32
      %dma_wait3A_191 = tpu.memref_slice %arg3[%add3A, %add3A_166, %dma_wait3A_189, %dma_wait3A_190] : memref<32x128x2x80xi32, #tpu.memory_space<hbm>> -> memref<1x1x2x80xi32, #tpu.memory_space<hbm>>
      %dma_wait3A_192 = tpu.memref_squeeze %dma_wait3A_191 : memref<1x1x2x80xi32, #tpu.memory_space<hbm>> -> memref<2x80xi32, #tpu.memory_space<hbm>>
      %dma_wait3A_193 = tpu.memref_slice %arg9[%select_n3A_175] : memref<8x!tpu.dma_semaphore, #tpu.memory_space<semaphore_mem>> -> memref<1x!tpu.dma_semaphore, #tpu.memory_space<semaphore_mem>>
      %dma_wait3A_194 = tpu.memref_squeeze %dma_wait3A_193 : memref<1x!tpu.dma_semaphore, #tpu.memory_space<semaphore_mem>> -> memref<!tpu.dma_semaphore, #tpu.memory_space<semaphore_mem>>
      %dma_wait3A_195 = arith.constant 0 : i32
      %dma_wait3A_196 = arith.constant 0 : i32
      %dma_wait3A_197 = tpu.memref_slice %arg6[%select_n3A_175, %dma_wait3A_195, %dma_wait3A_196] : memref<8x2x80xi32, #tpu.memory_space<vmem>> -> memref<1x2x80xi32, #tpu.memory_space<vmem>>
      %dma_wait3A_198 = tpu.memref_squeeze %dma_wait3A_197 : memref<1x2x80xi32, #tpu.memory_space<vmem>> -> memref<2x80xi32, #tpu.memory_space<vmem>>
      %dma_wait3A_199 = arith.constant 0 : i32
      %dma_wait3A_200 = arith.constant 0 : i32
      %dma_wait3A_201 = tpu.memref_slice %arg3[%add3A, %add3A_166, %dma_wait3A_199, %dma_wait3A_200] : memref<32x128x2x80xi32, #tpu.memory_space<hbm>> -> memref<1x1x2x80xi32, #tpu.memory_space<hbm>>
      %dma_wait3A_202 = tpu.memref_squeeze %dma_wait3A_201 : memref<1x1x2x80xi32, #tpu.memory_space<hbm>> -> memref<2x80xi32, #tpu.memory_space<hbm>>
      tpu.wait_dma2 semaphore(%dma_wait3A_194 : memref<!tpu.dma_semaphore, #tpu.memory_space<semaphore_mem>>) src(%dma_wait3A_202 : memref<2x80xi32, #tpu.memory_space<hbm>>) dst(%dma_wait3A_198 : memref<2x80xi32, #tpu.memory_space<vmem>>)
      %dma_start3A_203 = arith.constant 0 : i32
      %dma_start3A_204 = arith.constant 0 : i32
      %dma_start3A_205 = arith.constant 0 : i32
      %dma_start3A_206 = arith.constant 0 : i32
      %dma_start3A_207 = arith.constant 0 : i32
      %dma_start3A_208 = tpu.memref_slice %arg7[%dma_start3A_204, %dma_start3A_206, %dma_start3A_207] : memref<4x80x128xf32, #tpu.memory_space<vmem>> -> memref<1x80x128xf32, #tpu.memory_space<vmem>>
      %dma_start3A_209 = tpu.memref_squeeze %dma_start3A_208 : memref<1x80x128xf32, #tpu.memory_space<vmem>> -> memref<80x128xf32, #tpu.memory_space<vmem>>
      %dma_start3A_210 = arith.constant 0 : i32
      %dma_start3A_211 = tpu.memref_slice %arg6[%select_n3A_175, %dma_start3A_203, %dma_start3A_210] : memref<8x2x80xi32, #tpu.memory_space<vmem>> -> memref<1x1x80xi32, #tpu.memory_space<vmem>>
      %dma_start3A_212 = tpu.memref_squeeze %dma_start3A_211 : memref<1x1x80xi32, #tpu.memory_space<vmem>> -> memref<80xi32, #tpu.memory_space<vmem>>
      %dma_start3A_213 = arith.constant 0 : i32
      %dma_start3A_214 = arith.constant 0 : i32
      %dma_start3A_215 = tpu.memref_slice %arg2[%dma_start3A_213, %dma_start3A_214] : memref<10240x128xf32, #tpu.memory_space<hbm>> -> memref<10240x128xf32, #tpu.memory_space<hbm>>
      %dma_start3A_216 = tpu.memref_slice %arg10[%dma_start3A_205] : memref<4x!tpu.dma_semaphore, #tpu.memory_space<semaphore_mem>> -> memref<1x!tpu.dma_semaphore, #tpu.memory_space<semaphore_mem>>
      %dma_start3A_217 = tpu.memref_squeeze %dma_start3A_216 : memref<1x!tpu.dma_semaphore, #tpu.memory_space<semaphore_mem>> -> memref<!tpu.dma_semaphore, #tpu.memory_space<semaphore_mem>>
      tpu.enqueue_indirect_dma source(%dma_start3A_215 : memref<10240x128xf32, #tpu.memory_space<hbm>>) target(%dma_start3A_209 : memref<80x128xf32, #tpu.memory_space<vmem>>) offsets(%dma_start3A_212 : memref<80xi32, #tpu.memory_space<vmem>>) semaphore(%dma_start3A_217 : memref<!tpu.dma_semaphore, #tpu.memory_space<semaphore_mem>>)
      %add3A_218 = arith.constant 1 : i32
      %add3A_219 = arith.addi %add3A_164, %add3A_218 : i32
      %jit3A_220 = arith.constant 8 : i32
      %eq3A_221 = arith.constant 0 : i32
      %eq3A_222 = arith.cmpi eq, %jit3A_220, %eq3A_221 : i32
      %jit3A_223 = arith.constant 1 : i32
      %select_n3A_224 = arith.select %eq3A_222, %jit3A_223, %jit3A_220 : i32
      %rem3A_225 = arith.remsi %add3A_219, %select_n3A_224 : i32
      %ne3A_226 = arith.constant 0 : i32
      %ne3A_227 = arith.cmpi ne, %rem3A_225, %ne3A_226 : i32
      %lt3A_228 = arith.constant 0 : i32
      %lt3A_229 = arith.cmpi slt, %rem3A_225, %lt3A_228 : i32
      %lt3A_230 = arith.constant 0 : i32
      %lt3A_231 = arith.cmpi slt, %select_n3A_224, %lt3A_230 : i32
      %ne3A_232 = arith.xori %lt3A_229, %lt3A_231 : i1
      %and3A_233 = arith.andi %ne3A_232, %ne3A_227 : i1
      %add3A_234 = arith.addi %rem3A_225, %select_n3A_224 : i32
      %select_n3A_235 = arith.select %and3A_233, %add3A_234, %rem3A_225 : i32
      %ge3A_236 = arith.constant 4 : i32
      %ge3A_237 = arith.cmpi sge, %add3A_219, %ge3A_236 : i32
      %convert_element_type3A_238 = arith.extui %ge3A_237 : i1 to i32
      %cond3A_239 = arith.constant 0 : i32
      %cond3A_240 = arith.cmpi ne, %convert_element_type3A_238, %cond3A_239 : i32
      scf.if %cond3A_240 {
        %sub3A = arith.constant 4 : i32
        %sub3A_599 = arith.subi %add3A_219, %sub3A : i32
        %jit3A_600 = arith.constant 8 : i32
        %eq3A_601 = arith.constant 0 : i32
        %eq3A_602 = arith.cmpi eq, %jit3A_600, %eq3A_601 : i32
        %jit3A_603 = arith.constant 1 : i32
        %select_n3A_604 = arith.select %eq3A_602, %jit3A_603, %jit3A_600 : i32
        %rem3A_605 = arith.remsi %sub3A_599, %select_n3A_604 : i32
        %ne3A_606 = arith.constant 0 : i32
        %ne3A_607 = arith.cmpi ne, %rem3A_605, %ne3A_606 : i32
        %lt3A_608 = arith.constant 0 : i32
        %lt3A_609 = arith.cmpi slt, %rem3A_605, %lt3A_608 : i32
        %lt3A_610 = arith.constant 0 : i32
        %lt3A_611 = arith.cmpi slt, %select_n3A_604, %lt3A_610 : i32
        %ne3A_612 = arith.xori %lt3A_609, %lt3A_611 : i1
        %and3A_613 = arith.andi %ne3A_612, %ne3A_607 : i1
        %add3A_614 = arith.addi %rem3A_605, %select_n3A_604 : i32
        %select_n3A_615 = arith.select %and3A_613, %add3A_614, %rem3A_605 : i32
        %dma_wait3A_616 = arith.constant 1 : i32
        %dma_wait3A_617 = arith.constant 1 : i32
        %dma_wait3A_618 = arith.constant 1 : i32
        %dma_wait3A_619 = arith.constant 0 : i32
        %dma_wait3A_620 = arith.constant 0 : i32
        %dma_wait3A_621 = tpu.memref_slice %arg7[%dma_wait3A_616, %dma_wait3A_619, %dma_wait3A_620] : memref<4x80x128xf32, #tpu.memory_space<vmem>> -> memref<1x80x128xf32, #tpu.memory_space<vmem>>
        %dma_wait3A_622 = tpu.memref_squeeze %dma_wait3A_621 : memref<1x80x128xf32, #tpu.memory_space<vmem>> -> memref<80x128xf32, #tpu.memory_space<vmem>>
        %dma_wait3A_623 = arith.constant 0 : i32
        %dma_wait3A_624 = tpu.memref_slice %arg6[%select_n3A_615, %dma_wait3A_617, %dma_wait3A_623] : memref<8x2x80xi32, #tpu.memory_space<vmem>> -> memref<1x1x80xi32, #tpu.memory_space<vmem>>
        %dma_wait3A_625 = tpu.memref_squeeze %dma_wait3A_624 : memref<1x1x80xi32, #tpu.memory_space<vmem>> -> memref<80xi32, #tpu.memory_space<vmem>>
        %dma_wait3A_626 = arith.constant 0 : i32
        %dma_wait3A_627 = arith.constant 0 : i32
        %dma_wait3A_628 = tpu.memref_slice %arg8[%dma_wait3A_626, %dma_wait3A_627] : memref<10240x128xf32, #tpu.memory_space<vmem_shared>> -> memref<10240x128xf32, #tpu.memory_space<vmem_shared>>
        %dma_wait3A_629 = tpu.memref_slice %arg11[%dma_wait3A_618] : memref<4x!tpu.dma_semaphore, #tpu.memory_space<semaphore_mem>> -> memref<1x!tpu.dma_semaphore, #tpu.memory_space<semaphore_mem>>
        %dma_wait3A_630 = tpu.memref_squeeze %dma_wait3A_629 : memref<1x!tpu.dma_semaphore, #tpu.memory_space<semaphore_mem>> -> memref<!tpu.dma_semaphore, #tpu.memory_space<semaphore_mem>>
        tpu.wait_indirect_dma semaphore(%dma_wait3A_630 : memref<!tpu.dma_semaphore, #tpu.memory_space<semaphore_mem>>) src(%dma_wait3A_622 : memref<80x128xf32, #tpu.memory_space<vmem>>) dst(%dma_wait3A_628 : memref<10240x128xf32, #tpu.memory_space<vmem_shared>>)
      } else {
      }
      %add3A_241 = arith.constant 4 : i32
      %add3A_242 = arith.addi %add3A_219, %add3A_241 : i32
      %lt3A_243 = arith.constant 128 : i32
      %lt3A_244 = arith.cmpi slt, %add3A_242, %lt3A_243 : i32
      %convert_element_type3A_245 = arith.extui %lt3A_244 : i1 to i32
      %cond3A_246 = arith.constant 0 : i32
      %cond3A_247 = arith.cmpi ne, %convert_element_type3A_245, %cond3A_246 : i32
      scf.if %cond3A_247 {
        %add3A_599 = arith.constant 4 : i32
        %add3A_600 = arith.addi %add3A_219, %add3A_599 : i32
        %jit3A_601 = arith.constant 8 : i32
        %eq3A_602 = arith.constant 0 : i32
        %eq3A_603 = arith.cmpi eq, %jit3A_601, %eq3A_602 : i32
        %jit3A_604 = arith.constant 1 : i32
        %select_n3A_605 = arith.select %eq3A_603, %jit3A_604, %jit3A_601 : i32
        %rem3A_606 = arith.remsi %add3A_600, %select_n3A_605 : i32
        %ne3A_607 = arith.constant 0 : i32
        %ne3A_608 = arith.cmpi ne, %rem3A_606, %ne3A_607 : i32
        %lt3A_609 = arith.constant 0 : i32
        %lt3A_610 = arith.cmpi slt, %rem3A_606, %lt3A_609 : i32
        %lt3A_611 = arith.constant 0 : i32
        %lt3A_612 = arith.cmpi slt, %select_n3A_605, %lt3A_611 : i32
        %ne3A_613 = arith.xori %lt3A_610, %lt3A_612 : i1
        %and3A_614 = arith.andi %ne3A_613, %ne3A_608 : i1
        %add3A_615 = arith.addi %rem3A_606, %select_n3A_605 : i32
        %select_n3A_616 = arith.select %and3A_614, %add3A_615, %rem3A_606 : i32
        %add3A_617 = arith.constant 4 : i32
        %add3A_618 = arith.addi %add3A_219, %add3A_617 : i32
        %dma_start3A_619 = arith.constant 0 : i32
        %dma_start3A_620 = arith.constant 0 : i32
        %dma_start3A_621 = tpu.memref_slice %arg6[%select_n3A_616, %dma_start3A_619, %dma_start3A_620] : memref<8x2x80xi32, #tpu.memory_space<vmem>> -> memref<1x2x80xi32, #tpu.memory_space<vmem>>
        %dma_start3A_622 = tpu.memref_squeeze %dma_start3A_621 : memref<1x2x80xi32, #tpu.memory_space<vmem>> -> memref<2x80xi32, #tpu.memory_space<vmem>>
        %dma_start3A_623 = arith.constant 0 : i32
        %dma_start3A_624 = arith.constant 0 : i32
        %dma_start3A_625 = tpu.memref_slice %arg3[%add3A, %add3A_618, %dma_start3A_623, %dma_start3A_624] : memref<32x128x2x80xi32, #tpu.memory_space<hbm>> -> memref<1x1x2x80xi32, #tpu.memory_space<hbm>>
        %dma_start3A_626 = tpu.memref_squeeze %dma_start3A_625 : memref<1x1x2x80xi32, #tpu.memory_space<hbm>> -> memref<2x80xi32, #tpu.memory_space<hbm>>
        %dma_start3A_627 = tpu.memref_slice %arg9[%select_n3A_616] : memref<8x!tpu.dma_semaphore, #tpu.memory_space<semaphore_mem>> -> memref<1x!tpu.dma_semaphore, #tpu.memory_space<semaphore_mem>>
        %dma_start3A_628 = tpu.memref_squeeze %dma_start3A_627 : memref<1x!tpu.dma_semaphore, #tpu.memory_space<semaphore_mem>> -> memref<!tpu.dma_semaphore, #tpu.memory_space<semaphore_mem>>
        %dma_start3A_629 = arith.constant 0 : i32
        %dma_start3A_630 = arith.constant 0 : i32
        %dma_start3A_631 = tpu.memref_slice %arg6[%select_n3A_616, %dma_start3A_629, %dma_start3A_630] : memref<8x2x80xi32, #tpu.memory_space<vmem>> -> memref<1x2x80xi32, #tpu.memory_space<vmem>>
        %dma_start3A_632 = tpu.memref_squeeze %dma_start3A_631 : memref<1x2x80xi32, #tpu.memory_space<vmem>> -> memref<2x80xi32, #tpu.memory_space<vmem>>
        %dma_start3A_633 = arith.constant 0 : i32
        %dma_start3A_634 = arith.constant 0 : i32
        %dma_start3A_635 = tpu.memref_slice %arg3[%add3A, %add3A_618, %dma_start3A_633, %dma_start3A_634] : memref<32x128x2x80xi32, #tpu.memory_space<hbm>> -> memref<1x1x2x80xi32, #tpu.memory_space<hbm>>
        %dma_start3A_636 = tpu.memref_squeeze %dma_start3A_635 : memref<1x1x2x80xi32, #tpu.memory_space<hbm>> -> memref<2x80xi32, #tpu.memory_space<hbm>>
        tpu.enqueue_dma source(%dma_start3A_636 : memref<2x80xi32, #tpu.memory_space<hbm>>) target(%dma_start3A_632 : memref<2x80xi32, #tpu.memory_space<vmem>>) target_semaphore(%dma_start3A_628 : memref<!tpu.dma_semaphore, #tpu.memory_space<semaphore_mem>>)
      } else {
      }
      %dma_wait3A_248 = arith.constant 0 : i32
      %dma_wait3A_249 = arith.constant 0 : i32
      %dma_wait3A_250 = tpu.memref_slice %arg6[%select_n3A_235, %dma_wait3A_248, %dma_wait3A_249] : memref<8x2x80xi32, #tpu.memory_space<vmem>> -> memref<1x2x80xi32, #tpu.memory_space<vmem>>
      %dma_wait3A_251 = tpu.memref_squeeze %dma_wait3A_250 : memref<1x2x80xi32, #tpu.memory_space<vmem>> -> memref<2x80xi32, #tpu.memory_space<vmem>>
      %dma_wait3A_252 = arith.constant 0 : i32
      %dma_wait3A_253 = arith.constant 0 : i32
      %dma_wait3A_254 = tpu.memref_slice %arg3[%add3A, %add3A_219, %dma_wait3A_252, %dma_wait3A_253] : memref<32x128x2x80xi32, #tpu.memory_space<hbm>> -> memref<1x1x2x80xi32, #tpu.memory_space<hbm>>
      %dma_wait3A_255 = tpu.memref_squeeze %dma_wait3A_254 : memref<1x1x2x80xi32, #tpu.memory_space<hbm>> -> memref<2x80xi32, #tpu.memory_space<hbm>>
      %dma_wait3A_256 = tpu.memref_slice %arg9[%select_n3A_235] : memref<8x!tpu.dma_semaphore, #tpu.memory_space<semaphore_mem>> -> memref<1x!tpu.dma_semaphore, #tpu.memory_space<semaphore_mem>>
      %dma_wait3A_257 = tpu.memref_squeeze %dma_wait3A_256 : memref<1x!tpu.dma_semaphore, #tpu.memory_space<semaphore_mem>> -> memref<!tpu.dma_semaphore, #tpu.memory_space<semaphore_mem>>
      %dma_wait3A_258 = arith.constant 0 : i32
      %dma_wait3A_259 = arith.constant 0 : i32
      %dma_wait3A_260 = tpu.memref_slice %arg6[%select_n3A_235, %dma_wait3A_258, %dma_wait3A_259] : memref<8x2x80xi32, #tpu.memory_space<vmem>> -> memref<1x2x80xi32, #tpu.memory_space<vmem>>
      %dma_wait3A_261 = tpu.memref_squeeze %dma_wait3A_260 : memref<1x2x80xi32, #tpu.memory_space<vmem>> -> memref<2x80xi32, #tpu.memory_space<vmem>>
      %dma_wait3A_262 = arith.constant 0 : i32
      %dma_wait3A_263 = arith.constant 0 : i32
      %dma_wait3A_264 = tpu.memref_slice %arg3[%add3A, %add3A_219, %dma_wait3A_262, %dma_wait3A_263] : memref<32x128x2x80xi32, #tpu.memory_space<hbm>> -> memref<1x1x2x80xi32, #tpu.memory_space<hbm>>
      %dma_wait3A_265 = tpu.memref_squeeze %dma_wait3A_264 : memref<1x1x2x80xi32, #tpu.memory_space<hbm>> -> memref<2x80xi32, #tpu.memory_space<hbm>>
      tpu.wait_dma2 semaphore(%dma_wait3A_257 : memref<!tpu.dma_semaphore, #tpu.memory_space<semaphore_mem>>) src(%dma_wait3A_265 : memref<2x80xi32, #tpu.memory_space<hbm>>) dst(%dma_wait3A_261 : memref<2x80xi32, #tpu.memory_space<vmem>>)
      %dma_start3A_266 = arith.constant 0 : i32
      %dma_start3A_267 = arith.constant 1 : i32
      %dma_start3A_268 = arith.constant 1 : i32
      %dma_start3A_269 = arith.constant 0 : i32
      %dma_start3A_270 = arith.constant 0 : i32
      %dma_start3A_271 = tpu.memref_slice %arg7[%dma_start3A_267, %dma_start3A_269, %dma_start3A_270] : memref<4x80x128xf32, #tpu.memory_space<vmem>> -> memref<1x80x128xf32, #tpu.memory_space<vmem>>
      %dma_start3A_272 = tpu.memref_squeeze %dma_start3A_271 : memref<1x80x128xf32, #tpu.memory_space<vmem>> -> memref<80x128xf32, #tpu.memory_space<vmem>>
      %dma_start3A_273 = arith.constant 0 : i32
      %dma_start3A_274 = tpu.memref_slice %arg6[%select_n3A_235, %dma_start3A_266, %dma_start3A_273] : memref<8x2x80xi32, #tpu.memory_space<vmem>> -> memref<1x1x80xi32, #tpu.memory_space<vmem>>
      %dma_start3A_275 = tpu.memref_squeeze %dma_start3A_274 : memref<1x1x80xi32, #tpu.memory_space<vmem>> -> memref<80xi32, #tpu.memory_space<vmem>>
      %dma_start3A_276 = arith.constant 0 : i32
      %dma_start3A_277 = arith.constant 0 : i32
      %dma_start3A_278 = tpu.memref_slice %arg2[%dma_start3A_276, %dma_start3A_277] : memref<10240x128xf32, #tpu.memory_space<hbm>> -> memref<10240x128xf32, #tpu.memory_space<hbm>>
      %dma_start3A_279 = tpu.memref_slice %arg10[%dma_start3A_268] : memref<4x!tpu.dma_semaphore, #tpu.memory_space<semaphore_mem>> -> memref<1x!tpu.dma_semaphore, #tpu.memory_space<semaphore_mem>>
      %dma_start3A_280 = tpu.memref_squeeze %dma_start3A_279 : memref<1x!tpu.dma_semaphore, #tpu.memory_space<semaphore_mem>> -> memref<!tpu.dma_semaphore, #tpu.memory_space<semaphore_mem>>
      tpu.enqueue_indirect_dma source(%dma_start3A_278 : memref<10240x128xf32, #tpu.memory_space<hbm>>) target(%dma_start3A_272 : memref<80x128xf32, #tpu.memory_space<vmem>>) offsets(%dma_start3A_275 : memref<80xi32, #tpu.memory_space<vmem>>) semaphore(%dma_start3A_280 : memref<!tpu.dma_semaphore, #tpu.memory_space<semaphore_mem>>)
      %add3A_281 = arith.constant 2 : i32
      %add3A_282 = arith.addi %add3A_164, %add3A_281 : i32
      %jit3A_283 = arith.constant 8 : i32
      %eq3A_284 = arith.constant 0 : i32
      %eq3A_285 = arith.cmpi eq, %jit3A_283, %eq3A_284 : i32
      %jit3A_286 = arith.constant 1 : i32
      %select_n3A_287 = arith.select %eq3A_285, %jit3A_286, %jit3A_283 : i32
      %rem3A_288 = arith.remsi %add3A_282, %select_n3A_287 : i32
      %ne3A_289 = arith.constant 0 : i32
      %ne3A_290 = arith.cmpi ne, %rem3A_288, %ne3A_289 : i32
      %lt3A_291 = arith.constant 0 : i32
      %lt3A_292 = arith.cmpi slt, %rem3A_288, %lt3A_291 : i32
      %lt3A_293 = arith.constant 0 : i32
      %lt3A_294 = arith.cmpi slt, %select_n3A_287, %lt3A_293 : i32
      %ne3A_295 = arith.xori %lt3A_292, %lt3A_294 : i1
      %and3A_296 = arith.andi %ne3A_295, %ne3A_290 : i1
      %add3A_297 = arith.addi %rem3A_288, %select_n3A_287 : i32
      %select_n3A_298 = arith.select %and3A_296, %add3A_297, %rem3A_288 : i32
      %ge3A_299 = arith.constant 4 : i32
      %ge3A_300 = arith.cmpi sge, %add3A_282, %ge3A_299 : i32
      %convert_element_type3A_301 = arith.extui %ge3A_300 : i1 to i32
      %cond3A_302 = arith.constant 0 : i32
      %cond3A_303 = arith.cmpi ne, %convert_element_type3A_301, %cond3A_302 : i32
      scf.if %cond3A_303 {
        %sub3A = arith.constant 4 : i32
        %sub3A_599 = arith.subi %add3A_282, %sub3A : i32
        %jit3A_600 = arith.constant 8 : i32
        %eq3A_601 = arith.constant 0 : i32
        %eq3A_602 = arith.cmpi eq, %jit3A_600, %eq3A_601 : i32
        %jit3A_603 = arith.constant 1 : i32
        %select_n3A_604 = arith.select %eq3A_602, %jit3A_603, %jit3A_600 : i32
        %rem3A_605 = arith.remsi %sub3A_599, %select_n3A_604 : i32
        %ne3A_606 = arith.constant 0 : i32
        %ne3A_607 = arith.cmpi ne, %rem3A_605, %ne3A_606 : i32
        %lt3A_608 = arith.constant 0 : i32
        %lt3A_609 = arith.cmpi slt, %rem3A_605, %lt3A_608 : i32
        %lt3A_610 = arith.constant 0 : i32
        %lt3A_611 = arith.cmpi slt, %select_n3A_604, %lt3A_610 : i32
        %ne3A_612 = arith.xori %lt3A_609, %lt3A_611 : i1
        %and3A_613 = arith.andi %ne3A_612, %ne3A_607 : i1
        %add3A_614 = arith.addi %rem3A_605, %select_n3A_604 : i32
        %select_n3A_615 = arith.select %and3A_613, %add3A_614, %rem3A_605 : i32
        %dma_wait3A_616 = arith.constant 2 : i32
        %dma_wait3A_617 = arith.constant 1 : i32
        %dma_wait3A_618 = arith.constant 2 : i32
        %dma_wait3A_619 = arith.constant 0 : i32
        %dma_wait3A_620 = arith.constant 0 : i32
        %dma_wait3A_621 = tpu.memref_slice %arg7[%dma_wait3A_616, %dma_wait3A_619, %dma_wait3A_620] : memref<4x80x128xf32, #tpu.memory_space<vmem>> -> memref<1x80x128xf32, #tpu.memory_space<vmem>>
        %dma_wait3A_622 = tpu.memref_squeeze %dma_wait3A_621 : memref<1x80x128xf32, #tpu.memory_space<vmem>> -> memref<80x128xf32, #tpu.memory_space<vmem>>
        %dma_wait3A_623 = arith.constant 0 : i32
        %dma_wait3A_624 = tpu.memref_slice %arg6[%select_n3A_615, %dma_wait3A_617, %dma_wait3A_623] : memref<8x2x80xi32, #tpu.memory_space<vmem>> -> memref<1x1x80xi32, #tpu.memory_space<vmem>>
        %dma_wait3A_625 = tpu.memref_squeeze %dma_wait3A_624 : memref<1x1x80xi32, #tpu.memory_space<vmem>> -> memref<80xi32, #tpu.memory_space<vmem>>
        %dma_wait3A_626 = arith.constant 0 : i32
        %dma_wait3A_627 = arith.constant 0 : i32
        %dma_wait3A_628 = tpu.memref_slice %arg8[%dma_wait3A_626, %dma_wait3A_627] : memref<10240x128xf32, #tpu.memory_space<vmem_shared>> -> memref<10240x128xf32, #tpu.memory_space<vmem_shared>>
        %dma_wait3A_629 = tpu.memref_slice %arg11[%dma_wait3A_618] : memref<4x!tpu.dma_semaphore, #tpu.memory_space<semaphore_mem>> -> memref<1x!tpu.dma_semaphore, #tpu.memory_space<semaphore_mem>>
        %dma_wait3A_630 = tpu.memref_squeeze %dma_wait3A_629 : memref<1x!tpu.dma_semaphore, #tpu.memory_space<semaphore_mem>> -> memref<!tpu.dma_semaphore, #tpu.memory_space<semaphore_mem>>
        tpu.wait_indirect_dma semaphore(%dma_wait3A_630 : memref<!tpu.dma_semaphore, #tpu.memory_space<semaphore_mem>>) src(%dma_wait3A_622 : memref<80x128xf32, #tpu.memory_space<vmem>>) dst(%dma_wait3A_628 : memref<10240x128xf32, #tpu.memory_space<vmem_shared>>)
      } else {
      }
      %add3A_304 = arith.constant 4 : i32
      %add3A_305 = arith.addi %add3A_282, %add3A_304 : i32
      %lt3A_306 = arith.constant 128 : i32
      %lt3A_307 = arith.cmpi slt, %add3A_305, %lt3A_306 : i32
      %convert_element_type3A_308 = arith.extui %lt3A_307 : i1 to i32
      %cond3A_309 = arith.constant 0 : i32
      %cond3A_310 = arith.cmpi ne, %convert_element_type3A_308, %cond3A_309 : i32
      scf.if %cond3A_310 {
        %add3A_599 = arith.constant 4 : i32
        %add3A_600 = arith.addi %add3A_282, %add3A_599 : i32
        %jit3A_601 = arith.constant 8 : i32
        %eq3A_602 = arith.constant 0 : i32
        %eq3A_603 = arith.cmpi eq, %jit3A_601, %eq3A_602 : i32
        %jit3A_604 = arith.constant 1 : i32
        %select_n3A_605 = arith.select %eq3A_603, %jit3A_604, %jit3A_601 : i32
        %rem3A_606 = arith.remsi %add3A_600, %select_n3A_605 : i32
        %ne3A_607 = arith.constant 0 : i32
        %ne3A_608 = arith.cmpi ne, %rem3A_606, %ne3A_607 : i32
        %lt3A_609 = arith.constant 0 : i32
        %lt3A_610 = arith.cmpi slt, %rem3A_606, %lt3A_609 : i32
        %lt3A_611 = arith.constant 0 : i32
        %lt3A_612 = arith.cmpi slt, %select_n3A_605, %lt3A_611 : i32
        %ne3A_613 = arith.xori %lt3A_610, %lt3A_612 : i1
        %and3A_614 = arith.andi %ne3A_613, %ne3A_608 : i1
        %add3A_615 = arith.addi %rem3A_606, %select_n3A_605 : i32
        %select_n3A_616 = arith.select %and3A_614, %add3A_615, %rem3A_606 : i32
        %add3A_617 = arith.constant 4 : i32
        %add3A_618 = arith.addi %add3A_282, %add3A_617 : i32
        %dma_start3A_619 = arith.constant 0 : i32
        %dma_start3A_620 = arith.constant 0 : i32
        %dma_start3A_621 = tpu.memref_slice %arg6[%select_n3A_616, %dma_start3A_619, %dma_start3A_620] : memref<8x2x80xi32, #tpu.memory_space<vmem>> -> memref<1x2x80xi32, #tpu.memory_space<vmem>>
        %dma_start3A_622 = tpu.memref_squeeze %dma_start3A_621 : memref<1x2x80xi32, #tpu.memory_space<vmem>> -> memref<2x80xi32, #tpu.memory_space<vmem>>
        %dma_start3A_623 = arith.constant 0 : i32
        %dma_start3A_624 = arith.constant 0 : i32
        %dma_start3A_625 = tpu.memref_slice %arg3[%add3A, %add3A_618, %dma_start3A_623, %dma_start3A_624] : memref<32x128x2x80xi32, #tpu.memory_space<hbm>> -> memref<1x1x2x80xi32, #tpu.memory_space<hbm>>
        %dma_start3A_626 = tpu.memref_squeeze %dma_start3A_625 : memref<1x1x2x80xi32, #tpu.memory_space<hbm>> -> memref<2x80xi32, #tpu.memory_space<hbm>>
        %dma_start3A_627 = tpu.memref_slice %arg9[%select_n3A_616] : memref<8x!tpu.dma_semaphore, #tpu.memory_space<semaphore_mem>> -> memref<1x!tpu.dma_semaphore, #tpu.memory_space<semaphore_mem>>
        %dma_start3A_628 = tpu.memref_squeeze %dma_start3A_627 : memref<1x!tpu.dma_semaphore, #tpu.memory_space<semaphore_mem>> -> memref<!tpu.dma_semaphore, #tpu.memory_space<semaphore_mem>>
        %dma_start3A_629 = arith.constant 0 : i32
        %dma_start3A_630 = arith.constant 0 : i32
        %dma_start3A_631 = tpu.memref_slice %arg6[%select_n3A_616, %dma_start3A_629, %dma_start3A_630] : memref<8x2x80xi32, #tpu.memory_space<vmem>> -> memref<1x2x80xi32, #tpu.memory_space<vmem>>
        %dma_start3A_632 = tpu.memref_squeeze %dma_start3A_631 : memref<1x2x80xi32, #tpu.memory_space<vmem>> -> memref<2x80xi32, #tpu.memory_space<vmem>>
        %dma_start3A_633 = arith.constant 0 : i32
        %dma_start3A_634 = arith.constant 0 : i32
        %dma_start3A_635 = tpu.memref_slice %arg3[%add3A, %add3A_618, %dma_start3A_633, %dma_start3A_634] : memref<32x128x2x80xi32, #tpu.memory_space<hbm>> -> memref<1x1x2x80xi32, #tpu.memory_space<hbm>>
        %dma_start3A_636 = tpu.memref_squeeze %dma_start3A_635 : memref<1x1x2x80xi32, #tpu.memory_space<hbm>> -> memref<2x80xi32, #tpu.memory_space<hbm>>
        tpu.enqueue_dma source(%dma_start3A_636 : memref<2x80xi32, #tpu.memory_space<hbm>>) target(%dma_start3A_632 : memref<2x80xi32, #tpu.memory_space<vmem>>) target_semaphore(%dma_start3A_628 : memref<!tpu.dma_semaphore, #tpu.memory_space<semaphore_mem>>)
      } else {
      }
      %dma_wait3A_311 = arith.constant 0 : i32
      %dma_wait3A_312 = arith.constant 0 : i32
      %dma_wait3A_313 = tpu.memref_slice %arg6[%select_n3A_298, %dma_wait3A_311, %dma_wait3A_312] : memref<8x2x80xi32, #tpu.memory_space<vmem>> -> memref<1x2x80xi32, #tpu.memory_space<vmem>>
      %dma_wait3A_314 = tpu.memref_squeeze %dma_wait3A_313 : memref<1x2x80xi32, #tpu.memory_space<vmem>> -> memref<2x80xi32, #tpu.memory_space<vmem>>
      %dma_wait3A_315 = arith.constant 0 : i32
      %dma_wait3A_316 = arith.constant 0 : i32
      %dma_wait3A_317 = tpu.memref_slice %arg3[%add3A, %add3A_282, %dma_wait3A_315, %dma_wait3A_316] : memref<32x128x2x80xi32, #tpu.memory_space<hbm>> -> memref<1x1x2x80xi32, #tpu.memory_space<hbm>>
      %dma_wait3A_318 = tpu.memref_squeeze %dma_wait3A_317 : memref<1x1x2x80xi32, #tpu.memory_space<hbm>> -> memref<2x80xi32, #tpu.memory_space<hbm>>
      %dma_wait3A_319 = tpu.memref_slice %arg9[%select_n3A_298] : memref<8x!tpu.dma_semaphore, #tpu.memory_space<semaphore_mem>> -> memref<1x!tpu.dma_semaphore, #tpu.memory_space<semaphore_mem>>
      %dma_wait3A_320 = tpu.memref_squeeze %dma_wait3A_319 : memref<1x!tpu.dma_semaphore, #tpu.memory_space<semaphore_mem>> -> memref<!tpu.dma_semaphore, #tpu.memory_space<semaphore_mem>>
      %dma_wait3A_321 = arith.constant 0 : i32
      %dma_wait3A_322 = arith.constant 0 : i32
      %dma_wait3A_323 = tpu.memref_slice %arg6[%select_n3A_298, %dma_wait3A_321, %dma_wait3A_322] : memref<8x2x80xi32, #tpu.memory_space<vmem>> -> memref<1x2x80xi32, #tpu.memory_space<vmem>>
      %dma_wait3A_324 = tpu.memref_squeeze %dma_wait3A_323 : memref<1x2x80xi32, #tpu.memory_space<vmem>> -> memref<2x80xi32, #tpu.memory_space<vmem>>
      %dma_wait3A_325 = arith.constant 0 : i32
      %dma_wait3A_326 = arith.constant 0 : i32
      %dma_wait3A_327 = tpu.memref_slice %arg3[%add3A, %add3A_282, %dma_wait3A_325, %dma_wait3A_326] : memref<32x128x2x80xi32, #tpu.memory_space<hbm>> -> memref<1x1x2x80xi32, #tpu.memory_space<hbm>>
      %dma_wait3A_328 = tpu.memref_squeeze %dma_wait3A_327 : memref<1x1x2x80xi32, #tpu.memory_space<hbm>> -> memref<2x80xi32, #tpu.memory_space<hbm>>
      tpu.wait_dma2 semaphore(%dma_wait3A_320 : memref<!tpu.dma_semaphore, #tpu.memory_space<semaphore_mem>>) src(%dma_wait3A_328 : memref<2x80xi32, #tpu.memory_space<hbm>>) dst(%dma_wait3A_324 : memref<2x80xi32, #tpu.memory_space<vmem>>)
      %dma_start3A_329 = arith.constant 0 : i32
      %dma_start3A_330 = arith.constant 2 : i32
      %dma_start3A_331 = arith.constant 2 : i32
      %dma_start3A_332 = arith.constant 0 : i32
      %dma_start3A_333 = arith.constant 0 : i32
      %dma_start3A_334 = tpu.memref_slice %arg7[%dma_start3A_330, %dma_start3A_332, %dma_start3A_333] : memref<4x80x128xf32, #tpu.memory_space<vmem>> -> memref<1x80x128xf32, #tpu.memory_space<vmem>>
      %dma_start3A_335 = tpu.memref_squeeze %dma_start3A_334 : memref<1x80x128xf32, #tpu.memory_space<vmem>> -> memref<80x128xf32, #tpu.memory_space<vmem>>
      %dma_start3A_336 = arith.constant 0 : i32
      %dma_start3A_337 = tpu.memref_slice %arg6[%select_n3A_298, %dma_start3A_329, %dma_start3A_336] : memref<8x2x80xi32, #tpu.memory_space<vmem>> -> memref<1x1x80xi32, #tpu.memory_space<vmem>>
      %dma_start3A_338 = tpu.memref_squeeze %dma_start3A_337 : memref<1x1x80xi32, #tpu.memory_space<vmem>> -> memref<80xi32, #tpu.memory_space<vmem>>
      %dma_start3A_339 = arith.constant 0 : i32
      %dma_start3A_340 = arith.constant 0 : i32
      %dma_start3A_341 = tpu.memref_slice %arg2[%dma_start3A_339, %dma_start3A_340] : memref<10240x128xf32, #tpu.memory_space<hbm>> -> memref<10240x128xf32, #tpu.memory_space<hbm>>
      %dma_start3A_342 = tpu.memref_slice %arg10[%dma_start3A_331] : memref<4x!tpu.dma_semaphore, #tpu.memory_space<semaphore_mem>> -> memref<1x!tpu.dma_semaphore, #tpu.memory_space<semaphore_mem>>
      %dma_start3A_343 = tpu.memref_squeeze %dma_start3A_342 : memref<1x!tpu.dma_semaphore, #tpu.memory_space<semaphore_mem>> -> memref<!tpu.dma_semaphore, #tpu.memory_space<semaphore_mem>>
      tpu.enqueue_indirect_dma source(%dma_start3A_341 : memref<10240x128xf32, #tpu.memory_space<hbm>>) target(%dma_start3A_335 : memref<80x128xf32, #tpu.memory_space<vmem>>) offsets(%dma_start3A_338 : memref<80xi32, #tpu.memory_space<vmem>>) semaphore(%dma_start3A_343 : memref<!tpu.dma_semaphore, #tpu.memory_space<semaphore_mem>>)
      %add3A_344 = arith.constant 3 : i32
      %add3A_345 = arith.addi %add3A_164, %add3A_344 : i32
      %jit3A_346 = arith.constant 8 : i32
      %eq3A_347 = arith.constant 0 : i32
      %eq3A_348 = arith.cmpi eq, %jit3A_346, %eq3A_347 : i32
      %jit3A_349 = arith.constant 1 : i32
      %select_n3A_350 = arith.select %eq3A_348, %jit3A_349, %jit3A_346 : i32
      %rem3A_351 = arith.remsi %add3A_345, %select_n3A_350 : i32
      %ne3A_352 = arith.constant 0 : i32
      %ne3A_353 = arith.cmpi ne, %rem3A_351, %ne3A_352 : i32
      %lt3A_354 = arith.constant 0 : i32
      %lt3A_355 = arith.cmpi slt, %rem3A_351, %lt3A_354 : i32
      %lt3A_356 = arith.constant 0 : i32
      %lt3A_357 = arith.cmpi slt, %select_n3A_350, %lt3A_356 : i32
      %ne3A_358 = arith.xori %lt3A_355, %lt3A_357 : i1
      %and3A_359 = arith.andi %ne3A_358, %ne3A_353 : i1
      %add3A_360 = arith.addi %rem3A_351, %select_n3A_350 : i32
      %select_n3A_361 = arith.select %and3A_359, %add3A_360, %rem3A_351 : i32
      %ge3A_362 = arith.constant 4 : i32
      %ge3A_363 = arith.cmpi sge, %add3A_345, %ge3A_362 : i32
      %convert_element_type3A_364 = arith.extui %ge3A_363 : i1 to i32
      %cond3A_365 = arith.constant 0 : i32
      %cond3A_366 = arith.cmpi ne, %convert_element_type3A_364, %cond3A_365 : i32
      scf.if %cond3A_366 {
        %sub3A = arith.constant 4 : i32
        %sub3A_599 = arith.subi %add3A_345, %sub3A : i32
        %jit3A_600 = arith.constant 8 : i32
        %eq3A_601 = arith.constant 0 : i32
        %eq3A_602 = arith.cmpi eq, %jit3A_600, %eq3A_601 : i32
        %jit3A_603 = arith.constant 1 : i32
        %select_n3A_604 = arith.select %eq3A_602, %jit3A_603, %jit3A_600 : i32
        %rem3A_605 = arith.remsi %sub3A_599, %select_n3A_604 : i32
        %ne3A_606 = arith.constant 0 : i32
        %ne3A_607 = arith.cmpi ne, %rem3A_605, %ne3A_606 : i32
        %lt3A_608 = arith.constant 0 : i32
        %lt3A_609 = arith.cmpi slt, %rem3A_605, %lt3A_608 : i32
        %lt3A_610 = arith.constant 0 : i32
        %lt3A_611 = arith.cmpi slt, %select_n3A_604, %lt3A_610 : i32
        %ne3A_612 = arith.xori %lt3A_609, %lt3A_611 : i1
        %and3A_613 = arith.andi %ne3A_612, %ne3A_607 : i1
        %add3A_614 = arith.addi %rem3A_605, %select_n3A_604 : i32
        %select_n3A_615 = arith.select %and3A_613, %add3A_614, %rem3A_605 : i32
        %dma_wait3A_616 = arith.constant 3 : i32
        %dma_wait3A_617 = arith.constant 1 : i32
        %dma_wait3A_618 = arith.constant 3 : i32
        %dma_wait3A_619 = arith.constant 0 : i32
        %dma_wait3A_620 = arith.constant 0 : i32
        %dma_wait3A_621 = tpu.memref_slice %arg7[%dma_wait3A_616, %dma_wait3A_619, %dma_wait3A_620] : memref<4x80x128xf32, #tpu.memory_space<vmem>> -> memref<1x80x128xf32, #tpu.memory_space<vmem>>
        %dma_wait3A_622 = tpu.memref_squeeze %dma_wait3A_621 : memref<1x80x128xf32, #tpu.memory_space<vmem>> -> memref<80x128xf32, #tpu.memory_space<vmem>>
        %dma_wait3A_623 = arith.constant 0 : i32
        %dma_wait3A_624 = tpu.memref_slice %arg6[%select_n3A_615, %dma_wait3A_617, %dma_wait3A_623] : memref<8x2x80xi32, #tpu.memory_space<vmem>> -> memref<1x1x80xi32, #tpu.memory_space<vmem>>
        %dma_wait3A_625 = tpu.memref_squeeze %dma_wait3A_624 : memref<1x1x80xi32, #tpu.memory_space<vmem>> -> memref<80xi32, #tpu.memory_space<vmem>>
        %dma_wait3A_626 = arith.constant 0 : i32
        %dma_wait3A_627 = arith.constant 0 : i32
        %dma_wait3A_628 = tpu.memref_slice %arg8[%dma_wait3A_626, %dma_wait3A_627] : memref<10240x128xf32, #tpu.memory_space<vmem_shared>> -> memref<10240x128xf32, #tpu.memory_space<vmem_shared>>
        %dma_wait3A_629 = tpu.memref_slice %arg11[%dma_wait3A_618] : memref<4x!tpu.dma_semaphore, #tpu.memory_space<semaphore_mem>> -> memref<1x!tpu.dma_semaphore, #tpu.memory_space<semaphore_mem>>
        %dma_wait3A_630 = tpu.memref_squeeze %dma_wait3A_629 : memref<1x!tpu.dma_semaphore, #tpu.memory_space<semaphore_mem>> -> memref<!tpu.dma_semaphore, #tpu.memory_space<semaphore_mem>>
        tpu.wait_indirect_dma semaphore(%dma_wait3A_630 : memref<!tpu.dma_semaphore, #tpu.memory_space<semaphore_mem>>) src(%dma_wait3A_622 : memref<80x128xf32, #tpu.memory_space<vmem>>) dst(%dma_wait3A_628 : memref<10240x128xf32, #tpu.memory_space<vmem_shared>>)
      } else {
      }
      %add3A_367 = arith.constant 4 : i32
      %add3A_368 = arith.addi %add3A_345, %add3A_367 : i32
      %lt3A_369 = arith.constant 128 : i32
      %lt3A_370 = arith.cmpi slt, %add3A_368, %lt3A_369 : i32
      %convert_element_type3A_371 = arith.extui %lt3A_370 : i1 to i32
      %cond3A_372 = arith.constant 0 : i32
      %cond3A_373 = arith.cmpi ne, %convert_element_type3A_371, %cond3A_372 : i32
      scf.if %cond3A_373 {
        %add3A_599 = arith.constant 4 : i32
        %add3A_600 = arith.addi %add3A_345, %add3A_599 : i32
        %jit3A_601 = arith.constant 8 : i32
        %eq3A_602 = arith.constant 0 : i32
        %eq3A_603 = arith.cmpi eq, %jit3A_601, %eq3A_602 : i32
        %jit3A_604 = arith.constant 1 : i32
        %select_n3A_605 = arith.select %eq3A_603, %jit3A_604, %jit3A_601 : i32
        %rem3A_606 = arith.remsi %add3A_600, %select_n3A_605 : i32
        %ne3A_607 = arith.constant 0 : i32
        %ne3A_608 = arith.cmpi ne, %rem3A_606, %ne3A_607 : i32
        %lt3A_609 = arith.constant 0 : i32
        %lt3A_610 = arith.cmpi slt, %rem3A_606, %lt3A_609 : i32
        %lt3A_611 = arith.constant 0 : i32
        %lt3A_612 = arith.cmpi slt, %select_n3A_605, %lt3A_611 : i32
        %ne3A_613 = arith.xori %lt3A_610, %lt3A_612 : i1
        %and3A_614 = arith.andi %ne3A_613, %ne3A_608 : i1
        %add3A_615 = arith.addi %rem3A_606, %select_n3A_605 : i32
        %select_n3A_616 = arith.select %and3A_614, %add3A_615, %rem3A_606 : i32
        %add3A_617 = arith.constant 4 : i32
        %add3A_618 = arith.addi %add3A_345, %add3A_617 : i32
        %dma_start3A_619 = arith.constant 0 : i32
        %dma_start3A_620 = arith.constant 0 : i32
        %dma_start3A_621 = tpu.memref_slice %arg6[%select_n3A_616, %dma_start3A_619, %dma_start3A_620] : memref<8x2x80xi32, #tpu.memory_space<vmem>> -> memref<1x2x80xi32, #tpu.memory_space<vmem>>
        %dma_start3A_622 = tpu.memref_squeeze %dma_start3A_621 : memref<1x2x80xi32, #tpu.memory_space<vmem>> -> memref<2x80xi32, #tpu.memory_space<vmem>>
        %dma_start3A_623 = arith.constant 0 : i32
        %dma_start3A_624 = arith.constant 0 : i32
        %dma_start3A_625 = tpu.memref_slice %arg3[%add3A, %add3A_618, %dma_start3A_623, %dma_start3A_624] : memref<32x128x2x80xi32, #tpu.memory_space<hbm>> -> memref<1x1x2x80xi32, #tpu.memory_space<hbm>>
        %dma_start3A_626 = tpu.memref_squeeze %dma_start3A_625 : memref<1x1x2x80xi32, #tpu.memory_space<hbm>> -> memref<2x80xi32, #tpu.memory_space<hbm>>
        %dma_start3A_627 = tpu.memref_slice %arg9[%select_n3A_616] : memref<8x!tpu.dma_semaphore, #tpu.memory_space<semaphore_mem>> -> memref<1x!tpu.dma_semaphore, #tpu.memory_space<semaphore_mem>>
        %dma_start3A_628 = tpu.memref_squeeze %dma_start3A_627 : memref<1x!tpu.dma_semaphore, #tpu.memory_space<semaphore_mem>> -> memref<!tpu.dma_semaphore, #tpu.memory_space<semaphore_mem>>
        %dma_start3A_629 = arith.constant 0 : i32
        %dma_start3A_630 = arith.constant 0 : i32
        %dma_start3A_631 = tpu.memref_slice %arg6[%select_n3A_616, %dma_start3A_629, %dma_start3A_630] : memref<8x2x80xi32, #tpu.memory_space<vmem>> -> memref<1x2x80xi32, #tpu.memory_space<vmem>>
        %dma_start3A_632 = tpu.memref_squeeze %dma_start3A_631 : memref<1x2x80xi32, #tpu.memory_space<vmem>> -> memref<2x80xi32, #tpu.memory_space<vmem>>
        %dma_start3A_633 = arith.constant 0 : i32
        %dma_start3A_634 = arith.constant 0 : i32
        %dma_start3A_635 = tpu.memref_slice %arg3[%add3A, %add3A_618, %dma_start3A_633, %dma_start3A_634] : memref<32x128x2x80xi32, #tpu.memory_space<hbm>> -> memref<1x1x2x80xi32, #tpu.memory_space<hbm>>
        %dma_start3A_636 = tpu.memref_squeeze %dma_start3A_635 : memref<1x1x2x80xi32, #tpu.memory_space<hbm>> -> memref<2x80xi32, #tpu.memory_space<hbm>>
        tpu.enqueue_dma source(%dma_start3A_636 : memref<2x80xi32, #tpu.memory_space<hbm>>) target(%dma_start3A_632 : memref<2x80xi32, #tpu.memory_space<vmem>>) target_semaphore(%dma_start3A_628 : memref<!tpu.dma_semaphore, #tpu.memory_space<semaphore_mem>>)
      } else {
      }
      %dma_wait3A_374 = arith.constant 0 : i32
      %dma_wait3A_375 = arith.constant 0 : i32
      %dma_wait3A_376 = tpu.memref_slice %arg6[%select_n3A_361, %dma_wait3A_374, %dma_wait3A_375] : memref<8x2x80xi32, #tpu.memory_space<vmem>> -> memref<1x2x80xi32, #tpu.memory_space<vmem>>
      %dma_wait3A_377 = tpu.memref_squeeze %dma_wait3A_376 : memref<1x2x80xi32, #tpu.memory_space<vmem>> -> memref<2x80xi32, #tpu.memory_space<vmem>>
      %dma_wait3A_378 = arith.constant 0 : i32
      %dma_wait3A_379 = arith.constant 0 : i32
      %dma_wait3A_380 = tpu.memref_slice %arg3[%add3A, %add3A_345, %dma_wait3A_378, %dma_wait3A_379] : memref<32x128x2x80xi32, #tpu.memory_space<hbm>> -> memref<1x1x2x80xi32, #tpu.memory_space<hbm>>
      %dma_wait3A_381 = tpu.memref_squeeze %dma_wait3A_380 : memref<1x1x2x80xi32, #tpu.memory_space<hbm>> -> memref<2x80xi32, #tpu.memory_space<hbm>>
      %dma_wait3A_382 = tpu.memref_slice %arg9[%select_n3A_361] : memref<8x!tpu.dma_semaphore, #tpu.memory_space<semaphore_mem>> -> memref<1x!tpu.dma_semaphore, #tpu.memory_space<semaphore_mem>>
      %dma_wait3A_383 = tpu.memref_squeeze %dma_wait3A_382 : memref<1x!tpu.dma_semaphore, #tpu.memory_space<semaphore_mem>> -> memref<!tpu.dma_semaphore, #tpu.memory_space<semaphore_mem>>
      %dma_wait3A_384 = arith.constant 0 : i32
      %dma_wait3A_385 = arith.constant 0 : i32
      %dma_wait3A_386 = tpu.memref_slice %arg6[%select_n3A_361, %dma_wait3A_384, %dma_wait3A_385] : memref<8x2x80xi32, #tpu.memory_space<vmem>> -> memref<1x2x80xi32, #tpu.memory_space<vmem>>
      %dma_wait3A_387 = tpu.memref_squeeze %dma_wait3A_386 : memref<1x2x80xi32, #tpu.memory_space<vmem>> -> memref<2x80xi32, #tpu.memory_space<vmem>>
      %dma_wait3A_388 = arith.constant 0 : i32
      %dma_wait3A_389 = arith.constant 0 : i32
      %dma_wait3A_390 = tpu.memref_slice %arg3[%add3A, %add3A_345, %dma_wait3A_388, %dma_wait3A_389] : memref<32x128x2x80xi32, #tpu.memory_space<hbm>> -> memref<1x1x2x80xi32, #tpu.memory_space<hbm>>
      %dma_wait3A_391 = tpu.memref_squeeze %dma_wait3A_390 : memref<1x1x2x80xi32, #tpu.memory_space<hbm>> -> memref<2x80xi32, #tpu.memory_space<hbm>>
      tpu.wait_dma2 semaphore(%dma_wait3A_383 : memref<!tpu.dma_semaphore, #tpu.memory_space<semaphore_mem>>) src(%dma_wait3A_391 : memref<2x80xi32, #tpu.memory_space<hbm>>) dst(%dma_wait3A_387 : memref<2x80xi32, #tpu.memory_space<vmem>>)
      %dma_start3A_392 = arith.constant 0 : i32
      %dma_start3A_393 = arith.constant 3 : i32
      %dma_start3A_394 = arith.constant 3 : i32
      %dma_start3A_395 = arith.constant 0 : i32
      %dma_start3A_396 = arith.constant 0 : i32
      %dma_start3A_397 = tpu.memref_slice %arg7[%dma_start3A_393, %dma_start3A_395, %dma_start3A_396] : memref<4x80x128xf32, #tpu.memory_space<vmem>> -> memref<1x80x128xf32, #tpu.memory_space<vmem>>
      %dma_start3A_398 = tpu.memref_squeeze %dma_start3A_397 : memref<1x80x128xf32, #tpu.memory_space<vmem>> -> memref<80x128xf32, #tpu.memory_space<vmem>>
      %dma_start3A_399 = arith.constant 0 : i32
      %dma_start3A_400 = tpu.memref_slice %arg6[%select_n3A_361, %dma_start3A_392, %dma_start3A_399] : memref<8x2x80xi32, #tpu.memory_space<vmem>> -> memref<1x1x80xi32, #tpu.memory_space<vmem>>
      %dma_start3A_401 = tpu.memref_squeeze %dma_start3A_400 : memref<1x1x80xi32, #tpu.memory_space<vmem>> -> memref<80xi32, #tpu.memory_space<vmem>>
      %dma_start3A_402 = arith.constant 0 : i32
      %dma_start3A_403 = arith.constant 0 : i32
      %dma_start3A_404 = tpu.memref_slice %arg2[%dma_start3A_402, %dma_start3A_403] : memref<10240x128xf32, #tpu.memory_space<hbm>> -> memref<10240x128xf32, #tpu.memory_space<hbm>>
      %dma_start3A_405 = tpu.memref_slice %arg10[%dma_start3A_394] : memref<4x!tpu.dma_semaphore, #tpu.memory_space<semaphore_mem>> -> memref<1x!tpu.dma_semaphore, #tpu.memory_space<semaphore_mem>>
      %dma_start3A_406 = tpu.memref_squeeze %dma_start3A_405 : memref<1x!tpu.dma_semaphore, #tpu.memory_space<semaphore_mem>> -> memref<!tpu.dma_semaphore, #tpu.memory_space<semaphore_mem>>
      tpu.enqueue_indirect_dma source(%dma_start3A_404 : memref<10240x128xf32, #tpu.memory_space<hbm>>) target(%dma_start3A_398 : memref<80x128xf32, #tpu.memory_space<vmem>>) offsets(%dma_start3A_401 : memref<80xi32, #tpu.memory_space<vmem>>) semaphore(%dma_start3A_406 : memref<!tpu.dma_semaphore, #tpu.memory_space<semaphore_mem>>)
      %add3A_407 = arith.constant 0 : i32
      %add3A_408 = arith.addi %add3A_164, %add3A_407 : i32
      %jit3A_409 = arith.constant 8 : i32
      %eq3A_410 = arith.constant 0 : i32
      %eq3A_411 = arith.cmpi eq, %jit3A_409, %eq3A_410 : i32
      %jit3A_412 = arith.constant 1 : i32
      %select_n3A_413 = arith.select %eq3A_411, %jit3A_412, %jit3A_409 : i32
      %rem3A_414 = arith.remsi %add3A_408, %select_n3A_413 : i32
      %ne3A_415 = arith.constant 0 : i32
      %ne3A_416 = arith.cmpi ne, %rem3A_414, %ne3A_415 : i32
      %lt3A_417 = arith.constant 0 : i32
      %lt3A_418 = arith.cmpi slt, %rem3A_414, %lt3A_417 : i32
      %lt3A_419 = arith.constant 0 : i32
      %lt3A_420 = arith.cmpi slt, %select_n3A_413, %lt3A_419 : i32
      %ne3A_421 = arith.xori %lt3A_418, %lt3A_420 : i1
      %and3A_422 = arith.andi %ne3A_421, %ne3A_416 : i1
      %add3A_423 = arith.addi %rem3A_414, %select_n3A_413 : i32
      %select_n3A_424 = arith.select %and3A_422, %add3A_423, %rem3A_414 : i32
      %dma_wait3A_425 = arith.constant 0 : i32
      %dma_wait3A_426 = arith.constant 0 : i32
      %dma_wait3A_427 = arith.constant 0 : i32
      %dma_wait3A_428 = arith.constant 0 : i32
      %dma_wait3A_429 = arith.constant 0 : i32
      %dma_wait3A_430 = tpu.memref_slice %arg7[%dma_wait3A_426, %dma_wait3A_428, %dma_wait3A_429] : memref<4x80x128xf32, #tpu.memory_space<vmem>> -> memref<1x80x128xf32, #tpu.memory_space<vmem>>
      %dma_wait3A_431 = tpu.memref_squeeze %dma_wait3A_430 : memref<1x80x128xf32, #tpu.memory_space<vmem>> -> memref<80x128xf32, #tpu.memory_space<vmem>>
      %dma_wait3A_432 = arith.constant 0 : i32
      %dma_wait3A_433 = tpu.memref_slice %arg6[%select_n3A_424, %dma_wait3A_425, %dma_wait3A_432] : memref<8x2x80xi32, #tpu.memory_space<vmem>> -> memref<1x1x80xi32, #tpu.memory_space<vmem>>
      %dma_wait3A_434 = tpu.memref_squeeze %dma_wait3A_433 : memref<1x1x80xi32, #tpu.memory_space<vmem>> -> memref<80xi32, #tpu.memory_space<vmem>>
      %dma_wait3A_435 = arith.constant 0 : i32
      %dma_wait3A_436 = arith.constant 0 : i32
      %dma_wait3A_437 = tpu.memref_slice %arg2[%dma_wait3A_435, %dma_wait3A_436] : memref<10240x128xf32, #tpu.memory_space<hbm>> -> memref<10240x128xf32, #tpu.memory_space<hbm>>
      %dma_wait3A_438 = tpu.memref_slice %arg10[%dma_wait3A_427] : memref<4x!tpu.dma_semaphore, #tpu.memory_space<semaphore_mem>> -> memref<1x!tpu.dma_semaphore, #tpu.memory_space<semaphore_mem>>
      %dma_wait3A_439 = tpu.memref_squeeze %dma_wait3A_438 : memref<1x!tpu.dma_semaphore, #tpu.memory_space<semaphore_mem>> -> memref<!tpu.dma_semaphore, #tpu.memory_space<semaphore_mem>>
      tpu.wait_indirect_dma semaphore(%dma_wait3A_439 : memref<!tpu.dma_semaphore, #tpu.memory_space<semaphore_mem>>) src(%dma_wait3A_437 : memref<10240x128xf32, #tpu.memory_space<hbm>>) dst(%dma_wait3A_431 : memref<80x128xf32, #tpu.memory_space<vmem>>)
      %dma_start3A_440 = arith.constant 0 : i32
      %dma_start3A_441 = arith.constant 1 : i32
      %dma_start3A_442 = arith.constant 0 : i32
      %dma_start3A_443 = arith.constant 0 : i32
      %dma_start3A_444 = arith.constant 0 : i32
      %dma_start3A_445 = tpu.memref_slice %arg7[%dma_start3A_440, %dma_start3A_443, %dma_start3A_444] : memref<4x80x128xf32, #tpu.memory_space<vmem>> -> memref<1x80x128xf32, #tpu.memory_space<vmem>>
      %dma_start3A_446 = tpu.memref_squeeze %dma_start3A_445 : memref<1x80x128xf32, #tpu.memory_space<vmem>> -> memref<80x128xf32, #tpu.memory_space<vmem>>
      %dma_start3A_447 = arith.constant 0 : i32
      %dma_start3A_448 = tpu.memref_slice %arg6[%select_n3A_424, %dma_start3A_441, %dma_start3A_447] : memref<8x2x80xi32, #tpu.memory_space<vmem>> -> memref<1x1x80xi32, #tpu.memory_space<vmem>>
      %dma_start3A_449 = tpu.memref_squeeze %dma_start3A_448 : memref<1x1x80xi32, #tpu.memory_space<vmem>> -> memref<80xi32, #tpu.memory_space<vmem>>
      %dma_start3A_450 = arith.constant 0 : i32
      %dma_start3A_451 = arith.constant 0 : i32
      %dma_start3A_452 = tpu.memref_slice %arg8[%dma_start3A_450, %dma_start3A_451] : memref<10240x128xf32, #tpu.memory_space<vmem_shared>> -> memref<10240x128xf32, #tpu.memory_space<vmem_shared>>
      %dma_start3A_453 = tpu.memref_slice %arg11[%dma_start3A_442] : memref<4x!tpu.dma_semaphore, #tpu.memory_space<semaphore_mem>> -> memref<1x!tpu.dma_semaphore, #tpu.memory_space<semaphore_mem>>
      %dma_start3A_454 = tpu.memref_squeeze %dma_start3A_453 : memref<1x!tpu.dma_semaphore, #tpu.memory_space<semaphore_mem>> -> memref<!tpu.dma_semaphore, #tpu.memory_space<semaphore_mem>>
      tpu.enqueue_indirect_dma source(%dma_start3A_446 : memref<80x128xf32, #tpu.memory_space<vmem>>) target(%dma_start3A_452 : memref<10240x128xf32, #tpu.memory_space<vmem_shared>>) offsets(%dma_start3A_449 : memref<80xi32, #tpu.memory_space<vmem>>) semaphore(%dma_start3A_454 : memref<!tpu.dma_semaphore, #tpu.memory_space<semaphore_mem>>) {add = true}
      %add3A_455 = arith.constant 1 : i32
      %add3A_456 = arith.addi %add3A_164, %add3A_455 : i32
      %jit3A_457 = arith.constant 8 : i32
      %eq3A_458 = arith.constant 0 : i32
      %eq3A_459 = arith.cmpi eq, %jit3A_457, %eq3A_458 : i32
      %jit3A_460 = arith.constant 1 : i32
      %select_n3A_461 = arith.select %eq3A_459, %jit3A_460, %jit3A_457 : i32
      %rem3A_462 = arith.remsi %add3A_456, %select_n3A_461 : i32
      %ne3A_463 = arith.constant 0 : i32
      %ne3A_464 = arith.cmpi ne, %rem3A_462, %ne3A_463 : i32
      %lt3A_465 = arith.constant 0 : i32
      %lt3A_466 = arith.cmpi slt, %rem3A_462, %lt3A_465 : i32
      %lt3A_467 = arith.constant 0 : i32
      %lt3A_468 = arith.cmpi slt, %select_n3A_461, %lt3A_467 : i32
      %ne3A_469 = arith.xori %lt3A_466, %lt3A_468 : i1
      %and3A_470 = arith.andi %ne3A_469, %ne3A_464 : i1
      %add3A_471 = arith.addi %rem3A_462, %select_n3A_461 : i32
      %select_n3A_472 = arith.select %and3A_470, %add3A_471, %rem3A_462 : i32
      %dma_wait3A_473 = arith.constant 0 : i32
      %dma_wait3A_474 = arith.constant 1 : i32
      %dma_wait3A_475 = arith.constant 1 : i32
      %dma_wait3A_476 = arith.constant 0 : i32
      %dma_wait3A_477 = arith.constant 0 : i32
      %dma_wait3A_478 = tpu.memref_slice %arg7[%dma_wait3A_474, %dma_wait3A_476, %dma_wait3A_477] : memref<4x80x128xf32, #tpu.memory_space<vmem>> -> memref<1x80x128xf32, #tpu.memory_space<vmem>>
      %dma_wait3A_479 = tpu.memref_squeeze %dma_wait3A_478 : memref<1x80x128xf32, #tpu.memory_space<vmem>> -> memref<80x128xf32, #tpu.memory_space<vmem>>
      %dma_wait3A_480 = arith.constant 0 : i32
      %dma_wait3A_481 = tpu.memref_slice %arg6[%select_n3A_472, %dma_wait3A_473, %dma_wait3A_480] : memref<8x2x80xi32, #tpu.memory_space<vmem>> -> memref<1x1x80xi32, #tpu.memory_space<vmem>>
      %dma_wait3A_482 = tpu.memref_squeeze %dma_wait3A_481 : memref<1x1x80xi32, #tpu.memory_space<vmem>> -> memref<80xi32, #tpu.memory_space<vmem>>
      %dma_wait3A_483 = arith.constant 0 : i32
      %dma_wait3A_484 = arith.constant 0 : i32
      %dma_wait3A_485 = tpu.memref_slice %arg2[%dma_wait3A_483, %dma_wait3A_484] : memref<10240x128xf32, #tpu.memory_space<hbm>> -> memref<10240x128xf32, #tpu.memory_space<hbm>>
      %dma_wait3A_486 = tpu.memref_slice %arg10[%dma_wait3A_475] : memref<4x!tpu.dma_semaphore, #tpu.memory_space<semaphore_mem>> -> memref<1x!tpu.dma_semaphore, #tpu.memory_space<semaphore_mem>>
      %dma_wait3A_487 = tpu.memref_squeeze %dma_wait3A_486 : memref<1x!tpu.dma_semaphore, #tpu.memory_space<semaphore_mem>> -> memref<!tpu.dma_semaphore, #tpu.memory_space<semaphore_mem>>
      tpu.wait_indirect_dma semaphore(%dma_wait3A_487 : memref<!tpu.dma_semaphore, #tpu.memory_space<semaphore_mem>>) src(%dma_wait3A_485 : memref<10240x128xf32, #tpu.memory_space<hbm>>) dst(%dma_wait3A_479 : memref<80x128xf32, #tpu.memory_space<vmem>>)
      %dma_start3A_488 = arith.constant 1 : i32
      %dma_start3A_489 = arith.constant 1 : i32
      %dma_start3A_490 = arith.constant 1 : i32
      %dma_start3A_491 = arith.constant 0 : i32
      %dma_start3A_492 = arith.constant 0 : i32
      %dma_start3A_493 = tpu.memref_slice %arg7[%dma_start3A_488, %dma_start3A_491, %dma_start3A_492] : memref<4x80x128xf32, #tpu.memory_space<vmem>> -> memref<1x80x128xf32, #tpu.memory_space<vmem>>
      %dma_start3A_494 = tpu.memref_squeeze %dma_start3A_493 : memref<1x80x128xf32, #tpu.memory_space<vmem>> -> memref<80x128xf32, #tpu.memory_space<vmem>>
      %dma_start3A_495 = arith.constant 0 : i32
      %dma_start3A_496 = tpu.memref_slice %arg6[%select_n3A_472, %dma_start3A_489, %dma_start3A_495] : memref<8x2x80xi32, #tpu.memory_space<vmem>> -> memref<1x1x80xi32, #tpu.memory_space<vmem>>
      %dma_start3A_497 = tpu.memref_squeeze %dma_start3A_496 : memref<1x1x80xi32, #tpu.memory_space<vmem>> -> memref<80xi32, #tpu.memory_space<vmem>>
      %dma_start3A_498 = arith.constant 0 : i32
      %dma_start3A_499 = arith.constant 0 : i32
      %dma_start3A_500 = tpu.memref_slice %arg8[%dma_start3A_498, %dma_start3A_499] : memref<10240x128xf32, #tpu.memory_space<vmem_shared>> -> memref<10240x128xf32, #tpu.memory_space<vmem_shared>>
      %dma_start3A_501 = tpu.memref_slice %arg11[%dma_start3A_490] : memref<4x!tpu.dma_semaphore, #tpu.memory_space<semaphore_mem>> -> memref<1x!tpu.dma_semaphore, #tpu.memory_space<semaphore_mem>>
      %dma_start3A_502 = tpu.memref_squeeze %dma_start3A_501 : memref<1x!tpu.dma_semaphore, #tpu.memory_space<semaphore_mem>> -> memref<!tpu.dma_semaphore, #tpu.memory_space<semaphore_mem>>
      tpu.enqueue_indirect_dma source(%dma_start3A_494 : memref<80x128xf32, #tpu.memory_space<vmem>>) target(%dma_start3A_500 : memref<10240x128xf32, #tpu.memory_space<vmem_shared>>) offsets(%dma_start3A_497 : memref<80xi32, #tpu.memory_space<vmem>>) semaphore(%dma_start3A_502 : memref<!tpu.dma_semaphore, #tpu.memory_space<semaphore_mem>>) {add = true}
      %add3A_503 = arith.constant 2 : i32
      %add3A_504 = arith.addi %add3A_164, %add3A_503 : i32
      %jit3A_505 = arith.constant 8 : i32
      %eq3A_506 = arith.constant 0 : i32
      %eq3A_507 = arith.cmpi eq, %jit3A_505, %eq3A_506 : i32
      %jit3A_508 = arith.constant 1 : i32
      %select_n3A_509 = arith.select %eq3A_507, %jit3A_508, %jit3A_505 : i32
      %rem3A_510 = arith.remsi %add3A_504, %select_n3A_509 : i32
      %ne3A_511 = arith.constant 0 : i32
      %ne3A_512 = arith.cmpi ne, %rem3A_510, %ne3A_511 : i32
      %lt3A_513 = arith.constant 0 : i32
      %lt3A_514 = arith.cmpi slt, %rem3A_510, %lt3A_513 : i32
      %lt3A_515 = arith.constant 0 : i32
      %lt3A_516 = arith.cmpi slt, %select_n3A_509, %lt3A_515 : i32
      %ne3A_517 = arith.xori %lt3A_514, %lt3A_516 : i1
      %and3A_518 = arith.andi %ne3A_517, %ne3A_512 : i1
      %add3A_519 = arith.addi %rem3A_510, %select_n3A_509 : i32
      %select_n3A_520 = arith.select %and3A_518, %add3A_519, %rem3A_510 : i32
      %dma_wait3A_521 = arith.constant 0 : i32
      %dma_wait3A_522 = arith.constant 2 : i32
      %dma_wait3A_523 = arith.constant 2 : i32
      %dma_wait3A_524 = arith.constant 0 : i32
      %dma_wait3A_525 = arith.constant 0 : i32
      %dma_wait3A_526 = tpu.memref_slice %arg7[%dma_wait3A_522, %dma_wait3A_524, %dma_wait3A_525] : memref<4x80x128xf32, #tpu.memory_space<vmem>> -> memref<1x80x128xf32, #tpu.memory_space<vmem>>
      %dma_wait3A_527 = tpu.memref_squeeze %dma_wait3A_526 : memref<1x80x128xf32, #tpu.memory_space<vmem>> -> memref<80x128xf32, #tpu.memory_space<vmem>>
      %dma_wait3A_528 = arith.constant 0 : i32
      %dma_wait3A_529 = tpu.memref_slice %arg6[%select_n3A_520, %dma_wait3A_521, %dma_wait3A_528] : memref<8x2x80xi32, #tpu.memory_space<vmem>> -> memref<1x1x80xi32, #tpu.memory_space<vmem>>
      %dma_wait3A_530 = tpu.memref_squeeze %dma_wait3A_529 : memref<1x1x80xi32, #tpu.memory_space<vmem>> -> memref<80xi32, #tpu.memory_space<vmem>>
      %dma_wait3A_531 = arith.constant 0 : i32
      %dma_wait3A_532 = arith.constant 0 : i32
      %dma_wait3A_533 = tpu.memref_slice %arg2[%dma_wait3A_531, %dma_wait3A_532] : memref<10240x128xf32, #tpu.memory_space<hbm>> -> memref<10240x128xf32, #tpu.memory_space<hbm>>
      %dma_wait3A_534 = tpu.memref_slice %arg10[%dma_wait3A_523] : memref<4x!tpu.dma_semaphore, #tpu.memory_space<semaphore_mem>> -> memref<1x!tpu.dma_semaphore, #tpu.memory_space<semaphore_mem>>
      %dma_wait3A_535 = tpu.memref_squeeze %dma_wait3A_534 : memref<1x!tpu.dma_semaphore, #tpu.memory_space<semaphore_mem>> -> memref<!tpu.dma_semaphore, #tpu.memory_space<semaphore_mem>>
      tpu.wait_indirect_dma semaphore(%dma_wait3A_535 : memref<!tpu.dma_semaphore, #tpu.memory_space<semaphore_mem>>) src(%dma_wait3A_533 : memref<10240x128xf32, #tpu.memory_space<hbm>>) dst(%dma_wait3A_527 : memref<80x128xf32, #tpu.memory_space<vmem>>)
      %dma_start3A_536 = arith.constant 2 : i32
      %dma_start3A_537 = arith.constant 1 : i32
      %dma_start3A_538 = arith.constant 2 : i32
      %dma_start3A_539 = arith.constant 0 : i32
      %dma_start3A_540 = arith.constant 0 : i32
      %dma_start3A_541 = tpu.memref_slice %arg7[%dma_start3A_536, %dma_start3A_539, %dma_start3A_540] : memref<4x80x128xf32, #tpu.memory_space<vmem>> -> memref<1x80x128xf32, #tpu.memory_space<vmem>>
      %dma_start3A_542 = tpu.memref_squeeze %dma_start3A_541 : memref<1x80x128xf32, #tpu.memory_space<vmem>> -> memref<80x128xf32, #tpu.memory_space<vmem>>
      %dma_start3A_543 = arith.constant 0 : i32
      %dma_start3A_544 = tpu.memref_slice %arg6[%select_n3A_520, %dma_start3A_537, %dma_start3A_543] : memref<8x2x80xi32, #tpu.memory_space<vmem>> -> memref<1x1x80xi32, #tpu.memory_space<vmem>>
      %dma_start3A_545 = tpu.memref_squeeze %dma_start3A_544 : memref<1x1x80xi32, #tpu.memory_space<vmem>> -> memref<80xi32, #tpu.memory_space<vmem>>
      %dma_start3A_546 = arith.constant 0 : i32
      %dma_start3A_547 = arith.constant 0 : i32
      %dma_start3A_548 = tpu.memref_slice %arg8[%dma_start3A_546, %dma_start3A_547] : memref<10240x128xf32, #tpu.memory_space<vmem_shared>> -> memref<10240x128xf32, #tpu.memory_space<vmem_shared>>
      %dma_start3A_549 = tpu.memref_slice %arg11[%dma_start3A_538] : memref<4x!tpu.dma_semaphore, #tpu.memory_space<semaphore_mem>> -> memref<1x!tpu.dma_semaphore, #tpu.memory_space<semaphore_mem>>
      %dma_start3A_550 = tpu.memref_squeeze %dma_start3A_549 : memref<1x!tpu.dma_semaphore, #tpu.memory_space<semaphore_mem>> -> memref<!tpu.dma_semaphore, #tpu.memory_space<semaphore_mem>>
      tpu.enqueue_indirect_dma source(%dma_start3A_542 : memref<80x128xf32, #tpu.memory_space<vmem>>) target(%dma_start3A_548 : memref<10240x128xf32, #tpu.memory_space<vmem_shared>>) offsets(%dma_start3A_545 : memref<80xi32, #tpu.memory_space<vmem>>) semaphore(%dma_start3A_550 : memref<!tpu.dma_semaphore, #tpu.memory_space<semaphore_mem>>) {add = true}
      %add3A_551 = arith.constant 3 : i32
      %add3A_552 = arith.addi %add3A_164, %add3A_551 : i32
      %jit3A_553 = arith.constant 8 : i32
      %eq3A_554 = arith.constant 0 : i32
      %eq3A_555 = arith.cmpi eq, %jit3A_553, %eq3A_554 : i32
      %jit3A_556 = arith.constant 1 : i32
      %select_n3A_557 = arith.select %eq3A_555, %jit3A_556, %jit3A_553 : i32
      %rem3A_558 = arith.remsi %add3A_552, %select_n3A_557 : i32
      %ne3A_559 = arith.constant 0 : i32
      %ne3A_560 = arith.cmpi ne, %rem3A_558, %ne3A_559 : i32
      %lt3A_561 = arith.constant 0 : i32
      %lt3A_562 = arith.cmpi slt, %rem3A_558, %lt3A_561 : i32
      %lt3A_563 = arith.constant 0 : i32
      %lt3A_564 = arith.cmpi slt, %select_n3A_557, %lt3A_563 : i32
      %ne3A_565 = arith.xori %lt3A_562, %lt3A_564 : i1
      %and3A_566 = arith.andi %ne3A_565, %ne3A_560 : i1
      %add3A_567 = arith.addi %rem3A_558, %select_n3A_557 : i32
      %select_n3A_568 = arith.select %and3A_566, %add3A_567, %rem3A_558 : i32
      %dma_wait3A_569 = arith.constant 0 : i32
      %dma_wait3A_570 = arith.constant 3 : i32
      %dma_wait3A_571 = arith.constant 3 : i32
      %dma_wait3A_572 = arith.constant 0 : i32
      %dma_wait3A_573 = arith.constant 0 : i32
      %dma_wait3A_574 = tpu.memref_slice %arg7[%dma_wait3A_570, %dma_wait3A_572, %dma_wait3A_573] : memref<4x80x128xf32, #tpu.memory_space<vmem>> -> memref<1x80x128xf32, #tpu.memory_space<vmem>>
      %dma_wait3A_575 = tpu.memref_squeeze %dma_wait3A_574 : memref<1x80x128xf32, #tpu.memory_space<vmem>> -> memref<80x128xf32, #tpu.memory_space<vmem>>
      %dma_wait3A_576 = arith.constant 0 : i32
      %dma_wait3A_577 = tpu.memref_slice %arg6[%select_n3A_568, %dma_wait3A_569, %dma_wait3A_576] : memref<8x2x80xi32, #tpu.memory_space<vmem>> -> memref<1x1x80xi32, #tpu.memory_space<vmem>>
      %dma_wait3A_578 = tpu.memref_squeeze %dma_wait3A_577 : memref<1x1x80xi32, #tpu.memory_space<vmem>> -> memref<80xi32, #tpu.memory_space<vmem>>
      %dma_wait3A_579 = arith.constant 0 : i32
      %dma_wait3A_580 = arith.constant 0 : i32
      %dma_wait3A_581 = tpu.memref_slice %arg2[%dma_wait3A_579, %dma_wait3A_580] : memref<10240x128xf32, #tpu.memory_space<hbm>> -> memref<10240x128xf32, #tpu.memory_space<hbm>>
      %dma_wait3A_582 = tpu.memref_slice %arg10[%dma_wait3A_571] : memref<4x!tpu.dma_semaphore, #tpu.memory_space<semaphore_mem>> -> memref<1x!tpu.dma_semaphore, #tpu.memory_space<semaphore_mem>>
      %dma_wait3A_583 = tpu.memref_squeeze %dma_wait3A_582 : memref<1x!tpu.dma_semaphore, #tpu.memory_space<semaphore_mem>> -> memref<!tpu.dma_semaphore, #tpu.memory_space<semaphore_mem>>
      tpu.wait_indirect_dma semaphore(%dma_wait3A_583 : memref<!tpu.dma_semaphore, #tpu.memory_space<semaphore_mem>>) src(%dma_wait3A_581 : memref<10240x128xf32, #tpu.memory_space<hbm>>) dst(%dma_wait3A_575 : memref<80x128xf32, #tpu.memory_space<vmem>>)
      %dma_start3A_584 = arith.constant 3 : i32
      %dma_start3A_585 = arith.constant 1 : i32
      %dma_start3A_586 = arith.constant 3 : i32
      %dma_start3A_587 = arith.constant 0 : i32
      %dma_start3A_588 = arith.constant 0 : i32
      %dma_start3A_589 = tpu.memref_slice %arg7[%dma_start3A_584, %dma_start3A_587, %dma_start3A_588] : memref<4x80x128xf32, #tpu.memory_space<vmem>> -> memref<1x80x128xf32, #tpu.memory_space<vmem>>
      %dma_start3A_590 = tpu.memref_squeeze %dma_start3A_589 : memref<1x80x128xf32, #tpu.memory_space<vmem>> -> memref<80x128xf32, #tpu.memory_space<vmem>>
      %dma_start3A_591 = arith.constant 0 : i32
      %dma_start3A_592 = tpu.memref_slice %arg6[%select_n3A_568, %dma_start3A_585, %dma_start3A_591] : memref<8x2x80xi32, #tpu.memory_space<vmem>> -> memref<1x1x80xi32, #tpu.memory_space<vmem>>
      %dma_start3A_593 = tpu.memref_squeeze %dma_start3A_592 : memref<1x1x80xi32, #tpu.memory_space<vmem>> -> memref<80xi32, #tpu.memory_space<vmem>>
      %dma_start3A_594 = arith.constant 0 : i32
      %dma_start3A_595 = arith.constant 0 : i32
      %dma_start3A_596 = tpu.memref_slice %arg8[%dma_start3A_594, %dma_start3A_595] : memref<10240x128xf32, #tpu.memory_space<vmem_shared>> -> memref<10240x128xf32, #tpu.memory_space<vmem_shared>>
      %dma_start3A_597 = tpu.memref_slice %arg11[%dma_start3A_586] : memref<4x!tpu.dma_semaphore, #tpu.memory_space<semaphore_mem>> -> memref<1x!tpu.dma_semaphore, #tpu.memory_space<semaphore_mem>>
      %dma_start3A_598 = tpu.memref_squeeze %dma_start3A_597 : memref<1x!tpu.dma_semaphore, #tpu.memory_space<semaphore_mem>> -> memref<!tpu.dma_semaphore, #tpu.memory_space<semaphore_mem>>
      tpu.enqueue_indirect_dma source(%dma_start3A_590 : memref<80x128xf32, #tpu.memory_space<vmem>>) target(%dma_start3A_596 : memref<10240x128xf32, #tpu.memory_space<vmem_shared>>) offsets(%dma_start3A_593 : memref<80xi32, #tpu.memory_space<vmem>>) semaphore(%dma_start3A_598 : memref<!tpu.dma_semaphore, #tpu.memory_space<semaphore_mem>>) {add = true}
    }
    %scan3A_91 = arith.constant 32 : i32
    %dma_wait3A = arith.constant 0 : i32
    %dma_wait3A_92 = arith.constant 4 : i32
    %dma_wait3A_93 = arith.constant 1 : i32
    %dma_wait3A_94 = arith.constant 0 : i32
    %dma_wait3A_95 = arith.constant 0 : i32
    %dma_wait3A_96 = arith.constant 0 : i32
    %dma_wait3A_97 = tpu.memref_slice %arg7[%dma_wait3A, %dma_wait3A_95, %dma_wait3A_96] : memref<4x80x128xf32, #tpu.memory_space<vmem>> -> memref<1x80x128xf32, #tpu.memory_space<vmem>>
    %dma_wait3A_98 = tpu.memref_squeeze %dma_wait3A_97 : memref<1x80x128xf32, #tpu.memory_space<vmem>> -> memref<80x128xf32, #tpu.memory_space<vmem>>
    %dma_wait3A_99 = arith.constant 0 : i32
    %dma_wait3A_100 = tpu.memref_slice %arg6[%dma_wait3A_92, %dma_wait3A_93, %dma_wait3A_99] : memref<8x2x80xi32, #tpu.memory_space<vmem>> -> memref<1x1x80xi32, #tpu.memory_space<vmem>>
    %dma_wait3A_101 = tpu.memref_squeeze %dma_wait3A_100 : memref<1x1x80xi32, #tpu.memory_space<vmem>> -> memref<80xi32, #tpu.memory_space<vmem>>
    %dma_wait3A_102 = arith.constant 0 : i32
    %dma_wait3A_103 = arith.constant 0 : i32
    %dma_wait3A_104 = tpu.memref_slice %arg8[%dma_wait3A_102, %dma_wait3A_103] : memref<10240x128xf32, #tpu.memory_space<vmem_shared>> -> memref<10240x128xf32, #tpu.memory_space<vmem_shared>>
    %dma_wait3A_105 = tpu.memref_slice %arg11[%dma_wait3A_94] : memref<4x!tpu.dma_semaphore, #tpu.memory_space<semaphore_mem>> -> memref<1x!tpu.dma_semaphore, #tpu.memory_space<semaphore_mem>>
    %dma_wait3A_106 = tpu.memref_squeeze %dma_wait3A_105 : memref<1x!tpu.dma_semaphore, #tpu.memory_space<semaphore_mem>> -> memref<!tpu.dma_semaphore, #tpu.memory_space<semaphore_mem>>
    tpu.wait_indirect_dma semaphore(%dma_wait3A_106 : memref<!tpu.dma_semaphore, #tpu.memory_space<semaphore_mem>>) src(%dma_wait3A_98 : memref<80x128xf32, #tpu.memory_space<vmem>>) dst(%dma_wait3A_104 : memref<10240x128xf32, #tpu.memory_space<vmem_shared>>)
    %dma_wait3A_107 = arith.constant 1 : i32
    %dma_wait3A_108 = arith.constant 5 : i32
    %dma_wait3A_109 = arith.constant 1 : i32
    %dma_wait3A_110 = arith.constant 1 : i32
    %dma_wait3A_111 = arith.constant 0 : i32
    %dma_wait3A_112 = arith.constant 0 : i32
    %dma_wait3A_113 = tpu.memref_slice %arg7[%dma_wait3A_107, %dma_wait3A_111, %dma_wait3A_112] : memref<4x80x128xf32, #tpu.memory_space<vmem>> -> memref<1x80x128xf32, #tpu.memory_space<vmem>>
    %dma_wait3A_114 = tpu.memref_squeeze %dma_wait3A_113 : memref<1x80x128xf32, #tpu.memory_space<vmem>> -> memref<80x128xf32, #tpu.memory_space<vmem>>
    %dma_wait3A_115 = arith.constant 0 : i32
    %dma_wait3A_116 = tpu.memref_slice %arg6[%dma_wait3A_108, %dma_wait3A_109, %dma_wait3A_115] : memref<8x2x80xi32, #tpu.memory_space<vmem>> -> memref<1x1x80xi32, #tpu.memory_space<vmem>>
    %dma_wait3A_117 = tpu.memref_squeeze %dma_wait3A_116 : memref<1x1x80xi32, #tpu.memory_space<vmem>> -> memref<80xi32, #tpu.memory_space<vmem>>
    %dma_wait3A_118 = arith.constant 0 : i32
    %dma_wait3A_119 = arith.constant 0 : i32
    %dma_wait3A_120 = tpu.memref_slice %arg8[%dma_wait3A_118, %dma_wait3A_119] : memref<10240x128xf32, #tpu.memory_space<vmem_shared>> -> memref<10240x128xf32, #tpu.memory_space<vmem_shared>>
    %dma_wait3A_121 = tpu.memref_slice %arg11[%dma_wait3A_110] : memref<4x!tpu.dma_semaphore, #tpu.memory_space<semaphore_mem>> -> memref<1x!tpu.dma_semaphore, #tpu.memory_space<semaphore_mem>>
    %dma_wait3A_122 = tpu.memref_squeeze %dma_wait3A_121 : memref<1x!tpu.dma_semaphore, #tpu.memory_space<semaphore_mem>> -> memref<!tpu.dma_semaphore, #tpu.memory_space<semaphore_mem>>
    tpu.wait_indirect_dma semaphore(%dma_wait3A_122 : memref<!tpu.dma_semaphore, #tpu.memory_space<semaphore_mem>>) src(%dma_wait3A_114 : memref<80x128xf32, #tpu.memory_space<vmem>>) dst(%dma_wait3A_120 : memref<10240x128xf32, #tpu.memory_space<vmem_shared>>)
    %dma_wait3A_123 = arith.constant 2 : i32
    %dma_wait3A_124 = arith.constant 6 : i32
    %dma_wait3A_125 = arith.constant 1 : i32
    %dma_wait3A_126 = arith.constant 2 : i32
    %dma_wait3A_127 = arith.constant 0 : i32
    %dma_wait3A_128 = arith.constant 0 : i32
    %dma_wait3A_129 = tpu.memref_slice %arg7[%dma_wait3A_123, %dma_wait3A_127, %dma_wait3A_128] : memref<4x80x128xf32, #tpu.memory_space<vmem>> -> memref<1x80x128xf32, #tpu.memory_space<vmem>>
    %dma_wait3A_130 = tpu.memref_squeeze %dma_wait3A_129 : memref<1x80x128xf32, #tpu.memory_space<vmem>> -> memref<80x128xf32, #tpu.memory_space<vmem>>
    %dma_wait3A_131 = arith.constant 0 : i32
    %dma_wait3A_132 = tpu.memref_slice %arg6[%dma_wait3A_124, %dma_wait3A_125, %dma_wait3A_131] : memref<8x2x80xi32, #tpu.memory_space<vmem>> -> memref<1x1x80xi32, #tpu.memory_space<vmem>>
    %dma_wait3A_133 = tpu.memref_squeeze %dma_wait3A_132 : memref<1x1x80xi32, #tpu.memory_space<vmem>> -> memref<80xi32, #tpu.memory_space<vmem>>
    %dma_wait3A_134 = arith.constant 0 : i32
    %dma_wait3A_135 = arith.constant 0 : i32
    %dma_wait3A_136 = tpu.memref_slice %arg8[%dma_wait3A_134, %dma_wait3A_135] : memref<10240x128xf32, #tpu.memory_space<vmem_shared>> -> memref<10240x128xf32, #tpu.memory_space<vmem_shared>>
    %dma_wait3A_137 = tpu.memref_slice %arg11[%dma_wait3A_126] : memref<4x!tpu.dma_semaphore, #tpu.memory_space<semaphore_mem>> -> memref<1x!tpu.dma_semaphore, #tpu.memory_space<semaphore_mem>>
    %dma_wait3A_138 = tpu.memref_squeeze %dma_wait3A_137 : memref<1x!tpu.dma_semaphore, #tpu.memory_space<semaphore_mem>> -> memref<!tpu.dma_semaphore, #tpu.memory_space<semaphore_mem>>
    tpu.wait_indirect_dma semaphore(%dma_wait3A_138 : memref<!tpu.dma_semaphore, #tpu.memory_space<semaphore_mem>>) src(%dma_wait3A_130 : memref<80x128xf32, #tpu.memory_space<vmem>>) dst(%dma_wait3A_136 : memref<10240x128xf32, #tpu.memory_space<vmem_shared>>)
    %dma_wait3A_139 = arith.constant 3 : i32
    %dma_wait3A_140 = arith.constant 7 : i32
    %dma_wait3A_141 = arith.constant 1 : i32
    %dma_wait3A_142 = arith.constant 3 : i32
    %dma_wait3A_143 = arith.constant 0 : i32
    %dma_wait3A_144 = arith.constant 0 : i32
    %dma_wait3A_145 = tpu.memref_slice %arg7[%dma_wait3A_139, %dma_wait3A_143, %dma_wait3A_144] : memref<4x80x128xf32, #tpu.memory_space<vmem>> -> memref<1x80x128xf32, #tpu.memory_space<vmem>>
    %dma_wait3A_146 = tpu.memref_squeeze %dma_wait3A_145 : memref<1x80x128xf32, #tpu.memory_space<vmem>> -> memref<80x128xf32, #tpu.memory_space<vmem>>
    %dma_wait3A_147 = arith.constant 0 : i32
    %dma_wait3A_148 = tpu.memref_slice %arg6[%dma_wait3A_140, %dma_wait3A_141, %dma_wait3A_147] : memref<8x2x80xi32, #tpu.memory_space<vmem>> -> memref<1x1x80xi32, #tpu.memory_space<vmem>>
    %dma_wait3A_149 = tpu.memref_squeeze %dma_wait3A_148 : memref<1x1x80xi32, #tpu.memory_space<vmem>> -> memref<80xi32, #tpu.memory_space<vmem>>
    %dma_wait3A_150 = arith.constant 0 : i32
    %dma_wait3A_151 = arith.constant 0 : i32
    %dma_wait3A_152 = tpu.memref_slice %arg8[%dma_wait3A_150, %dma_wait3A_151] : memref<10240x128xf32, #tpu.memory_space<vmem_shared>> -> memref<10240x128xf32, #tpu.memory_space<vmem_shared>>
    %dma_wait3A_153 = tpu.memref_slice %arg11[%dma_wait3A_142] : memref<4x!tpu.dma_semaphore, #tpu.memory_space<semaphore_mem>> -> memref<1x!tpu.dma_semaphore, #tpu.memory_space<semaphore_mem>>
    %dma_wait3A_154 = tpu.memref_squeeze %dma_wait3A_153 : memref<1x!tpu.dma_semaphore, #tpu.memory_space<semaphore_mem>> -> memref<!tpu.dma_semaphore, #tpu.memory_space<semaphore_mem>>
    tpu.wait_indirect_dma semaphore(%dma_wait3A_154 : memref<!tpu.dma_semaphore, #tpu.memory_space<semaphore_mem>>) src(%dma_wait3A_146 : memref<80x128xf32, #tpu.memory_space<vmem>>) dst(%dma_wait3A_152 : memref<10240x128xf32, #tpu.memory_space<vmem_shared>>)
    %barrier3A_155 = arith.constant 0 : index
    tpu.barrier barrier_id(%barrier3A_155)
    %mul3A_156 = arith.constant 640 : i32
    %mul3A_157 = arith.muli %arg1, %mul3A_156 : i32
    %mul3A_158 = arith.constant 640 : i32
    %mul3A_159 = arith.muli %arg1, %mul3A_158 : i32
    "tpu.region"() ({
      %run_scoped3A = tpu.sem_alloc : memref<!tpu.dma_semaphore, #tpu.memory_space<semaphore_mem>>
      %dma_start3A_160 = arith.constant 0 : i32
      %dma_start3A_161 = tpu.memref_slice %arg5[%arg0, %mul3A_159, %dma_start3A_160] : memref<2x10240x128xf32, #tpu.memory_space<hbm>> -> memref<1x640x128xf32, #tpu.memory_space<hbm>>
      %dma_start3A_162 = tpu.memref_squeeze %dma_start3A_161 : memref<1x640x128xf32, #tpu.memory_space<hbm>> -> memref<640x128xf32, #tpu.memory_space<hbm>>
      %dma_start3A_163 = arith.constant 0 : i32
      %dma_start3A_164 = tpu.memref_slice %arg8[%mul3A_157, %dma_start3A_163] : memref<10240x128xf32, #tpu.memory_space<vmem_shared>> -> memref<640x128xf32, #tpu.memory_space<vmem_shared>>
      tpu.enqueue_dma source(%dma_start3A_164 : memref<640x128xf32, #tpu.memory_space<vmem_shared>>) target(%dma_start3A_162 : memref<640x128xf32, #tpu.memory_space<hbm>>) target_semaphore(%run_scoped3A : memref<!tpu.dma_semaphore, #tpu.memory_space<semaphore_mem>>)
      %dma_wait3A_165 = arith.constant 0 : i32
      %dma_wait3A_166 = tpu.memref_slice %arg5[%arg0, %mul3A_159, %dma_wait3A_165] : memref<2x10240x128xf32, #tpu.memory_space<hbm>> -> memref<1x640x128xf32, #tpu.memory_space<hbm>>
      %dma_wait3A_167 = tpu.memref_squeeze %dma_wait3A_166 : memref<1x640x128xf32, #tpu.memory_space<hbm>> -> memref<640x128xf32, #tpu.memory_space<hbm>>
      %dma_wait3A_168 = arith.constant 0 : i32
      %dma_wait3A_169 = tpu.memref_slice %arg8[%mul3A_157, %dma_wait3A_168] : memref<10240x128xf32, #tpu.memory_space<vmem_shared>> -> memref<640x128xf32, #tpu.memory_space<vmem_shared>>
      tpu.wait_dma2 semaphore(%run_scoped3A : memref<!tpu.dma_semaphore, #tpu.memory_space<semaphore_mem>>) src(%dma_wait3A_169 : memref<640x128xf32, #tpu.memory_space<vmem_shared>>) dst(%dma_wait3A_167 : memref<640x128xf32, #tpu.memory_space<hbm>>)
      tpu.yield
    }) : () -> ()
    return
  }
}

#map = affine_map<(d0, d1) -> (0, 0)>
#map1 = affine_map<(d0, d1) -> (0, 0, 0, 0)>
#map2 = affine_map<(d0, d1) -> (0, 0, 0)>
module attributes {stable_mosaic.version = 14 : i64} {
  func.func @_sc_agg_body(%arg0: i32, %arg1: i32, %arg2: memref<10240x128xf32, #tpu.memory_space<hbm>>, %arg3: memref<32x128x2x80xi32, #tpu.memory_space<hbm>>, %arg4: memref<10240x128xf32, #tpu.memory_space<hbm>>, %arg5: memref<2x10240x128xf32, #tpu.memory_space<hbm>>, %arg6: memref<8x2x80xi32, #tpu.memory_space<vmem>>, %arg7: memref<4x80x128xf32, #tpu.memory_space<vmem>>, %arg8: memref<10240x128xf32, #tpu.memory_space<vmem_shared>>, %arg9: memref<8x!tpu.dma_semaphore, #tpu.memory_space<semaphore_mem>>, %arg10: memref<4x!tpu.dma_semaphore, #tpu.memory_space<semaphore_mem>>, %arg11: memref<4x!tpu.dma_semaphore, #tpu.memory_space<semaphore_mem>>) attributes {dimension_semantics = [#tpu.dimension_semantics<core_parallel>, #tpu.dimension_semantics<subcore_parallel>], iteration_bounds = array<i64: 2, 16>, scalar_prefetch = 0 : i64, scratch_operands = 6 : i64, tpu.core_type = #tpu.core_type<sc_vector_subcore>, window_params = [{transform_indices = #map}, {transform_indices = #map1}, {transform_indices = #map}, {transform_indices = #map2}]} {
    %mul3A = arith.constant 16 : i32
    %mul3A_0 = arith.muli %arg0, %mul3A : i32
    %add3A = arith.addi %mul3A_0, %arg1 : i32
    %mul3A_1 = arith.constant 640 : i32
    %mul3A_2 = arith.muli %arg1, %mul3A_1 : i32
    %mul3A_3 = arith.constant 640 : i32
    %mul3A_4 = arith.muli %arg1, %mul3A_3 : i32
    "tpu.region"() ({
      %run_scoped3A = tpu.sem_alloc : memref<!tpu.dma_semaphore, #tpu.memory_space<semaphore_mem>>
      %dma_start3A_160 = arith.constant 0 : i32
      %dma_start3A_161 = tpu.memref_slice %arg8[%mul3A_4, %dma_start3A_160] : memref<10240x128xf32, #tpu.memory_space<vmem_shared>> -> memref<640x128xf32, #tpu.memory_space<vmem_shared>>
      %dma_start3A_162 = arith.constant 0 : i32
      %dma_start3A_163 = tpu.memref_slice %arg4[%mul3A_2, %dma_start3A_162] : memref<10240x128xf32, #tpu.memory_space<hbm>> -> memref<640x128xf32, #tpu.memory_space<hbm>>
      tpu.enqueue_dma source(%dma_start3A_163 : memref<640x128xf32, #tpu.memory_space<hbm>>) target(%dma_start3A_161 : memref<640x128xf32, #tpu.memory_space<vmem_shared>>) target_semaphore(%run_scoped3A : memref<!tpu.dma_semaphore, #tpu.memory_space<semaphore_mem>>)
      %dma_wait3A_164 = arith.constant 0 : i32
      %dma_wait3A_165 = tpu.memref_slice %arg8[%mul3A_4, %dma_wait3A_164] : memref<10240x128xf32, #tpu.memory_space<vmem_shared>> -> memref<640x128xf32, #tpu.memory_space<vmem_shared>>
      %dma_wait3A_166 = arith.constant 0 : i32
      %dma_wait3A_167 = tpu.memref_slice %arg4[%mul3A_2, %dma_wait3A_166] : memref<10240x128xf32, #tpu.memory_space<hbm>> -> memref<640x128xf32, #tpu.memory_space<hbm>>
      tpu.wait_dma2 semaphore(%run_scoped3A : memref<!tpu.dma_semaphore, #tpu.memory_space<semaphore_mem>>) src(%dma_wait3A_167 : memref<640x128xf32, #tpu.memory_space<hbm>>) dst(%dma_wait3A_165 : memref<640x128xf32, #tpu.memory_space<vmem_shared>>)
      tpu.yield
    }) : () -> ()
    %dma_start3A = arith.constant 0 : i32
    %dma_start3A_5 = arith.constant 0 : i32
    %dma_start3A_6 = arith.constant 0 : i32
    %dma_start3A_7 = arith.constant 0 : i32
    %dma_start3A_8 = arith.constant 0 : i32
    %dma_start3A_9 = tpu.memref_slice %arg6[%dma_start3A_5, %dma_start3A_7, %dma_start3A_8] : memref<8x2x80xi32, #tpu.memory_space<vmem>> -> memref<1x2x80xi32, #tpu.memory_space<vmem>>
    %dma_start3A_10 = tpu.memref_squeeze %dma_start3A_9 : memref<1x2x80xi32, #tpu.memory_space<vmem>> -> memref<2x80xi32, #tpu.memory_space<vmem>>
    %dma_start3A_11 = arith.constant 0 : i32
    %dma_start3A_12 = arith.constant 0 : i32
    %dma_start3A_13 = tpu.memref_slice %arg3[%add3A, %dma_start3A, %dma_start3A_11, %dma_start3A_12] : memref<32x128x2x80xi32, #tpu.memory_space<hbm>> -> memref<1x1x2x80xi32, #tpu.memory_space<hbm>>
    %dma_start3A_14 = tpu.memref_squeeze %dma_start3A_13 : memref<1x1x2x80xi32, #tpu.memory_space<hbm>> -> memref<2x80xi32, #tpu.memory_space<hbm>>
    %dma_start3A_15 = tpu.memref_slice %arg9[%dma_start3A_6] : memref<8x!tpu.dma_semaphore, #tpu.memory_space<semaphore_mem>> -> memref<1x!tpu.dma_semaphore, #tpu.memory_space<semaphore_mem>>
    %dma_start3A_16 = tpu.memref_squeeze %dma_start3A_15 : memref<1x!tpu.dma_semaphore, #tpu.memory_space<semaphore_mem>> -> memref<!tpu.dma_semaphore, #tpu.memory_space<semaphore_mem>>
    %dma_start3A_17 = arith.constant 0 : i32
    %dma_start3A_18 = arith.constant 0 : i32
    %dma_start3A_19 = tpu.memref_slice %arg6[%dma_start3A_5, %dma_start3A_17, %dma_start3A_18] : memref<8x2x80xi32, #tpu.memory_space<vmem>> -> memref<1x2x80xi32, #tpu.memory_space<vmem>>
    %dma_start3A_20 = tpu.memref_squeeze %dma_start3A_19 : memref<1x2x80xi32, #tpu.memory_space<vmem>> -> memref<2x80xi32, #tpu.memory_space<vmem>>
    %dma_start3A_21 = arith.constant 0 : i32
    %dma_start3A_22 = arith.constant 0 : i32
    %dma_start3A_23 = tpu.memref_slice %arg3[%add3A, %dma_start3A, %dma_start3A_21, %dma_start3A_22] : memref<32x128x2x80xi32, #tpu.memory_space<hbm>> -> memref<1x1x2x80xi32, #tpu.memory_space<hbm>>
    %dma_start3A_24 = tpu.memref_squeeze %dma_start3A_23 : memref<1x1x2x80xi32, #tpu.memory_space<hbm>> -> memref<2x80xi32, #tpu.memory_space<hbm>>
    tpu.enqueue_dma source(%dma_start3A_24 : memref<2x80xi32, #tpu.memory_space<hbm>>) target(%dma_start3A_20 : memref<2x80xi32, #tpu.memory_space<vmem>>) target_semaphore(%dma_start3A_16 : memref<!tpu.dma_semaphore, #tpu.memory_space<semaphore_mem>>)
    %dma_start3A_25 = arith.constant 1 : i32
    %dma_start3A_26 = arith.constant 1 : i32
    %dma_start3A_27 = arith.constant 1 : i32
    %dma_start3A_28 = arith.constant 0 : i32
    %dma_start3A_29 = arith.constant 0 : i32
    %dma_start3A_30 = tpu.memref_slice %arg6[%dma_start3A_26, %dma_start3A_28, %dma_start3A_29] : memref<8x2x80xi32, #tpu.memory_space<vmem>> -> memref<1x2x80xi32, #tpu.memory_space<vmem>>
    %dma_start3A_31 = tpu.memref_squeeze %dma_start3A_30 : memref<1x2x80xi32, #tpu.memory_space<vmem>> -> memref<2x80xi32, #tpu.memory_space<vmem>>
    %dma_start3A_32 = arith.constant 0 : i32
    %dma_start3A_33 = arith.constant 0 : i32
    %dma_start3A_34 = tpu.memref_slice %arg3[%add3A, %dma_start3A_25, %dma_start3A_32, %dma_start3A_33] : memref<32x128x2x80xi32, #tpu.memory_space<hbm>> -> memref<1x1x2x80xi32, #tpu.memory_space<hbm>>
    %dma_start3A_35 = tpu.memref_squeeze %dma_start3A_34 : memref<1x1x2x80xi32, #tpu.memory_space<hbm>> -> memref<2x80xi32, #tpu.memory_space<hbm>>
    %dma_start3A_36 = tpu.memref_slice %arg9[%dma_start3A_27] : memref<8x!tpu.dma_semaphore, #tpu.memory_space<semaphore_mem>> -> memref<1x!tpu.dma_semaphore, #tpu.memory_space<semaphore_mem>>
    %dma_start3A_37 = tpu.memref_squeeze %dma_start3A_36 : memref<1x!tpu.dma_semaphore, #tpu.memory_space<semaphore_mem>> -> memref<!tpu.dma_semaphore, #tpu.memory_space<semaphore_mem>>
    %dma_start3A_38 = arith.constant 0 : i32
    %dma_start3A_39 = arith.constant 0 : i32
    %dma_start3A_40 = tpu.memref_slice %arg6[%dma_start3A_26, %dma_start3A_38, %dma_start3A_39] : memref<8x2x80xi32, #tpu.memory_space<vmem>> -> memref<1x2x80xi32, #tpu.memory_space<vmem>>
    %dma_start3A_41 = tpu.memref_squeeze %dma_start3A_40 : memref<1x2x80xi32, #tpu.memory_space<vmem>> -> memref<2x80xi32, #tpu.memory_space<vmem>>
    %dma_start3A_42 = arith.constant 0 : i32
    %dma_start3A_43 = arith.constant 0 : i32
    %dma_start3A_44 = tpu.memref_slice %arg3[%add3A, %dma_start3A_25, %dma_start3A_42, %dma_start3A_43] : memref<32x128x2x80xi32, #tpu.memory_space<hbm>> -> memref<1x1x2x80xi32, #tpu.memory_space<hbm>>
    %dma_start3A_45 = tpu.memref_squeeze %dma_start3A_44 : memref<1x1x2x80xi32, #tpu.memory_space<hbm>> -> memref<2x80xi32, #tpu.memory_space<hbm>>
    tpu.enqueue_dma source(%dma_start3A_45 : memref<2x80xi32, #tpu.memory_space<hbm>>) target(%dma_start3A_41 : memref<2x80xi32, #tpu.memory_space<vmem>>) target_semaphore(%dma_start3A_37 : memref<!tpu.dma_semaphore, #tpu.memory_space<semaphore_mem>>)
    %dma_start3A_46 = arith.constant 2 : i32
    %dma_start3A_47 = arith.constant 2 : i32
    %dma_start3A_48 = arith.constant 2 : i32
    %dma_start3A_49 = arith.constant 0 : i32
    %dma_start3A_50 = arith.constant 0 : i32
    %dma_start3A_51 = tpu.memref_slice %arg6[%dma_start3A_47, %dma_start3A_49, %dma_start3A_50] : memref<8x2x80xi32, #tpu.memory_space<vmem>> -> memref<1x2x80xi32, #tpu.memory_space<vmem>>
    %dma_start3A_52 = tpu.memref_squeeze %dma_start3A_51 : memref<1x2x80xi32, #tpu.memory_space<vmem>> -> memref<2x80xi32, #tpu.memory_space<vmem>>
    %dma_start3A_53 = arith.constant 0 : i32
    %dma_start3A_54 = arith.constant 0 : i32
    %dma_start3A_55 = tpu.memref_slice %arg3[%add3A, %dma_start3A_46, %dma_start3A_53, %dma_start3A_54] : memref<32x128x2x80xi32, #tpu.memory_space<hbm>> -> memref<1x1x2x80xi32, #tpu.memory_space<hbm>>
    %dma_start3A_56 = tpu.memref_squeeze %dma_start3A_55 : memref<1x1x2x80xi32, #tpu.memory_space<hbm>> -> memref<2x80xi32, #tpu.memory_space<hbm>>
    %dma_start3A_57 = tpu.memref_slice %arg9[%dma_start3A_48] : memref<8x!tpu.dma_semaphore, #tpu.memory_space<semaphore_mem>> -> memref<1x!tpu.dma_semaphore, #tpu.memory_space<semaphore_mem>>
    %dma_start3A_58 = tpu.memref_squeeze %dma_start3A_57 : memref<1x!tpu.dma_semaphore, #tpu.memory_space<semaphore_mem>> -> memref<!tpu.dma_semaphore, #tpu.memory_space<semaphore_mem>>
    %dma_start3A_59 = arith.constant 0 : i32
    %dma_start3A_60 = arith.constant 0 : i32
    %dma_start3A_61 = tpu.memref_slice %arg6[%dma_start3A_47, %dma_start3A_59, %dma_start3A_60] : memref<8x2x80xi32, #tpu.memory_space<vmem>> -> memref<1x2x80xi32, #tpu.memory_space<vmem>>
    %dma_start3A_62 = tpu.memref_squeeze %dma_start3A_61 : memref<1x2x80xi32, #tpu.memory_space<vmem>> -> memref<2x80xi32, #tpu.memory_space<vmem>>
    %dma_start3A_63 = arith.constant 0 : i32
    %dma_start3A_64 = arith.constant 0 : i32
    %dma_start3A_65 = tpu.memref_slice %arg3[%add3A, %dma_start3A_46, %dma_start3A_63, %dma_start3A_64] : memref<32x128x2x80xi32, #tpu.memory_space<hbm>> -> memref<1x1x2x80xi32, #tpu.memory_space<hbm>>
    %dma_start3A_66 = tpu.memref_squeeze %dma_start3A_65 : memref<1x1x2x80xi32, #tpu.memory_space<hbm>> -> memref<2x80xi32, #tpu.memory_space<hbm>>
    tpu.enqueue_dma source(%dma_start3A_66 : memref<2x80xi32, #tpu.memory_space<hbm>>) target(%dma_start3A_62 : memref<2x80xi32, #tpu.memory_space<vmem>>) target_semaphore(%dma_start3A_58 : memref<!tpu.dma_semaphore, #tpu.memory_space<semaphore_mem>>)
    %dma_start3A_67 = arith.constant 3 : i32
    %dma_start3A_68 = arith.constant 3 : i32
    %dma_start3A_69 = arith.constant 3 : i32
    %dma_start3A_70 = arith.constant 0 : i32
    %dma_start3A_71 = arith.constant 0 : i32
    %dma_start3A_72 = tpu.memref_slice %arg6[%dma_start3A_68, %dma_start3A_70, %dma_start3A_71] : memref<8x2x80xi32, #tpu.memory_space<vmem>> -> memref<1x2x80xi32, #tpu.memory_space<vmem>>
    %dma_start3A_73 = tpu.memref_squeeze %dma_start3A_72 : memref<1x2x80xi32, #tpu.memory_space<vmem>> -> memref<2x80xi32, #tpu.memory_space<vmem>>
    %dma_start3A_74 = arith.constant 0 : i32
    %dma_start3A_75 = arith.constant 0 : i32
    %dma_start3A_76 = tpu.memref_slice %arg3[%add3A, %dma_start3A_67, %dma_start3A_74, %dma_start3A_75] : memref<32x128x2x80xi32, #tpu.memory_space<hbm>> -> memref<1x1x2x80xi32, #tpu.memory_space<hbm>>
    %dma_start3A_77 = tpu.memref_squeeze %dma_start3A_76 : memref<1x1x2x80xi32, #tpu.memory_space<hbm>> -> memref<2x80xi32, #tpu.memory_space<hbm>>
    %dma_start3A_78 = tpu.memref_slice %arg9[%dma_start3A_69] : memref<8x!tpu.dma_semaphore, #tpu.memory_space<semaphore_mem>> -> memref<1x!tpu.dma_semaphore, #tpu.memory_space<semaphore_mem>>
    %dma_start3A_79 = tpu.memref_squeeze %dma_start3A_78 : memref<1x!tpu.dma_semaphore, #tpu.memory_space<semaphore_mem>> -> memref<!tpu.dma_semaphore, #tpu.memory_space<semaphore_mem>>
    %dma_start3A_80 = arith.constant 0 : i32
    %dma_start3A_81 = arith.constant 0 : i32
    %dma_start3A_82 = tpu.memref_slice %arg6[%dma_start3A_68, %dma_start3A_80, %dma_start3A_81] : memref<8x2x80xi32, #tpu.memory_space<vmem>> -> memref<1x2x80xi32, #tpu.memory_space<vmem>>
    %dma_start3A_83 = tpu.memref_squeeze %dma_start3A_82 : memref<1x2x80xi32, #tpu.memory_space<vmem>> -> memref<2x80xi32, #tpu.memory_space<vmem>>
    %dma_start3A_84 = arith.constant 0 : i32
    %dma_start3A_85 = arith.constant 0 : i32
    %dma_start3A_86 = tpu.memref_slice %arg3[%add3A, %dma_start3A_67, %dma_start3A_84, %dma_start3A_85] : memref<32x128x2x80xi32, #tpu.memory_space<hbm>> -> memref<1x1x2x80xi32, #tpu.memory_space<hbm>>
    %dma_start3A_87 = tpu.memref_squeeze %dma_start3A_86 : memref<1x1x2x80xi32, #tpu.memory_space<hbm>> -> memref<2x80xi32, #tpu.memory_space<hbm>>
    tpu.enqueue_dma source(%dma_start3A_87 : memref<2x80xi32, #tpu.memory_space<hbm>>) target(%dma_start3A_83 : memref<2x80xi32, #tpu.memory_space<vmem>>) target_semaphore(%dma_start3A_79 : memref<!tpu.dma_semaphore, #tpu.memory_space<semaphore_mem>>)
    %barrier3A = arith.constant 0 : index
    tpu.barrier barrier_id(%barrier3A)
    %scan3A = arith.constant 0 : i32
    %scan3A_88 = arith.constant 32 : i32
    %scan3A_89 = arith.addi %scan3A, %scan3A_88 : i32
    %scan3A_90 = arith.constant 1 : i32
    scf.for %scan3A_160 = %scan3A to %scan3A_89 step %scan3A_90  : i32 {
      %mul3A_161 = arith.constant 4 : i32
      %mul3A_162 = arith.muli %scan3A_160, %mul3A_161 : i32
      %add3A_163 = arith.constant 0 : i32
      %add3A_164 = arith.addi %add3A_163, %mul3A_162 : i32
      %add3A_165 = arith.constant 0 : i32
      %add3A_166 = arith.addi %add3A_164, %add3A_165 : i32
      %jit3A = arith.constant 8 : i32
      %eq3A = arith.constant 0 : i32
      %eq3A_167 = arith.cmpi eq, %jit3A, %eq3A : i32
      %jit3A_168 = arith.constant 1 : i32
      %select_n3A = arith.select %eq3A_167, %jit3A_168, %jit3A : i32
      %rem3A = arith.remsi %add3A_166, %select_n3A : i32
      %ne3A = arith.constant 0 : i32
      %ne3A_169 = arith.cmpi ne, %rem3A, %ne3A : i32
      %lt3A = arith.constant 0 : i32
      %lt3A_170 = arith.cmpi slt, %rem3A, %lt3A : i32
      %lt3A_171 = arith.constant 0 : i32
      %lt3A_172 = arith.cmpi slt, %select_n3A, %lt3A_171 : i32
      %ne3A_173 = arith.xori %lt3A_170, %lt3A_172 : i1
      %and3A = arith.andi %ne3A_173, %ne3A_169 : i1
      %add3A_174 = arith.addi %rem3A, %select_n3A : i32
      %select_n3A_175 = arith.select %and3A, %add3A_174, %rem3A : i32
      %ge3A = arith.constant 4 : i32
      %ge3A_176 = arith.cmpi sge, %add3A_166, %ge3A : i32
      %convert_element_type3A = arith.extui %ge3A_176 : i1 to i32
      %cond3A = arith.constant 0 : i32
      %cond3A_177 = arith.cmpi ne, %convert_element_type3A, %cond3A : i32
      scf.if %cond3A_177 {
        %sub3A = arith.constant 4 : i32
        %sub3A_599 = arith.subi %add3A_166, %sub3A : i32
        %jit3A_600 = arith.constant 8 : i32
        %eq3A_601 = arith.constant 0 : i32
        %eq3A_602 = arith.cmpi eq, %jit3A_600, %eq3A_601 : i32
        %jit3A_603 = arith.constant 1 : i32
        %select_n3A_604 = arith.select %eq3A_602, %jit3A_603, %jit3A_600 : i32
        %rem3A_605 = arith.remsi %sub3A_599, %select_n3A_604 : i32
        %ne3A_606 = arith.constant 0 : i32
        %ne3A_607 = arith.cmpi ne, %rem3A_605, %ne3A_606 : i32
        %lt3A_608 = arith.constant 0 : i32
        %lt3A_609 = arith.cmpi slt, %rem3A_605, %lt3A_608 : i32
        %lt3A_610 = arith.constant 0 : i32
        %lt3A_611 = arith.cmpi slt, %select_n3A_604, %lt3A_610 : i32
        %ne3A_612 = arith.xori %lt3A_609, %lt3A_611 : i1
        %and3A_613 = arith.andi %ne3A_612, %ne3A_607 : i1
        %add3A_614 = arith.addi %rem3A_605, %select_n3A_604 : i32
        %select_n3A_615 = arith.select %and3A_613, %add3A_614, %rem3A_605 : i32
        %dma_wait3A_616 = arith.constant 0 : i32
        %dma_wait3A_617 = arith.constant 1 : i32
        %dma_wait3A_618 = arith.constant 0 : i32
        %dma_wait3A_619 = arith.constant 0 : i32
        %dma_wait3A_620 = arith.constant 0 : i32
        %dma_wait3A_621 = tpu.memref_slice %arg7[%dma_wait3A_616, %dma_wait3A_619, %dma_wait3A_620] : memref<4x80x128xf32, #tpu.memory_space<vmem>> -> memref<1x80x128xf32, #tpu.memory_space<vmem>>
        %dma_wait3A_622 = tpu.memref_squeeze %dma_wait3A_621 : memref<1x80x128xf32, #tpu.memory_space<vmem>> -> memref<80x128xf32, #tpu.memory_space<vmem>>
        %dma_wait3A_623 = arith.constant 0 : i32
        %dma_wait3A_624 = tpu.memref_slice %arg6[%select_n3A_615, %dma_wait3A_617, %dma_wait3A_623] : memref<8x2x80xi32, #tpu.memory_space<vmem>> -> memref<1x1x80xi32, #tpu.memory_space<vmem>>
        %dma_wait3A_625 = tpu.memref_squeeze %dma_wait3A_624 : memref<1x1x80xi32, #tpu.memory_space<vmem>> -> memref<80xi32, #tpu.memory_space<vmem>>
        %dma_wait3A_626 = arith.constant 0 : i32
        %dma_wait3A_627 = arith.constant 0 : i32
        %dma_wait3A_628 = tpu.memref_slice %arg8[%dma_wait3A_626, %dma_wait3A_627] : memref<10240x128xf32, #tpu.memory_space<vmem_shared>> -> memref<10240x128xf32, #tpu.memory_space<vmem_shared>>
        %dma_wait3A_629 = tpu.memref_slice %arg11[%dma_wait3A_618] : memref<4x!tpu.dma_semaphore, #tpu.memory_space<semaphore_mem>> -> memref<1x!tpu.dma_semaphore, #tpu.memory_space<semaphore_mem>>
        %dma_wait3A_630 = tpu.memref_squeeze %dma_wait3A_629 : memref<1x!tpu.dma_semaphore, #tpu.memory_space<semaphore_mem>> -> memref<!tpu.dma_semaphore, #tpu.memory_space<semaphore_mem>>
        tpu.wait_indirect_dma semaphore(%dma_wait3A_630 : memref<!tpu.dma_semaphore, #tpu.memory_space<semaphore_mem>>) src(%dma_wait3A_622 : memref<80x128xf32, #tpu.memory_space<vmem>>) dst(%dma_wait3A_628 : memref<10240x128xf32, #tpu.memory_space<vmem_shared>>)
      } else {
      }
      %add3A_178 = arith.constant 4 : i32
      %add3A_179 = arith.addi %add3A_166, %add3A_178 : i32
      %lt3A_180 = arith.constant 128 : i32
      %lt3A_181 = arith.cmpi slt, %add3A_179, %lt3A_180 : i32
      %convert_element_type3A_182 = arith.extui %lt3A_181 : i1 to i32
      %cond3A_183 = arith.constant 0 : i32
      %cond3A_184 = arith.cmpi ne, %convert_element_type3A_182, %cond3A_183 : i32
      scf.if %cond3A_184 {
        %add3A_599 = arith.constant 4 : i32
        %add3A_600 = arith.addi %add3A_166, %add3A_599 : i32
        %jit3A_601 = arith.constant 8 : i32
        %eq3A_602 = arith.constant 0 : i32
        %eq3A_603 = arith.cmpi eq, %jit3A_601, %eq3A_602 : i32
        %jit3A_604 = arith.constant 1 : i32
        %select_n3A_605 = arith.select %eq3A_603, %jit3A_604, %jit3A_601 : i32
        %rem3A_606 = arith.remsi %add3A_600, %select_n3A_605 : i32
        %ne3A_607 = arith.constant 0 : i32
        %ne3A_608 = arith.cmpi ne, %rem3A_606, %ne3A_607 : i32
        %lt3A_609 = arith.constant 0 : i32
        %lt3A_610 = arith.cmpi slt, %rem3A_606, %lt3A_609 : i32
        %lt3A_611 = arith.constant 0 : i32
        %lt3A_612 = arith.cmpi slt, %select_n3A_605, %lt3A_611 : i32
        %ne3A_613 = arith.xori %lt3A_610, %lt3A_612 : i1
        %and3A_614 = arith.andi %ne3A_613, %ne3A_608 : i1
        %add3A_615 = arith.addi %rem3A_606, %select_n3A_605 : i32
        %select_n3A_616 = arith.select %and3A_614, %add3A_615, %rem3A_606 : i32
        %add3A_617 = arith.constant 4 : i32
        %add3A_618 = arith.addi %add3A_166, %add3A_617 : i32
        %dma_start3A_619 = arith.constant 0 : i32
        %dma_start3A_620 = arith.constant 0 : i32
        %dma_start3A_621 = tpu.memref_slice %arg6[%select_n3A_616, %dma_start3A_619, %dma_start3A_620] : memref<8x2x80xi32, #tpu.memory_space<vmem>> -> memref<1x2x80xi32, #tpu.memory_space<vmem>>
        %dma_start3A_622 = tpu.memref_squeeze %dma_start3A_621 : memref<1x2x80xi32, #tpu.memory_space<vmem>> -> memref<2x80xi32, #tpu.memory_space<vmem>>
        %dma_start3A_623 = arith.constant 0 : i32
        %dma_start3A_624 = arith.constant 0 : i32
        %dma_start3A_625 = tpu.memref_slice %arg3[%add3A, %add3A_618, %dma_start3A_623, %dma_start3A_624] : memref<32x128x2x80xi32, #tpu.memory_space<hbm>> -> memref<1x1x2x80xi32, #tpu.memory_space<hbm>>
        %dma_start3A_626 = tpu.memref_squeeze %dma_start3A_625 : memref<1x1x2x80xi32, #tpu.memory_space<hbm>> -> memref<2x80xi32, #tpu.memory_space<hbm>>
        %dma_start3A_627 = tpu.memref_slice %arg9[%select_n3A_616] : memref<8x!tpu.dma_semaphore, #tpu.memory_space<semaphore_mem>> -> memref<1x!tpu.dma_semaphore, #tpu.memory_space<semaphore_mem>>
        %dma_start3A_628 = tpu.memref_squeeze %dma_start3A_627 : memref<1x!tpu.dma_semaphore, #tpu.memory_space<semaphore_mem>> -> memref<!tpu.dma_semaphore, #tpu.memory_space<semaphore_mem>>
        %dma_start3A_629 = arith.constant 0 : i32
        %dma_start3A_630 = arith.constant 0 : i32
        %dma_start3A_631 = tpu.memref_slice %arg6[%select_n3A_616, %dma_start3A_629, %dma_start3A_630] : memref<8x2x80xi32, #tpu.memory_space<vmem>> -> memref<1x2x80xi32, #tpu.memory_space<vmem>>
        %dma_start3A_632 = tpu.memref_squeeze %dma_start3A_631 : memref<1x2x80xi32, #tpu.memory_space<vmem>> -> memref<2x80xi32, #tpu.memory_space<vmem>>
        %dma_start3A_633 = arith.constant 0 : i32
        %dma_start3A_634 = arith.constant 0 : i32
        %dma_start3A_635 = tpu.memref_slice %arg3[%add3A, %add3A_618, %dma_start3A_633, %dma_start3A_634] : memref<32x128x2x80xi32, #tpu.memory_space<hbm>> -> memref<1x1x2x80xi32, #tpu.memory_space<hbm>>
        %dma_start3A_636 = tpu.memref_squeeze %dma_start3A_635 : memref<1x1x2x80xi32, #tpu.memory_space<hbm>> -> memref<2x80xi32, #tpu.memory_space<hbm>>
        tpu.enqueue_dma source(%dma_start3A_636 : memref<2x80xi32, #tpu.memory_space<hbm>>) target(%dma_start3A_632 : memref<2x80xi32, #tpu.memory_space<vmem>>) target_semaphore(%dma_start3A_628 : memref<!tpu.dma_semaphore, #tpu.memory_space<semaphore_mem>>)
      } else {
      }
      %dma_wait3A_185 = arith.constant 0 : i32
      %dma_wait3A_186 = arith.constant 0 : i32
      %dma_wait3A_187 = tpu.memref_slice %arg6[%select_n3A_175, %dma_wait3A_185, %dma_wait3A_186] : memref<8x2x80xi32, #tpu.memory_space<vmem>> -> memref<1x2x80xi32, #tpu.memory_space<vmem>>
      %dma_wait3A_188 = tpu.memref_squeeze %dma_wait3A_187 : memref<1x2x80xi32, #tpu.memory_space<vmem>> -> memref<2x80xi32, #tpu.memory_space<vmem>>
      %dma_wait3A_189 = arith.constant 0 : i32
      %dma_wait3A_190 = arith.constant 0 : i32
      %dma_wait3A_191 = tpu.memref_slice %arg3[%add3A, %add3A_166, %dma_wait3A_189, %dma_wait3A_190] : memref<32x128x2x80xi32, #tpu.memory_space<hbm>> -> memref<1x1x2x80xi32, #tpu.memory_space<hbm>>
      %dma_wait3A_192 = tpu.memref_squeeze %dma_wait3A_191 : memref<1x1x2x80xi32, #tpu.memory_space<hbm>> -> memref<2x80xi32, #tpu.memory_space<hbm>>
      %dma_wait3A_193 = tpu.memref_slice %arg9[%select_n3A_175] : memref<8x!tpu.dma_semaphore, #tpu.memory_space<semaphore_mem>> -> memref<1x!tpu.dma_semaphore, #tpu.memory_space<semaphore_mem>>
      %dma_wait3A_194 = tpu.memref_squeeze %dma_wait3A_193 : memref<1x!tpu.dma_semaphore, #tpu.memory_space<semaphore_mem>> -> memref<!tpu.dma_semaphore, #tpu.memory_space<semaphore_mem>>
      %dma_wait3A_195 = arith.constant 0 : i32
      %dma_wait3A_196 = arith.constant 0 : i32
      %dma_wait3A_197 = tpu.memref_slice %arg6[%select_n3A_175, %dma_wait3A_195, %dma_wait3A_196] : memref<8x2x80xi32, #tpu.memory_space<vmem>> -> memref<1x2x80xi32, #tpu.memory_space<vmem>>
      %dma_wait3A_198 = tpu.memref_squeeze %dma_wait3A_197 : memref<1x2x80xi32, #tpu.memory_space<vmem>> -> memref<2x80xi32, #tpu.memory_space<vmem>>
      %dma_wait3A_199 = arith.constant 0 : i32
      %dma_wait3A_200 = arith.constant 0 : i32
      %dma_wait3A_201 = tpu.memref_slice %arg3[%add3A, %add3A_166, %dma_wait3A_199, %dma_wait3A_200] : memref<32x128x2x80xi32, #tpu.memory_space<hbm>> -> memref<1x1x2x80xi32, #tpu.memory_space<hbm>>
      %dma_wait3A_202 = tpu.memref_squeeze %dma_wait3A_201 : memref<1x1x2x80xi32, #tpu.memory_space<hbm>> -> memref<2x80xi32, #tpu.memory_space<hbm>>
      tpu.wait_dma2 semaphore(%dma_wait3A_194 : memref<!tpu.dma_semaphore, #tpu.memory_space<semaphore_mem>>) src(%dma_wait3A_202 : memref<2x80xi32, #tpu.memory_space<hbm>>) dst(%dma_wait3A_198 : memref<2x80xi32, #tpu.memory_space<vmem>>)
      %dma_start3A_203 = arith.constant 0 : i32
      %dma_start3A_204 = arith.constant 0 : i32
      %dma_start3A_205 = arith.constant 0 : i32
      %dma_start3A_206 = arith.constant 0 : i32
      %dma_start3A_207 = arith.constant 0 : i32
      %dma_start3A_208 = tpu.memref_slice %arg7[%dma_start3A_204, %dma_start3A_206, %dma_start3A_207] : memref<4x80x128xf32, #tpu.memory_space<vmem>> -> memref<1x80x128xf32, #tpu.memory_space<vmem>>
      %dma_start3A_209 = tpu.memref_squeeze %dma_start3A_208 : memref<1x80x128xf32, #tpu.memory_space<vmem>> -> memref<80x128xf32, #tpu.memory_space<vmem>>
      %dma_start3A_210 = arith.constant 0 : i32
      %dma_start3A_211 = tpu.memref_slice %arg6[%select_n3A_175, %dma_start3A_203, %dma_start3A_210] : memref<8x2x80xi32, #tpu.memory_space<vmem>> -> memref<1x1x80xi32, #tpu.memory_space<vmem>>
      %dma_start3A_212 = tpu.memref_squeeze %dma_start3A_211 : memref<1x1x80xi32, #tpu.memory_space<vmem>> -> memref<80xi32, #tpu.memory_space<vmem>>
      %dma_start3A_213 = arith.constant 0 : i32
      %dma_start3A_214 = arith.constant 0 : i32
      %dma_start3A_215 = tpu.memref_slice %arg2[%dma_start3A_213, %dma_start3A_214] : memref<10240x128xf32, #tpu.memory_space<hbm>> -> memref<10240x128xf32, #tpu.memory_space<hbm>>
      %dma_start3A_216 = tpu.memref_slice %arg10[%dma_start3A_205] : memref<4x!tpu.dma_semaphore, #tpu.memory_space<semaphore_mem>> -> memref<1x!tpu.dma_semaphore, #tpu.memory_space<semaphore_mem>>
      %dma_start3A_217 = tpu.memref_squeeze %dma_start3A_216 : memref<1x!tpu.dma_semaphore, #tpu.memory_space<semaphore_mem>> -> memref<!tpu.dma_semaphore, #tpu.memory_space<semaphore_mem>>
      tpu.enqueue_indirect_dma source(%dma_start3A_215 : memref<10240x128xf32, #tpu.memory_space<hbm>>) target(%dma_start3A_209 : memref<80x128xf32, #tpu.memory_space<vmem>>) offsets(%dma_start3A_212 : memref<80xi32, #tpu.memory_space<vmem>>) semaphore(%dma_start3A_217 : memref<!tpu.dma_semaphore, #tpu.memory_space<semaphore_mem>>)
      %add3A_218 = arith.constant 1 : i32
      %add3A_219 = arith.addi %add3A_164, %add3A_218 : i32
      %jit3A_220 = arith.constant 8 : i32
      %eq3A_221 = arith.constant 0 : i32
      %eq3A_222 = arith.cmpi eq, %jit3A_220, %eq3A_221 : i32
      %jit3A_223 = arith.constant 1 : i32
      %select_n3A_224 = arith.select %eq3A_222, %jit3A_223, %jit3A_220 : i32
      %rem3A_225 = arith.remsi %add3A_219, %select_n3A_224 : i32
      %ne3A_226 = arith.constant 0 : i32
      %ne3A_227 = arith.cmpi ne, %rem3A_225, %ne3A_226 : i32
      %lt3A_228 = arith.constant 0 : i32
      %lt3A_229 = arith.cmpi slt, %rem3A_225, %lt3A_228 : i32
      %lt3A_230 = arith.constant 0 : i32
      %lt3A_231 = arith.cmpi slt, %select_n3A_224, %lt3A_230 : i32
      %ne3A_232 = arith.xori %lt3A_229, %lt3A_231 : i1
      %and3A_233 = arith.andi %ne3A_232, %ne3A_227 : i1
      %add3A_234 = arith.addi %rem3A_225, %select_n3A_224 : i32
      %select_n3A_235 = arith.select %and3A_233, %add3A_234, %rem3A_225 : i32
      %ge3A_236 = arith.constant 4 : i32
      %ge3A_237 = arith.cmpi sge, %add3A_219, %ge3A_236 : i32
      %convert_element_type3A_238 = arith.extui %ge3A_237 : i1 to i32
      %cond3A_239 = arith.constant 0 : i32
      %cond3A_240 = arith.cmpi ne, %convert_element_type3A_238, %cond3A_239 : i32
      scf.if %cond3A_240 {
        %sub3A = arith.constant 4 : i32
        %sub3A_599 = arith.subi %add3A_219, %sub3A : i32
        %jit3A_600 = arith.constant 8 : i32
        %eq3A_601 = arith.constant 0 : i32
        %eq3A_602 = arith.cmpi eq, %jit3A_600, %eq3A_601 : i32
        %jit3A_603 = arith.constant 1 : i32
        %select_n3A_604 = arith.select %eq3A_602, %jit3A_603, %jit3A_600 : i32
        %rem3A_605 = arith.remsi %sub3A_599, %select_n3A_604 : i32
        %ne3A_606 = arith.constant 0 : i32
        %ne3A_607 = arith.cmpi ne, %rem3A_605, %ne3A_606 : i32
        %lt3A_608 = arith.constant 0 : i32
        %lt3A_609 = arith.cmpi slt, %rem3A_605, %lt3A_608 : i32
        %lt3A_610 = arith.constant 0 : i32
        %lt3A_611 = arith.cmpi slt, %select_n3A_604, %lt3A_610 : i32
        %ne3A_612 = arith.xori %lt3A_609, %lt3A_611 : i1
        %and3A_613 = arith.andi %ne3A_612, %ne3A_607 : i1
        %add3A_614 = arith.addi %rem3A_605, %select_n3A_604 : i32
        %select_n3A_615 = arith.select %and3A_613, %add3A_614, %rem3A_605 : i32
        %dma_wait3A_616 = arith.constant 1 : i32
        %dma_wait3A_617 = arith.constant 1 : i32
        %dma_wait3A_618 = arith.constant 1 : i32
        %dma_wait3A_619 = arith.constant 0 : i32
        %dma_wait3A_620 = arith.constant 0 : i32
        %dma_wait3A_621 = tpu.memref_slice %arg7[%dma_wait3A_616, %dma_wait3A_619, %dma_wait3A_620] : memref<4x80x128xf32, #tpu.memory_space<vmem>> -> memref<1x80x128xf32, #tpu.memory_space<vmem>>
        %dma_wait3A_622 = tpu.memref_squeeze %dma_wait3A_621 : memref<1x80x128xf32, #tpu.memory_space<vmem>> -> memref<80x128xf32, #tpu.memory_space<vmem>>
        %dma_wait3A_623 = arith.constant 0 : i32
        %dma_wait3A_624 = tpu.memref_slice %arg6[%select_n3A_615, %dma_wait3A_617, %dma_wait3A_623] : memref<8x2x80xi32, #tpu.memory_space<vmem>> -> memref<1x1x80xi32, #tpu.memory_space<vmem>>
        %dma_wait3A_625 = tpu.memref_squeeze %dma_wait3A_624 : memref<1x1x80xi32, #tpu.memory_space<vmem>> -> memref<80xi32, #tpu.memory_space<vmem>>
        %dma_wait3A_626 = arith.constant 0 : i32
        %dma_wait3A_627 = arith.constant 0 : i32
        %dma_wait3A_628 = tpu.memref_slice %arg8[%dma_wait3A_626, %dma_wait3A_627] : memref<10240x128xf32, #tpu.memory_space<vmem_shared>> -> memref<10240x128xf32, #tpu.memory_space<vmem_shared>>
        %dma_wait3A_629 = tpu.memref_slice %arg11[%dma_wait3A_618] : memref<4x!tpu.dma_semaphore, #tpu.memory_space<semaphore_mem>> -> memref<1x!tpu.dma_semaphore, #tpu.memory_space<semaphore_mem>>
        %dma_wait3A_630 = tpu.memref_squeeze %dma_wait3A_629 : memref<1x!tpu.dma_semaphore, #tpu.memory_space<semaphore_mem>> -> memref<!tpu.dma_semaphore, #tpu.memory_space<semaphore_mem>>
        tpu.wait_indirect_dma semaphore(%dma_wait3A_630 : memref<!tpu.dma_semaphore, #tpu.memory_space<semaphore_mem>>) src(%dma_wait3A_622 : memref<80x128xf32, #tpu.memory_space<vmem>>) dst(%dma_wait3A_628 : memref<10240x128xf32, #tpu.memory_space<vmem_shared>>)
      } else {
      }
      %add3A_241 = arith.constant 4 : i32
      %add3A_242 = arith.addi %add3A_219, %add3A_241 : i32
      %lt3A_243 = arith.constant 128 : i32
      %lt3A_244 = arith.cmpi slt, %add3A_242, %lt3A_243 : i32
      %convert_element_type3A_245 = arith.extui %lt3A_244 : i1 to i32
      %cond3A_246 = arith.constant 0 : i32
      %cond3A_247 = arith.cmpi ne, %convert_element_type3A_245, %cond3A_246 : i32
      scf.if %cond3A_247 {
        %add3A_599 = arith.constant 4 : i32
        %add3A_600 = arith.addi %add3A_219, %add3A_599 : i32
        %jit3A_601 = arith.constant 8 : i32
        %eq3A_602 = arith.constant 0 : i32
        %eq3A_603 = arith.cmpi eq, %jit3A_601, %eq3A_602 : i32
        %jit3A_604 = arith.constant 1 : i32
        %select_n3A_605 = arith.select %eq3A_603, %jit3A_604, %jit3A_601 : i32
        %rem3A_606 = arith.remsi %add3A_600, %select_n3A_605 : i32
        %ne3A_607 = arith.constant 0 : i32
        %ne3A_608 = arith.cmpi ne, %rem3A_606, %ne3A_607 : i32
        %lt3A_609 = arith.constant 0 : i32
        %lt3A_610 = arith.cmpi slt, %rem3A_606, %lt3A_609 : i32
        %lt3A_611 = arith.constant 0 : i32
        %lt3A_612 = arith.cmpi slt, %select_n3A_605, %lt3A_611 : i32
        %ne3A_613 = arith.xori %lt3A_610, %lt3A_612 : i1
        %and3A_614 = arith.andi %ne3A_613, %ne3A_608 : i1
        %add3A_615 = arith.addi %rem3A_606, %select_n3A_605 : i32
        %select_n3A_616 = arith.select %and3A_614, %add3A_615, %rem3A_606 : i32
        %add3A_617 = arith.constant 4 : i32
        %add3A_618 = arith.addi %add3A_219, %add3A_617 : i32
        %dma_start3A_619 = arith.constant 0 : i32
        %dma_start3A_620 = arith.constant 0 : i32
        %dma_start3A_621 = tpu.memref_slice %arg6[%select_n3A_616, %dma_start3A_619, %dma_start3A_620] : memref<8x2x80xi32, #tpu.memory_space<vmem>> -> memref<1x2x80xi32, #tpu.memory_space<vmem>>
        %dma_start3A_622 = tpu.memref_squeeze %dma_start3A_621 : memref<1x2x80xi32, #tpu.memory_space<vmem>> -> memref<2x80xi32, #tpu.memory_space<vmem>>
        %dma_start3A_623 = arith.constant 0 : i32
        %dma_start3A_624 = arith.constant 0 : i32
        %dma_start3A_625 = tpu.memref_slice %arg3[%add3A, %add3A_618, %dma_start3A_623, %dma_start3A_624] : memref<32x128x2x80xi32, #tpu.memory_space<hbm>> -> memref<1x1x2x80xi32, #tpu.memory_space<hbm>>
        %dma_start3A_626 = tpu.memref_squeeze %dma_start3A_625 : memref<1x1x2x80xi32, #tpu.memory_space<hbm>> -> memref<2x80xi32, #tpu.memory_space<hbm>>
        %dma_start3A_627 = tpu.memref_slice %arg9[%select_n3A_616] : memref<8x!tpu.dma_semaphore, #tpu.memory_space<semaphore_mem>> -> memref<1x!tpu.dma_semaphore, #tpu.memory_space<semaphore_mem>>
        %dma_start3A_628 = tpu.memref_squeeze %dma_start3A_627 : memref<1x!tpu.dma_semaphore, #tpu.memory_space<semaphore_mem>> -> memref<!tpu.dma_semaphore, #tpu.memory_space<semaphore_mem>>
        %dma_start3A_629 = arith.constant 0 : i32
        %dma_start3A_630 = arith.constant 0 : i32
        %dma_start3A_631 = tpu.memref_slice %arg6[%select_n3A_616, %dma_start3A_629, %dma_start3A_630] : memref<8x2x80xi32, #tpu.memory_space<vmem>> -> memref<1x2x80xi32, #tpu.memory_space<vmem>>
        %dma_start3A_632 = tpu.memref_squeeze %dma_start3A_631 : memref<1x2x80xi32, #tpu.memory_space<vmem>> -> memref<2x80xi32, #tpu.memory_space<vmem>>
        %dma_start3A_633 = arith.constant 0 : i32
        %dma_start3A_634 = arith.constant 0 : i32
        %dma_start3A_635 = tpu.memref_slice %arg3[%add3A, %add3A_618, %dma_start3A_633, %dma_start3A_634] : memref<32x128x2x80xi32, #tpu.memory_space<hbm>> -> memref<1x1x2x80xi32, #tpu.memory_space<hbm>>
        %dma_start3A_636 = tpu.memref_squeeze %dma_start3A_635 : memref<1x1x2x80xi32, #tpu.memory_space<hbm>> -> memref<2x80xi32, #tpu.memory_space<hbm>>
        tpu.enqueue_dma source(%dma_start3A_636 : memref<2x80xi32, #tpu.memory_space<hbm>>) target(%dma_start3A_632 : memref<2x80xi32, #tpu.memory_space<vmem>>) target_semaphore(%dma_start3A_628 : memref<!tpu.dma_semaphore, #tpu.memory_space<semaphore_mem>>)
      } else {
      }
      %dma_wait3A_248 = arith.constant 0 : i32
      %dma_wait3A_249 = arith.constant 0 : i32
      %dma_wait3A_250 = tpu.memref_slice %arg6[%select_n3A_235, %dma_wait3A_248, %dma_wait3A_249] : memref<8x2x80xi32, #tpu.memory_space<vmem>> -> memref<1x2x80xi32, #tpu.memory_space<vmem>>
      %dma_wait3A_251 = tpu.memref_squeeze %dma_wait3A_250 : memref<1x2x80xi32, #tpu.memory_space<vmem>> -> memref<2x80xi32, #tpu.memory_space<vmem>>
      %dma_wait3A_252 = arith.constant 0 : i32
      %dma_wait3A_253 = arith.constant 0 : i32
      %dma_wait3A_254 = tpu.memref_slice %arg3[%add3A, %add3A_219, %dma_wait3A_252, %dma_wait3A_253] : memref<32x128x2x80xi32, #tpu.memory_space<hbm>> -> memref<1x1x2x80xi32, #tpu.memory_space<hbm>>
      %dma_wait3A_255 = tpu.memref_squeeze %dma_wait3A_254 : memref<1x1x2x80xi32, #tpu.memory_space<hbm>> -> memref<2x80xi32, #tpu.memory_space<hbm>>
      %dma_wait3A_256 = tpu.memref_slice %arg9[%select_n3A_235] : memref<8x!tpu.dma_semaphore, #tpu.memory_space<semaphore_mem>> -> memref<1x!tpu.dma_semaphore, #tpu.memory_space<semaphore_mem>>
      %dma_wait3A_257 = tpu.memref_squeeze %dma_wait3A_256 : memref<1x!tpu.dma_semaphore, #tpu.memory_space<semaphore_mem>> -> memref<!tpu.dma_semaphore, #tpu.memory_space<semaphore_mem>>
      %dma_wait3A_258 = arith.constant 0 : i32
      %dma_wait3A_259 = arith.constant 0 : i32
      %dma_wait3A_260 = tpu.memref_slice %arg6[%select_n3A_235, %dma_wait3A_258, %dma_wait3A_259] : memref<8x2x80xi32, #tpu.memory_space<vmem>> -> memref<1x2x80xi32, #tpu.memory_space<vmem>>
      %dma_wait3A_261 = tpu.memref_squeeze %dma_wait3A_260 : memref<1x2x80xi32, #tpu.memory_space<vmem>> -> memref<2x80xi32, #tpu.memory_space<vmem>>
      %dma_wait3A_262 = arith.constant 0 : i32
      %dma_wait3A_263 = arith.constant 0 : i32
      %dma_wait3A_264 = tpu.memref_slice %arg3[%add3A, %add3A_219, %dma_wait3A_262, %dma_wait3A_263] : memref<32x128x2x80xi32, #tpu.memory_space<hbm>> -> memref<1x1x2x80xi32, #tpu.memory_space<hbm>>
      %dma_wait3A_265 = tpu.memref_squeeze %dma_wait3A_264 : memref<1x1x2x80xi32, #tpu.memory_space<hbm>> -> memref<2x80xi32, #tpu.memory_space<hbm>>
      tpu.wait_dma2 semaphore(%dma_wait3A_257 : memref<!tpu.dma_semaphore, #tpu.memory_space<semaphore_mem>>) src(%dma_wait3A_265 : memref<2x80xi32, #tpu.memory_space<hbm>>) dst(%dma_wait3A_261 : memref<2x80xi32, #tpu.memory_space<vmem>>)
      %dma_start3A_266 = arith.constant 0 : i32
      %dma_start3A_267 = arith.constant 1 : i32
      %dma_start3A_268 = arith.constant 1 : i32
      %dma_start3A_269 = arith.constant 0 : i32
      %dma_start3A_270 = arith.constant 0 : i32
      %dma_start3A_271 = tpu.memref_slice %arg7[%dma_start3A_267, %dma_start3A_269, %dma_start3A_270] : memref<4x80x128xf32, #tpu.memory_space<vmem>> -> memref<1x80x128xf32, #tpu.memory_space<vmem>>
      %dma_start3A_272 = tpu.memref_squeeze %dma_start3A_271 : memref<1x80x128xf32, #tpu.memory_space<vmem>> -> memref<80x128xf32, #tpu.memory_space<vmem>>
      %dma_start3A_273 = arith.constant 0 : i32
      %dma_start3A_274 = tpu.memref_slice %arg6[%select_n3A_235, %dma_start3A_266, %dma_start3A_273] : memref<8x2x80xi32, #tpu.memory_space<vmem>> -> memref<1x1x80xi32, #tpu.memory_space<vmem>>
      %dma_start3A_275 = tpu.memref_squeeze %dma_start3A_274 : memref<1x1x80xi32, #tpu.memory_space<vmem>> -> memref<80xi32, #tpu.memory_space<vmem>>
      %dma_start3A_276 = arith.constant 0 : i32
      %dma_start3A_277 = arith.constant 0 : i32
      %dma_start3A_278 = tpu.memref_slice %arg2[%dma_start3A_276, %dma_start3A_277] : memref<10240x128xf32, #tpu.memory_space<hbm>> -> memref<10240x128xf32, #tpu.memory_space<hbm>>
      %dma_start3A_279 = tpu.memref_slice %arg10[%dma_start3A_268] : memref<4x!tpu.dma_semaphore, #tpu.memory_space<semaphore_mem>> -> memref<1x!tpu.dma_semaphore, #tpu.memory_space<semaphore_mem>>
      %dma_start3A_280 = tpu.memref_squeeze %dma_start3A_279 : memref<1x!tpu.dma_semaphore, #tpu.memory_space<semaphore_mem>> -> memref<!tpu.dma_semaphore, #tpu.memory_space<semaphore_mem>>
      tpu.enqueue_indirect_dma source(%dma_start3A_278 : memref<10240x128xf32, #tpu.memory_space<hbm>>) target(%dma_start3A_272 : memref<80x128xf32, #tpu.memory_space<vmem>>) offsets(%dma_start3A_275 : memref<80xi32, #tpu.memory_space<vmem>>) semaphore(%dma_start3A_280 : memref<!tpu.dma_semaphore, #tpu.memory_space<semaphore_mem>>)
      %add3A_281 = arith.constant 2 : i32
      %add3A_282 = arith.addi %add3A_164, %add3A_281 : i32
      %jit3A_283 = arith.constant 8 : i32
      %eq3A_284 = arith.constant 0 : i32
      %eq3A_285 = arith.cmpi eq, %jit3A_283, %eq3A_284 : i32
      %jit3A_286 = arith.constant 1 : i32
      %select_n3A_287 = arith.select %eq3A_285, %jit3A_286, %jit3A_283 : i32
      %rem3A_288 = arith.remsi %add3A_282, %select_n3A_287 : i32
      %ne3A_289 = arith.constant 0 : i32
      %ne3A_290 = arith.cmpi ne, %rem3A_288, %ne3A_289 : i32
      %lt3A_291 = arith.constant 0 : i32
      %lt3A_292 = arith.cmpi slt, %rem3A_288, %lt3A_291 : i32
      %lt3A_293 = arith.constant 0 : i32
      %lt3A_294 = arith.cmpi slt, %select_n3A_287, %lt3A_293 : i32
      %ne3A_295 = arith.xori %lt3A_292, %lt3A_294 : i1
      %and3A_296 = arith.andi %ne3A_295, %ne3A_290 : i1
      %add3A_297 = arith.addi %rem3A_288, %select_n3A_287 : i32
      %select_n3A_298 = arith.select %and3A_296, %add3A_297, %rem3A_288 : i32
      %ge3A_299 = arith.constant 4 : i32
      %ge3A_300 = arith.cmpi sge, %add3A_282, %ge3A_299 : i32
      %convert_element_type3A_301 = arith.extui %ge3A_300 : i1 to i32
      %cond3A_302 = arith.constant 0 : i32
      %cond3A_303 = arith.cmpi ne, %convert_element_type3A_301, %cond3A_302 : i32
      scf.if %cond3A_303 {
        %sub3A = arith.constant 4 : i32
        %sub3A_599 = arith.subi %add3A_282, %sub3A : i32
        %jit3A_600 = arith.constant 8 : i32
        %eq3A_601 = arith.constant 0 : i32
        %eq3A_602 = arith.cmpi eq, %jit3A_600, %eq3A_601 : i32
        %jit3A_603 = arith.constant 1 : i32
        %select_n3A_604 = arith.select %eq3A_602, %jit3A_603, %jit3A_600 : i32
        %rem3A_605 = arith.remsi %sub3A_599, %select_n3A_604 : i32
        %ne3A_606 = arith.constant 0 : i32
        %ne3A_607 = arith.cmpi ne, %rem3A_605, %ne3A_606 : i32
        %lt3A_608 = arith.constant 0 : i32
        %lt3A_609 = arith.cmpi slt, %rem3A_605, %lt3A_608 : i32
        %lt3A_610 = arith.constant 0 : i32
        %lt3A_611 = arith.cmpi slt, %select_n3A_604, %lt3A_610 : i32
        %ne3A_612 = arith.xori %lt3A_609, %lt3A_611 : i1
        %and3A_613 = arith.andi %ne3A_612, %ne3A_607 : i1
        %add3A_614 = arith.addi %rem3A_605, %select_n3A_604 : i32
        %select_n3A_615 = arith.select %and3A_613, %add3A_614, %rem3A_605 : i32
        %dma_wait3A_616 = arith.constant 2 : i32
        %dma_wait3A_617 = arith.constant 1 : i32
        %dma_wait3A_618 = arith.constant 2 : i32
        %dma_wait3A_619 = arith.constant 0 : i32
        %dma_wait3A_620 = arith.constant 0 : i32
        %dma_wait3A_621 = tpu.memref_slice %arg7[%dma_wait3A_616, %dma_wait3A_619, %dma_wait3A_620] : memref<4x80x128xf32, #tpu.memory_space<vmem>> -> memref<1x80x128xf32, #tpu.memory_space<vmem>>
        %dma_wait3A_622 = tpu.memref_squeeze %dma_wait3A_621 : memref<1x80x128xf32, #tpu.memory_space<vmem>> -> memref<80x128xf32, #tpu.memory_space<vmem>>
        %dma_wait3A_623 = arith.constant 0 : i32
        %dma_wait3A_624 = tpu.memref_slice %arg6[%select_n3A_615, %dma_wait3A_617, %dma_wait3A_623] : memref<8x2x80xi32, #tpu.memory_space<vmem>> -> memref<1x1x80xi32, #tpu.memory_space<vmem>>
        %dma_wait3A_625 = tpu.memref_squeeze %dma_wait3A_624 : memref<1x1x80xi32, #tpu.memory_space<vmem>> -> memref<80xi32, #tpu.memory_space<vmem>>
        %dma_wait3A_626 = arith.constant 0 : i32
        %dma_wait3A_627 = arith.constant 0 : i32
        %dma_wait3A_628 = tpu.memref_slice %arg8[%dma_wait3A_626, %dma_wait3A_627] : memref<10240x128xf32, #tpu.memory_space<vmem_shared>> -> memref<10240x128xf32, #tpu.memory_space<vmem_shared>>
        %dma_wait3A_629 = tpu.memref_slice %arg11[%dma_wait3A_618] : memref<4x!tpu.dma_semaphore, #tpu.memory_space<semaphore_mem>> -> memref<1x!tpu.dma_semaphore, #tpu.memory_space<semaphore_mem>>
        %dma_wait3A_630 = tpu.memref_squeeze %dma_wait3A_629 : memref<1x!tpu.dma_semaphore, #tpu.memory_space<semaphore_mem>> -> memref<!tpu.dma_semaphore, #tpu.memory_space<semaphore_mem>>
        tpu.wait_indirect_dma semaphore(%dma_wait3A_630 : memref<!tpu.dma_semaphore, #tpu.memory_space<semaphore_mem>>) src(%dma_wait3A_622 : memref<80x128xf32, #tpu.memory_space<vmem>>) dst(%dma_wait3A_628 : memref<10240x128xf32, #tpu.memory_space<vmem_shared>>)
      } else {
      }
      %add3A_304 = arith.constant 4 : i32
      %add3A_305 = arith.addi %add3A_282, %add3A_304 : i32
      %lt3A_306 = arith.constant 128 : i32
      %lt3A_307 = arith.cmpi slt, %add3A_305, %lt3A_306 : i32
      %convert_element_type3A_308 = arith.extui %lt3A_307 : i1 to i32
      %cond3A_309 = arith.constant 0 : i32
      %cond3A_310 = arith.cmpi ne, %convert_element_type3A_308, %cond3A_309 : i32
      scf.if %cond3A_310 {
        %add3A_599 = arith.constant 4 : i32
        %add3A_600 = arith.addi %add3A_282, %add3A_599 : i32
        %jit3A_601 = arith.constant 8 : i32
        %eq3A_602 = arith.constant 0 : i32
        %eq3A_603 = arith.cmpi eq, %jit3A_601, %eq3A_602 : i32
        %jit3A_604 = arith.constant 1 : i32
        %select_n3A_605 = arith.select %eq3A_603, %jit3A_604, %jit3A_601 : i32
        %rem3A_606 = arith.remsi %add3A_600, %select_n3A_605 : i32
        %ne3A_607 = arith.constant 0 : i32
        %ne3A_608 = arith.cmpi ne, %rem3A_606, %ne3A_607 : i32
        %lt3A_609 = arith.constant 0 : i32
        %lt3A_610 = arith.cmpi slt, %rem3A_606, %lt3A_609 : i32
        %lt3A_611 = arith.constant 0 : i32
        %lt3A_612 = arith.cmpi slt, %select_n3A_605, %lt3A_611 : i32
        %ne3A_613 = arith.xori %lt3A_610, %lt3A_612 : i1
        %and3A_614 = arith.andi %ne3A_613, %ne3A_608 : i1
        %add3A_615 = arith.addi %rem3A_606, %select_n3A_605 : i32
        %select_n3A_616 = arith.select %and3A_614, %add3A_615, %rem3A_606 : i32
        %add3A_617 = arith.constant 4 : i32
        %add3A_618 = arith.addi %add3A_282, %add3A_617 : i32
        %dma_start3A_619 = arith.constant 0 : i32
        %dma_start3A_620 = arith.constant 0 : i32
        %dma_start3A_621 = tpu.memref_slice %arg6[%select_n3A_616, %dma_start3A_619, %dma_start3A_620] : memref<8x2x80xi32, #tpu.memory_space<vmem>> -> memref<1x2x80xi32, #tpu.memory_space<vmem>>
        %dma_start3A_622 = tpu.memref_squeeze %dma_start3A_621 : memref<1x2x80xi32, #tpu.memory_space<vmem>> -> memref<2x80xi32, #tpu.memory_space<vmem>>
        %dma_start3A_623 = arith.constant 0 : i32
        %dma_start3A_624 = arith.constant 0 : i32
        %dma_start3A_625 = tpu.memref_slice %arg3[%add3A, %add3A_618, %dma_start3A_623, %dma_start3A_624] : memref<32x128x2x80xi32, #tpu.memory_space<hbm>> -> memref<1x1x2x80xi32, #tpu.memory_space<hbm>>
        %dma_start3A_626 = tpu.memref_squeeze %dma_start3A_625 : memref<1x1x2x80xi32, #tpu.memory_space<hbm>> -> memref<2x80xi32, #tpu.memory_space<hbm>>
        %dma_start3A_627 = tpu.memref_slice %arg9[%select_n3A_616] : memref<8x!tpu.dma_semaphore, #tpu.memory_space<semaphore_mem>> -> memref<1x!tpu.dma_semaphore, #tpu.memory_space<semaphore_mem>>
        %dma_start3A_628 = tpu.memref_squeeze %dma_start3A_627 : memref<1x!tpu.dma_semaphore, #tpu.memory_space<semaphore_mem>> -> memref<!tpu.dma_semaphore, #tpu.memory_space<semaphore_mem>>
        %dma_start3A_629 = arith.constant 0 : i32
        %dma_start3A_630 = arith.constant 0 : i32
        %dma_start3A_631 = tpu.memref_slice %arg6[%select_n3A_616, %dma_start3A_629, %dma_start3A_630] : memref<8x2x80xi32, #tpu.memory_space<vmem>> -> memref<1x2x80xi32, #tpu.memory_space<vmem>>
        %dma_start3A_632 = tpu.memref_squeeze %dma_start3A_631 : memref<1x2x80xi32, #tpu.memory_space<vmem>> -> memref<2x80xi32, #tpu.memory_space<vmem>>
        %dma_start3A_633 = arith.constant 0 : i32
        %dma_start3A_634 = arith.constant 0 : i32
        %dma_start3A_635 = tpu.memref_slice %arg3[%add3A, %add3A_618, %dma_start3A_633, %dma_start3A_634] : memref<32x128x2x80xi32, #tpu.memory_space<hbm>> -> memref<1x1x2x80xi32, #tpu.memory_space<hbm>>
        %dma_start3A_636 = tpu.memref_squeeze %dma_start3A_635 : memref<1x1x2x80xi32, #tpu.memory_space<hbm>> -> memref<2x80xi32, #tpu.memory_space<hbm>>
        tpu.enqueue_dma source(%dma_start3A_636 : memref<2x80xi32, #tpu.memory_space<hbm>>) target(%dma_start3A_632 : memref<2x80xi32, #tpu.memory_space<vmem>>) target_semaphore(%dma_start3A_628 : memref<!tpu.dma_semaphore, #tpu.memory_space<semaphore_mem>>)
      } else {
      }
      %dma_wait3A_311 = arith.constant 0 : i32
      %dma_wait3A_312 = arith.constant 0 : i32
      %dma_wait3A_313 = tpu.memref_slice %arg6[%select_n3A_298, %dma_wait3A_311, %dma_wait3A_312] : memref<8x2x80xi32, #tpu.memory_space<vmem>> -> memref<1x2x80xi32, #tpu.memory_space<vmem>>
      %dma_wait3A_314 = tpu.memref_squeeze %dma_wait3A_313 : memref<1x2x80xi32, #tpu.memory_space<vmem>> -> memref<2x80xi32, #tpu.memory_space<vmem>>
      %dma_wait3A_315 = arith.constant 0 : i32
      %dma_wait3A_316 = arith.constant 0 : i32
      %dma_wait3A_317 = tpu.memref_slice %arg3[%add3A, %add3A_282, %dma_wait3A_315, %dma_wait3A_316] : memref<32x128x2x80xi32, #tpu.memory_space<hbm>> -> memref<1x1x2x80xi32, #tpu.memory_space<hbm>>
      %dma_wait3A_318 = tpu.memref_squeeze %dma_wait3A_317 : memref<1x1x2x80xi32, #tpu.memory_space<hbm>> -> memref<2x80xi32, #tpu.memory_space<hbm>>
      %dma_wait3A_319 = tpu.memref_slice %arg9[%select_n3A_298] : memref<8x!tpu.dma_semaphore, #tpu.memory_space<semaphore_mem>> -> memref<1x!tpu.dma_semaphore, #tpu.memory_space<semaphore_mem>>
      %dma_wait3A_320 = tpu.memref_squeeze %dma_wait3A_319 : memref<1x!tpu.dma_semaphore, #tpu.memory_space<semaphore_mem>> -> memref<!tpu.dma_semaphore, #tpu.memory_space<semaphore_mem>>
      %dma_wait3A_321 = arith.constant 0 : i32
      %dma_wait3A_322 = arith.constant 0 : i32
      %dma_wait3A_323 = tpu.memref_slice %arg6[%select_n3A_298, %dma_wait3A_321, %dma_wait3A_322] : memref<8x2x80xi32, #tpu.memory_space<vmem>> -> memref<1x2x80xi32, #tpu.memory_space<vmem>>
      %dma_wait3A_324 = tpu.memref_squeeze %dma_wait3A_323 : memref<1x2x80xi32, #tpu.memory_space<vmem>> -> memref<2x80xi32, #tpu.memory_space<vmem>>
      %dma_wait3A_325 = arith.constant 0 : i32
      %dma_wait3A_326 = arith.constant 0 : i32
      %dma_wait3A_327 = tpu.memref_slice %arg3[%add3A, %add3A_282, %dma_wait3A_325, %dma_wait3A_326] : memref<32x128x2x80xi32, #tpu.memory_space<hbm>> -> memref<1x1x2x80xi32, #tpu.memory_space<hbm>>
      %dma_wait3A_328 = tpu.memref_squeeze %dma_wait3A_327 : memref<1x1x2x80xi32, #tpu.memory_space<hbm>> -> memref<2x80xi32, #tpu.memory_space<hbm>>
      tpu.wait_dma2 semaphore(%dma_wait3A_320 : memref<!tpu.dma_semaphore, #tpu.memory_space<semaphore_mem>>) src(%dma_wait3A_328 : memref<2x80xi32, #tpu.memory_space<hbm>>) dst(%dma_wait3A_324 : memref<2x80xi32, #tpu.memory_space<vmem>>)
      %dma_start3A_329 = arith.constant 0 : i32
      %dma_start3A_330 = arith.constant 2 : i32
      %dma_start3A_331 = arith.constant 2 : i32
      %dma_start3A_332 = arith.constant 0 : i32
      %dma_start3A_333 = arith.constant 0 : i32
      %dma_start3A_334 = tpu.memref_slice %arg7[%dma_start3A_330, %dma_start3A_332, %dma_start3A_333] : memref<4x80x128xf32, #tpu.memory_space<vmem>> -> memref<1x80x128xf32, #tpu.memory_space<vmem>>
      %dma_start3A_335 = tpu.memref_squeeze %dma_start3A_334 : memref<1x80x128xf32, #tpu.memory_space<vmem>> -> memref<80x128xf32, #tpu.memory_space<vmem>>
      %dma_start3A_336 = arith.constant 0 : i32
      %dma_start3A_337 = tpu.memref_slice %arg6[%select_n3A_298, %dma_start3A_329, %dma_start3A_336] : memref<8x2x80xi32, #tpu.memory_space<vmem>> -> memref<1x1x80xi32, #tpu.memory_space<vmem>>
      %dma_start3A_338 = tpu.memref_squeeze %dma_start3A_337 : memref<1x1x80xi32, #tpu.memory_space<vmem>> -> memref<80xi32, #tpu.memory_space<vmem>>
      %dma_start3A_339 = arith.constant 0 : i32
      %dma_start3A_340 = arith.constant 0 : i32
      %dma_start3A_341 = tpu.memref_slice %arg2[%dma_start3A_339, %dma_start3A_340] : memref<10240x128xf32, #tpu.memory_space<hbm>> -> memref<10240x128xf32, #tpu.memory_space<hbm>>
      %dma_start3A_342 = tpu.memref_slice %arg10[%dma_start3A_331] : memref<4x!tpu.dma_semaphore, #tpu.memory_space<semaphore_mem>> -> memref<1x!tpu.dma_semaphore, #tpu.memory_space<semaphore_mem>>
      %dma_start3A_343 = tpu.memref_squeeze %dma_start3A_342 : memref<1x!tpu.dma_semaphore, #tpu.memory_space<semaphore_mem>> -> memref<!tpu.dma_semaphore, #tpu.memory_space<semaphore_mem>>
      tpu.enqueue_indirect_dma source(%dma_start3A_341 : memref<10240x128xf32, #tpu.memory_space<hbm>>) target(%dma_start3A_335 : memref<80x128xf32, #tpu.memory_space<vmem>>) offsets(%dma_start3A_338 : memref<80xi32, #tpu.memory_space<vmem>>) semaphore(%dma_start3A_343 : memref<!tpu.dma_semaphore, #tpu.memory_space<semaphore_mem>>)
      %add3A_344 = arith.constant 3 : i32
      %add3A_345 = arith.addi %add3A_164, %add3A_344 : i32
      %jit3A_346 = arith.constant 8 : i32
      %eq3A_347 = arith.constant 0 : i32
      %eq3A_348 = arith.cmpi eq, %jit3A_346, %eq3A_347 : i32
      %jit3A_349 = arith.constant 1 : i32
      %select_n3A_350 = arith.select %eq3A_348, %jit3A_349, %jit3A_346 : i32
      %rem3A_351 = arith.remsi %add3A_345, %select_n3A_350 : i32
      %ne3A_352 = arith.constant 0 : i32
      %ne3A_353 = arith.cmpi ne, %rem3A_351, %ne3A_352 : i32
      %lt3A_354 = arith.constant 0 : i32
      %lt3A_355 = arith.cmpi slt, %rem3A_351, %lt3A_354 : i32
      %lt3A_356 = arith.constant 0 : i32
      %lt3A_357 = arith.cmpi slt, %select_n3A_350, %lt3A_356 : i32
      %ne3A_358 = arith.xori %lt3A_355, %lt3A_357 : i1
      %and3A_359 = arith.andi %ne3A_358, %ne3A_353 : i1
      %add3A_360 = arith.addi %rem3A_351, %select_n3A_350 : i32
      %select_n3A_361 = arith.select %and3A_359, %add3A_360, %rem3A_351 : i32
      %ge3A_362 = arith.constant 4 : i32
      %ge3A_363 = arith.cmpi sge, %add3A_345, %ge3A_362 : i32
      %convert_element_type3A_364 = arith.extui %ge3A_363 : i1 to i32
      %cond3A_365 = arith.constant 0 : i32
      %cond3A_366 = arith.cmpi ne, %convert_element_type3A_364, %cond3A_365 : i32
      scf.if %cond3A_366 {
        %sub3A = arith.constant 4 : i32
        %sub3A_599 = arith.subi %add3A_345, %sub3A : i32
        %jit3A_600 = arith.constant 8 : i32
        %eq3A_601 = arith.constant 0 : i32
        %eq3A_602 = arith.cmpi eq, %jit3A_600, %eq3A_601 : i32
        %jit3A_603 = arith.constant 1 : i32
        %select_n3A_604 = arith.select %eq3A_602, %jit3A_603, %jit3A_600 : i32
        %rem3A_605 = arith.remsi %sub3A_599, %select_n3A_604 : i32
        %ne3A_606 = arith.constant 0 : i32
        %ne3A_607 = arith.cmpi ne, %rem3A_605, %ne3A_606 : i32
        %lt3A_608 = arith.constant 0 : i32
        %lt3A_609 = arith.cmpi slt, %rem3A_605, %lt3A_608 : i32
        %lt3A_610 = arith.constant 0 : i32
        %lt3A_611 = arith.cmpi slt, %select_n3A_604, %lt3A_610 : i32
        %ne3A_612 = arith.xori %lt3A_609, %lt3A_611 : i1
        %and3A_613 = arith.andi %ne3A_612, %ne3A_607 : i1
        %add3A_614 = arith.addi %rem3A_605, %select_n3A_604 : i32
        %select_n3A_615 = arith.select %and3A_613, %add3A_614, %rem3A_605 : i32
        %dma_wait3A_616 = arith.constant 3 : i32
        %dma_wait3A_617 = arith.constant 1 : i32
        %dma_wait3A_618 = arith.constant 3 : i32
        %dma_wait3A_619 = arith.constant 0 : i32
        %dma_wait3A_620 = arith.constant 0 : i32
        %dma_wait3A_621 = tpu.memref_slice %arg7[%dma_wait3A_616, %dma_wait3A_619, %dma_wait3A_620] : memref<4x80x128xf32, #tpu.memory_space<vmem>> -> memref<1x80x128xf32, #tpu.memory_space<vmem>>
        %dma_wait3A_622 = tpu.memref_squeeze %dma_wait3A_621 : memref<1x80x128xf32, #tpu.memory_space<vmem>> -> memref<80x128xf32, #tpu.memory_space<vmem>>
        %dma_wait3A_623 = arith.constant 0 : i32
        %dma_wait3A_624 = tpu.memref_slice %arg6[%select_n3A_615, %dma_wait3A_617, %dma_wait3A_623] : memref<8x2x80xi32, #tpu.memory_space<vmem>> -> memref<1x1x80xi32, #tpu.memory_space<vmem>>
        %dma_wait3A_625 = tpu.memref_squeeze %dma_wait3A_624 : memref<1x1x80xi32, #tpu.memory_space<vmem>> -> memref<80xi32, #tpu.memory_space<vmem>>
        %dma_wait3A_626 = arith.constant 0 : i32
        %dma_wait3A_627 = arith.constant 0 : i32
        %dma_wait3A_628 = tpu.memref_slice %arg8[%dma_wait3A_626, %dma_wait3A_627] : memref<10240x128xf32, #tpu.memory_space<vmem_shared>> -> memref<10240x128xf32, #tpu.memory_space<vmem_shared>>
        %dma_wait3A_629 = tpu.memref_slice %arg11[%dma_wait3A_618] : memref<4x!tpu.dma_semaphore, #tpu.memory_space<semaphore_mem>> -> memref<1x!tpu.dma_semaphore, #tpu.memory_space<semaphore_mem>>
        %dma_wait3A_630 = tpu.memref_squeeze %dma_wait3A_629 : memref<1x!tpu.dma_semaphore, #tpu.memory_space<semaphore_mem>> -> memref<!tpu.dma_semaphore, #tpu.memory_space<semaphore_mem>>
        tpu.wait_indirect_dma semaphore(%dma_wait3A_630 : memref<!tpu.dma_semaphore, #tpu.memory_space<semaphore_mem>>) src(%dma_wait3A_622 : memref<80x128xf32, #tpu.memory_space<vmem>>) dst(%dma_wait3A_628 : memref<10240x128xf32, #tpu.memory_space<vmem_shared>>)
      } else {
      }
      %add3A_367 = arith.constant 4 : i32
      %add3A_368 = arith.addi %add3A_345, %add3A_367 : i32
      %lt3A_369 = arith.constant 128 : i32
      %lt3A_370 = arith.cmpi slt, %add3A_368, %lt3A_369 : i32
      %convert_element_type3A_371 = arith.extui %lt3A_370 : i1 to i32
      %cond3A_372 = arith.constant 0 : i32
      %cond3A_373 = arith.cmpi ne, %convert_element_type3A_371, %cond3A_372 : i32
      scf.if %cond3A_373 {
        %add3A_599 = arith.constant 4 : i32
        %add3A_600 = arith.addi %add3A_345, %add3A_599 : i32
        %jit3A_601 = arith.constant 8 : i32
        %eq3A_602 = arith.constant 0 : i32
        %eq3A_603 = arith.cmpi eq, %jit3A_601, %eq3A_602 : i32
        %jit3A_604 = arith.constant 1 : i32
        %select_n3A_605 = arith.select %eq3A_603, %jit3A_604, %jit3A_601 : i32
        %rem3A_606 = arith.remsi %add3A_600, %select_n3A_605 : i32
        %ne3A_607 = arith.constant 0 : i32
        %ne3A_608 = arith.cmpi ne, %rem3A_606, %ne3A_607 : i32
        %lt3A_609 = arith.constant 0 : i32
        %lt3A_610 = arith.cmpi slt, %rem3A_606, %lt3A_609 : i32
        %lt3A_611 = arith.constant 0 : i32
        %lt3A_612 = arith.cmpi slt, %select_n3A_605, %lt3A_611 : i32
        %ne3A_613 = arith.xori %lt3A_610, %lt3A_612 : i1
        %and3A_614 = arith.andi %ne3A_613, %ne3A_608 : i1
        %add3A_615 = arith.addi %rem3A_606, %select_n3A_605 : i32
        %select_n3A_616 = arith.select %and3A_614, %add3A_615, %rem3A_606 : i32
        %add3A_617 = arith.constant 4 : i32
        %add3A_618 = arith.addi %add3A_345, %add3A_617 : i32
        %dma_start3A_619 = arith.constant 0 : i32
        %dma_start3A_620 = arith.constant 0 : i32
        %dma_start3A_621 = tpu.memref_slice %arg6[%select_n3A_616, %dma_start3A_619, %dma_start3A_620] : memref<8x2x80xi32, #tpu.memory_space<vmem>> -> memref<1x2x80xi32, #tpu.memory_space<vmem>>
        %dma_start3A_622 = tpu.memref_squeeze %dma_start3A_621 : memref<1x2x80xi32, #tpu.memory_space<vmem>> -> memref<2x80xi32, #tpu.memory_space<vmem>>
        %dma_start3A_623 = arith.constant 0 : i32
        %dma_start3A_624 = arith.constant 0 : i32
        %dma_start3A_625 = tpu.memref_slice %arg3[%add3A, %add3A_618, %dma_start3A_623, %dma_start3A_624] : memref<32x128x2x80xi32, #tpu.memory_space<hbm>> -> memref<1x1x2x80xi32, #tpu.memory_space<hbm>>
        %dma_start3A_626 = tpu.memref_squeeze %dma_start3A_625 : memref<1x1x2x80xi32, #tpu.memory_space<hbm>> -> memref<2x80xi32, #tpu.memory_space<hbm>>
        %dma_start3A_627 = tpu.memref_slice %arg9[%select_n3A_616] : memref<8x!tpu.dma_semaphore, #tpu.memory_space<semaphore_mem>> -> memref<1x!tpu.dma_semaphore, #tpu.memory_space<semaphore_mem>>
        %dma_start3A_628 = tpu.memref_squeeze %dma_start3A_627 : memref<1x!tpu.dma_semaphore, #tpu.memory_space<semaphore_mem>> -> memref<!tpu.dma_semaphore, #tpu.memory_space<semaphore_mem>>
        %dma_start3A_629 = arith.constant 0 : i32
        %dma_start3A_630 = arith.constant 0 : i32
        %dma_start3A_631 = tpu.memref_slice %arg6[%select_n3A_616, %dma_start3A_629, %dma_start3A_630] : memref<8x2x80xi32, #tpu.memory_space<vmem>> -> memref<1x2x80xi32, #tpu.memory_space<vmem>>
        %dma_start3A_632 = tpu.memref_squeeze %dma_start3A_631 : memref<1x2x80xi32, #tpu.memory_space<vmem>> -> memref<2x80xi32, #tpu.memory_space<vmem>>
        %dma_start3A_633 = arith.constant 0 : i32
        %dma_start3A_634 = arith.constant 0 : i32
        %dma_start3A_635 = tpu.memref_slice %arg3[%add3A, %add3A_618, %dma_start3A_633, %dma_start3A_634] : memref<32x128x2x80xi32, #tpu.memory_space<hbm>> -> memref<1x1x2x80xi32, #tpu.memory_space<hbm>>
        %dma_start3A_636 = tpu.memref_squeeze %dma_start3A_635 : memref<1x1x2x80xi32, #tpu.memory_space<hbm>> -> memref<2x80xi32, #tpu.memory_space<hbm>>
        tpu.enqueue_dma source(%dma_start3A_636 : memref<2x80xi32, #tpu.memory_space<hbm>>) target(%dma_start3A_632 : memref<2x80xi32, #tpu.memory_space<vmem>>) target_semaphore(%dma_start3A_628 : memref<!tpu.dma_semaphore, #tpu.memory_space<semaphore_mem>>)
      } else {
      }
      %dma_wait3A_374 = arith.constant 0 : i32
      %dma_wait3A_375 = arith.constant 0 : i32
      %dma_wait3A_376 = tpu.memref_slice %arg6[%select_n3A_361, %dma_wait3A_374, %dma_wait3A_375] : memref<8x2x80xi32, #tpu.memory_space<vmem>> -> memref<1x2x80xi32, #tpu.memory_space<vmem>>
      %dma_wait3A_377 = tpu.memref_squeeze %dma_wait3A_376 : memref<1x2x80xi32, #tpu.memory_space<vmem>> -> memref<2x80xi32, #tpu.memory_space<vmem>>
      %dma_wait3A_378 = arith.constant 0 : i32
      %dma_wait3A_379 = arith.constant 0 : i32
      %dma_wait3A_380 = tpu.memref_slice %arg3[%add3A, %add3A_345, %dma_wait3A_378, %dma_wait3A_379] : memref<32x128x2x80xi32, #tpu.memory_space<hbm>> -> memref<1x1x2x80xi32, #tpu.memory_space<hbm>>
      %dma_wait3A_381 = tpu.memref_squeeze %dma_wait3A_380 : memref<1x1x2x80xi32, #tpu.memory_space<hbm>> -> memref<2x80xi32, #tpu.memory_space<hbm>>
      %dma_wait3A_382 = tpu.memref_slice %arg9[%select_n3A_361] : memref<8x!tpu.dma_semaphore, #tpu.memory_space<semaphore_mem>> -> memref<1x!tpu.dma_semaphore, #tpu.memory_space<semaphore_mem>>
      %dma_wait3A_383 = tpu.memref_squeeze %dma_wait3A_382 : memref<1x!tpu.dma_semaphore, #tpu.memory_space<semaphore_mem>> -> memref<!tpu.dma_semaphore, #tpu.memory_space<semaphore_mem>>
      %dma_wait3A_384 = arith.constant 0 : i32
      %dma_wait3A_385 = arith.constant 0 : i32
      %dma_wait3A_386 = tpu.memref_slice %arg6[%select_n3A_361, %dma_wait3A_384, %dma_wait3A_385] : memref<8x2x80xi32, #tpu.memory_space<vmem>> -> memref<1x2x80xi32, #tpu.memory_space<vmem>>
      %dma_wait3A_387 = tpu.memref_squeeze %dma_wait3A_386 : memref<1x2x80xi32, #tpu.memory_space<vmem>> -> memref<2x80xi32, #tpu.memory_space<vmem>>
      %dma_wait3A_388 = arith.constant 0 : i32
      %dma_wait3A_389 = arith.constant 0 : i32
      %dma_wait3A_390 = tpu.memref_slice %arg3[%add3A, %add3A_345, %dma_wait3A_388, %dma_wait3A_389] : memref<32x128x2x80xi32, #tpu.memory_space<hbm>> -> memref<1x1x2x80xi32, #tpu.memory_space<hbm>>
      %dma_wait3A_391 = tpu.memref_squeeze %dma_wait3A_390 : memref<1x1x2x80xi32, #tpu.memory_space<hbm>> -> memref<2x80xi32, #tpu.memory_space<hbm>>
      tpu.wait_dma2 semaphore(%dma_wait3A_383 : memref<!tpu.dma_semaphore, #tpu.memory_space<semaphore_mem>>) src(%dma_wait3A_391 : memref<2x80xi32, #tpu.memory_space<hbm>>) dst(%dma_wait3A_387 : memref<2x80xi32, #tpu.memory_space<vmem>>)
      %dma_start3A_392 = arith.constant 0 : i32
      %dma_start3A_393 = arith.constant 3 : i32
      %dma_start3A_394 = arith.constant 3 : i32
      %dma_start3A_395 = arith.constant 0 : i32
      %dma_start3A_396 = arith.constant 0 : i32
      %dma_start3A_397 = tpu.memref_slice %arg7[%dma_start3A_393, %dma_start3A_395, %dma_start3A_396] : memref<4x80x128xf32, #tpu.memory_space<vmem>> -> memref<1x80x128xf32, #tpu.memory_space<vmem>>
      %dma_start3A_398 = tpu.memref_squeeze %dma_start3A_397 : memref<1x80x128xf32, #tpu.memory_space<vmem>> -> memref<80x128xf32, #tpu.memory_space<vmem>>
      %dma_start3A_399 = arith.constant 0 : i32
      %dma_start3A_400 = tpu.memref_slice %arg6[%select_n3A_361, %dma_start3A_392, %dma_start3A_399] : memref<8x2x80xi32, #tpu.memory_space<vmem>> -> memref<1x1x80xi32, #tpu.memory_space<vmem>>
      %dma_start3A_401 = tpu.memref_squeeze %dma_start3A_400 : memref<1x1x80xi32, #tpu.memory_space<vmem>> -> memref<80xi32, #tpu.memory_space<vmem>>
      %dma_start3A_402 = arith.constant 0 : i32
      %dma_start3A_403 = arith.constant 0 : i32
      %dma_start3A_404 = tpu.memref_slice %arg2[%dma_start3A_402, %dma_start3A_403] : memref<10240x128xf32, #tpu.memory_space<hbm>> -> memref<10240x128xf32, #tpu.memory_space<hbm>>
      %dma_start3A_405 = tpu.memref_slice %arg10[%dma_start3A_394] : memref<4x!tpu.dma_semaphore, #tpu.memory_space<semaphore_mem>> -> memref<1x!tpu.dma_semaphore, #tpu.memory_space<semaphore_mem>>
      %dma_start3A_406 = tpu.memref_squeeze %dma_start3A_405 : memref<1x!tpu.dma_semaphore, #tpu.memory_space<semaphore_mem>> -> memref<!tpu.dma_semaphore, #tpu.memory_space<semaphore_mem>>
      tpu.enqueue_indirect_dma source(%dma_start3A_404 : memref<10240x128xf32, #tpu.memory_space<hbm>>) target(%dma_start3A_398 : memref<80x128xf32, #tpu.memory_space<vmem>>) offsets(%dma_start3A_401 : memref<80xi32, #tpu.memory_space<vmem>>) semaphore(%dma_start3A_406 : memref<!tpu.dma_semaphore, #tpu.memory_space<semaphore_mem>>)
      %add3A_407 = arith.constant 0 : i32
      %add3A_408 = arith.addi %add3A_164, %add3A_407 : i32
      %jit3A_409 = arith.constant 8 : i32
      %eq3A_410 = arith.constant 0 : i32
      %eq3A_411 = arith.cmpi eq, %jit3A_409, %eq3A_410 : i32
      %jit3A_412 = arith.constant 1 : i32
      %select_n3A_413 = arith.select %eq3A_411, %jit3A_412, %jit3A_409 : i32
      %rem3A_414 = arith.remsi %add3A_408, %select_n3A_413 : i32
      %ne3A_415 = arith.constant 0 : i32
      %ne3A_416 = arith.cmpi ne, %rem3A_414, %ne3A_415 : i32
      %lt3A_417 = arith.constant 0 : i32
      %lt3A_418 = arith.cmpi slt, %rem3A_414, %lt3A_417 : i32
      %lt3A_419 = arith.constant 0 : i32
      %lt3A_420 = arith.cmpi slt, %select_n3A_413, %lt3A_419 : i32
      %ne3A_421 = arith.xori %lt3A_418, %lt3A_420 : i1
      %and3A_422 = arith.andi %ne3A_421, %ne3A_416 : i1
      %add3A_423 = arith.addi %rem3A_414, %select_n3A_413 : i32
      %select_n3A_424 = arith.select %and3A_422, %add3A_423, %rem3A_414 : i32
      %dma_wait3A_425 = arith.constant 0 : i32
      %dma_wait3A_426 = arith.constant 0 : i32
      %dma_wait3A_427 = arith.constant 0 : i32
      %dma_wait3A_428 = arith.constant 0 : i32
      %dma_wait3A_429 = arith.constant 0 : i32
      %dma_wait3A_430 = tpu.memref_slice %arg7[%dma_wait3A_426, %dma_wait3A_428, %dma_wait3A_429] : memref<4x80x128xf32, #tpu.memory_space<vmem>> -> memref<1x80x128xf32, #tpu.memory_space<vmem>>
      %dma_wait3A_431 = tpu.memref_squeeze %dma_wait3A_430 : memref<1x80x128xf32, #tpu.memory_space<vmem>> -> memref<80x128xf32, #tpu.memory_space<vmem>>
      %dma_wait3A_432 = arith.constant 0 : i32
      %dma_wait3A_433 = tpu.memref_slice %arg6[%select_n3A_424, %dma_wait3A_425, %dma_wait3A_432] : memref<8x2x80xi32, #tpu.memory_space<vmem>> -> memref<1x1x80xi32, #tpu.memory_space<vmem>>
      %dma_wait3A_434 = tpu.memref_squeeze %dma_wait3A_433 : memref<1x1x80xi32, #tpu.memory_space<vmem>> -> memref<80xi32, #tpu.memory_space<vmem>>
      %dma_wait3A_435 = arith.constant 0 : i32
      %dma_wait3A_436 = arith.constant 0 : i32
      %dma_wait3A_437 = tpu.memref_slice %arg2[%dma_wait3A_435, %dma_wait3A_436] : memref<10240x128xf32, #tpu.memory_space<hbm>> -> memref<10240x128xf32, #tpu.memory_space<hbm>>
      %dma_wait3A_438 = tpu.memref_slice %arg10[%dma_wait3A_427] : memref<4x!tpu.dma_semaphore, #tpu.memory_space<semaphore_mem>> -> memref<1x!tpu.dma_semaphore, #tpu.memory_space<semaphore_mem>>
      %dma_wait3A_439 = tpu.memref_squeeze %dma_wait3A_438 : memref<1x!tpu.dma_semaphore, #tpu.memory_space<semaphore_mem>> -> memref<!tpu.dma_semaphore, #tpu.memory_space<semaphore_mem>>
      tpu.wait_indirect_dma semaphore(%dma_wait3A_439 : memref<!tpu.dma_semaphore, #tpu.memory_space<semaphore_mem>>) src(%dma_wait3A_437 : memref<10240x128xf32, #tpu.memory_space<hbm>>) dst(%dma_wait3A_431 : memref<80x128xf32, #tpu.memory_space<vmem>>)
      %dma_start3A_440 = arith.constant 0 : i32
      %dma_start3A_441 = arith.constant 1 : i32
      %dma_start3A_442 = arith.constant 0 : i32
      %dma_start3A_443 = arith.constant 0 : i32
      %dma_start3A_444 = arith.constant 0 : i32
      %dma_start3A_445 = tpu.memref_slice %arg7[%dma_start3A_440, %dma_start3A_443, %dma_start3A_444] : memref<4x80x128xf32, #tpu.memory_space<vmem>> -> memref<1x80x128xf32, #tpu.memory_space<vmem>>
      %dma_start3A_446 = tpu.memref_squeeze %dma_start3A_445 : memref<1x80x128xf32, #tpu.memory_space<vmem>> -> memref<80x128xf32, #tpu.memory_space<vmem>>
      %dma_start3A_447 = arith.constant 0 : i32
      %dma_start3A_448 = tpu.memref_slice %arg6[%select_n3A_424, %dma_start3A_441, %dma_start3A_447] : memref<8x2x80xi32, #tpu.memory_space<vmem>> -> memref<1x1x80xi32, #tpu.memory_space<vmem>>
      %dma_start3A_449 = tpu.memref_squeeze %dma_start3A_448 : memref<1x1x80xi32, #tpu.memory_space<vmem>> -> memref<80xi32, #tpu.memory_space<vmem>>
      %dma_start3A_450 = arith.constant 0 : i32
      %dma_start3A_451 = arith.constant 0 : i32
      %dma_start3A_452 = tpu.memref_slice %arg8[%dma_start3A_450, %dma_start3A_451] : memref<10240x128xf32, #tpu.memory_space<vmem_shared>> -> memref<10240x128xf32, #tpu.memory_space<vmem_shared>>
      %dma_start3A_453 = tpu.memref_slice %arg11[%dma_start3A_442] : memref<4x!tpu.dma_semaphore, #tpu.memory_space<semaphore_mem>> -> memref<1x!tpu.dma_semaphore, #tpu.memory_space<semaphore_mem>>
      %dma_start3A_454 = tpu.memref_squeeze %dma_start3A_453 : memref<1x!tpu.dma_semaphore, #tpu.memory_space<semaphore_mem>> -> memref<!tpu.dma_semaphore, #tpu.memory_space<semaphore_mem>>
      tpu.enqueue_indirect_dma source(%dma_start3A_446 : memref<80x128xf32, #tpu.memory_space<vmem>>) target(%dma_start3A_452 : memref<10240x128xf32, #tpu.memory_space<vmem_shared>>) offsets(%dma_start3A_449 : memref<80xi32, #tpu.memory_space<vmem>>) semaphore(%dma_start3A_454 : memref<!tpu.dma_semaphore, #tpu.memory_space<semaphore_mem>>) {add = true}
      %add3A_455 = arith.constant 1 : i32
      %add3A_456 = arith.addi %add3A_164, %add3A_455 : i32
      %jit3A_457 = arith.constant 8 : i32
      %eq3A_458 = arith.constant 0 : i32
      %eq3A_459 = arith.cmpi eq, %jit3A_457, %eq3A_458 : i32
      %jit3A_460 = arith.constant 1 : i32
      %select_n3A_461 = arith.select %eq3A_459, %jit3A_460, %jit3A_457 : i32
      %rem3A_462 = arith.remsi %add3A_456, %select_n3A_461 : i32
      %ne3A_463 = arith.constant 0 : i32
      %ne3A_464 = arith.cmpi ne, %rem3A_462, %ne3A_463 : i32
      %lt3A_465 = arith.constant 0 : i32
      %lt3A_466 = arith.cmpi slt, %rem3A_462, %lt3A_465 : i32
      %lt3A_467 = arith.constant 0 : i32
      %lt3A_468 = arith.cmpi slt, %select_n3A_461, %lt3A_467 : i32
      %ne3A_469 = arith.xori %lt3A_466, %lt3A_468 : i1
      %and3A_470 = arith.andi %ne3A_469, %ne3A_464 : i1
      %add3A_471 = arith.addi %rem3A_462, %select_n3A_461 : i32
      %select_n3A_472 = arith.select %and3A_470, %add3A_471, %rem3A_462 : i32
      %dma_wait3A_473 = arith.constant 0 : i32
      %dma_wait3A_474 = arith.constant 1 : i32
      %dma_wait3A_475 = arith.constant 1 : i32
      %dma_wait3A_476 = arith.constant 0 : i32
      %dma_wait3A_477 = arith.constant 0 : i32
      %dma_wait3A_478 = tpu.memref_slice %arg7[%dma_wait3A_474, %dma_wait3A_476, %dma_wait3A_477] : memref<4x80x128xf32, #tpu.memory_space<vmem>> -> memref<1x80x128xf32, #tpu.memory_space<vmem>>
      %dma_wait3A_479 = tpu.memref_squeeze %dma_wait3A_478 : memref<1x80x128xf32, #tpu.memory_space<vmem>> -> memref<80x128xf32, #tpu.memory_space<vmem>>
      %dma_wait3A_480 = arith.constant 0 : i32
      %dma_wait3A_481 = tpu.memref_slice %arg6[%select_n3A_472, %dma_wait3A_473, %dma_wait3A_480] : memref<8x2x80xi32, #tpu.memory_space<vmem>> -> memref<1x1x80xi32, #tpu.memory_space<vmem>>
      %dma_wait3A_482 = tpu.memref_squeeze %dma_wait3A_481 : memref<1x1x80xi32, #tpu.memory_space<vmem>> -> memref<80xi32, #tpu.memory_space<vmem>>
      %dma_wait3A_483 = arith.constant 0 : i32
      %dma_wait3A_484 = arith.constant 0 : i32
      %dma_wait3A_485 = tpu.memref_slice %arg2[%dma_wait3A_483, %dma_wait3A_484] : memref<10240x128xf32, #tpu.memory_space<hbm>> -> memref<10240x128xf32, #tpu.memory_space<hbm>>
      %dma_wait3A_486 = tpu.memref_slice %arg10[%dma_wait3A_475] : memref<4x!tpu.dma_semaphore, #tpu.memory_space<semaphore_mem>> -> memref<1x!tpu.dma_semaphore, #tpu.memory_space<semaphore_mem>>
      %dma_wait3A_487 = tpu.memref_squeeze %dma_wait3A_486 : memref<1x!tpu.dma_semaphore, #tpu.memory_space<semaphore_mem>> -> memref<!tpu.dma_semaphore, #tpu.memory_space<semaphore_mem>>
      tpu.wait_indirect_dma semaphore(%dma_wait3A_487 : memref<!tpu.dma_semaphore, #tpu.memory_space<semaphore_mem>>) src(%dma_wait3A_485 : memref<10240x128xf32, #tpu.memory_space<hbm>>) dst(%dma_wait3A_479 : memref<80x128xf32, #tpu.memory_space<vmem>>)
      %dma_start3A_488 = arith.constant 1 : i32
      %dma_start3A_489 = arith.constant 1 : i32
      %dma_start3A_490 = arith.constant 1 : i32
      %dma_start3A_491 = arith.constant 0 : i32
      %dma_start3A_492 = arith.constant 0 : i32
      %dma_start3A_493 = tpu.memref_slice %arg7[%dma_start3A_488, %dma_start3A_491, %dma_start3A_492] : memref<4x80x128xf32, #tpu.memory_space<vmem>> -> memref<1x80x128xf32, #tpu.memory_space<vmem>>
      %dma_start3A_494 = tpu.memref_squeeze %dma_start3A_493 : memref<1x80x128xf32, #tpu.memory_space<vmem>> -> memref<80x128xf32, #tpu.memory_space<vmem>>
      %dma_start3A_495 = arith.constant 0 : i32
      %dma_start3A_496 = tpu.memref_slice %arg6[%select_n3A_472, %dma_start3A_489, %dma_start3A_495] : memref<8x2x80xi32, #tpu.memory_space<vmem>> -> memref<1x1x80xi32, #tpu.memory_space<vmem>>
      %dma_start3A_497 = tpu.memref_squeeze %dma_start3A_496 : memref<1x1x80xi32, #tpu.memory_space<vmem>> -> memref<80xi32, #tpu.memory_space<vmem>>
      %dma_start3A_498 = arith.constant 0 : i32
      %dma_start3A_499 = arith.constant 0 : i32
      %dma_start3A_500 = tpu.memref_slice %arg8[%dma_start3A_498, %dma_start3A_499] : memref<10240x128xf32, #tpu.memory_space<vmem_shared>> -> memref<10240x128xf32, #tpu.memory_space<vmem_shared>>
      %dma_start3A_501 = tpu.memref_slice %arg11[%dma_start3A_490] : memref<4x!tpu.dma_semaphore, #tpu.memory_space<semaphore_mem>> -> memref<1x!tpu.dma_semaphore, #tpu.memory_space<semaphore_mem>>
      %dma_start3A_502 = tpu.memref_squeeze %dma_start3A_501 : memref<1x!tpu.dma_semaphore, #tpu.memory_space<semaphore_mem>> -> memref<!tpu.dma_semaphore, #tpu.memory_space<semaphore_mem>>
      tpu.enqueue_indirect_dma source(%dma_start3A_494 : memref<80x128xf32, #tpu.memory_space<vmem>>) target(%dma_start3A_500 : memref<10240x128xf32, #tpu.memory_space<vmem_shared>>) offsets(%dma_start3A_497 : memref<80xi32, #tpu.memory_space<vmem>>) semaphore(%dma_start3A_502 : memref<!tpu.dma_semaphore, #tpu.memory_space<semaphore_mem>>) {add = true}
      %add3A_503 = arith.constant 2 : i32
      %add3A_504 = arith.addi %add3A_164, %add3A_503 : i32
      %jit3A_505 = arith.constant 8 : i32
      %eq3A_506 = arith.constant 0 : i32
      %eq3A_507 = arith.cmpi eq, %jit3A_505, %eq3A_506 : i32
      %jit3A_508 = arith.constant 1 : i32
      %select_n3A_509 = arith.select %eq3A_507, %jit3A_508, %jit3A_505 : i32
      %rem3A_510 = arith.remsi %add3A_504, %select_n3A_509 : i32
      %ne3A_511 = arith.constant 0 : i32
      %ne3A_512 = arith.cmpi ne, %rem3A_510, %ne3A_511 : i32
      %lt3A_513 = arith.constant 0 : i32
      %lt3A_514 = arith.cmpi slt, %rem3A_510, %lt3A_513 : i32
      %lt3A_515 = arith.constant 0 : i32
      %lt3A_516 = arith.cmpi slt, %select_n3A_509, %lt3A_515 : i32
      %ne3A_517 = arith.xori %lt3A_514, %lt3A_516 : i1
      %and3A_518 = arith.andi %ne3A_517, %ne3A_512 : i1
      %add3A_519 = arith.addi %rem3A_510, %select_n3A_509 : i32
      %select_n3A_520 = arith.select %and3A_518, %add3A_519, %rem3A_510 : i32
      %dma_wait3A_521 = arith.constant 0 : i32
      %dma_wait3A_522 = arith.constant 2 : i32
      %dma_wait3A_523 = arith.constant 2 : i32
      %dma_wait3A_524 = arith.constant 0 : i32
      %dma_wait3A_525 = arith.constant 0 : i32
      %dma_wait3A_526 = tpu.memref_slice %arg7[%dma_wait3A_522, %dma_wait3A_524, %dma_wait3A_525] : memref<4x80x128xf32, #tpu.memory_space<vmem>> -> memref<1x80x128xf32, #tpu.memory_space<vmem>>
      %dma_wait3A_527 = tpu.memref_squeeze %dma_wait3A_526 : memref<1x80x128xf32, #tpu.memory_space<vmem>> -> memref<80x128xf32, #tpu.memory_space<vmem>>
      %dma_wait3A_528 = arith.constant 0 : i32
      %dma_wait3A_529 = tpu.memref_slice %arg6[%select_n3A_520, %dma_wait3A_521, %dma_wait3A_528] : memref<8x2x80xi32, #tpu.memory_space<vmem>> -> memref<1x1x80xi32, #tpu.memory_space<vmem>>
      %dma_wait3A_530 = tpu.memref_squeeze %dma_wait3A_529 : memref<1x1x80xi32, #tpu.memory_space<vmem>> -> memref<80xi32, #tpu.memory_space<vmem>>
      %dma_wait3A_531 = arith.constant 0 : i32
      %dma_wait3A_532 = arith.constant 0 : i32
      %dma_wait3A_533 = tpu.memref_slice %arg2[%dma_wait3A_531, %dma_wait3A_532] : memref<10240x128xf32, #tpu.memory_space<hbm>> -> memref<10240x128xf32, #tpu.memory_space<hbm>>
      %dma_wait3A_534 = tpu.memref_slice %arg10[%dma_wait3A_523] : memref<4x!tpu.dma_semaphore, #tpu.memory_space<semaphore_mem>> -> memref<1x!tpu.dma_semaphore, #tpu.memory_space<semaphore_mem>>
      %dma_wait3A_535 = tpu.memref_squeeze %dma_wait3A_534 : memref<1x!tpu.dma_semaphore, #tpu.memory_space<semaphore_mem>> -> memref<!tpu.dma_semaphore, #tpu.memory_space<semaphore_mem>>
      tpu.wait_indirect_dma semaphore(%dma_wait3A_535 : memref<!tpu.dma_semaphore, #tpu.memory_space<semaphore_mem>>) src(%dma_wait3A_533 : memref<10240x128xf32, #tpu.memory_space<hbm>>) dst(%dma_wait3A_527 : memref<80x128xf32, #tpu.memory_space<vmem>>)
      %dma_start3A_536 = arith.constant 2 : i32
      %dma_start3A_537 = arith.constant 1 : i32
      %dma_start3A_538 = arith.constant 2 : i32
      %dma_start3A_539 = arith.constant 0 : i32
      %dma_start3A_540 = arith.constant 0 : i32
      %dma_start3A_541 = tpu.memref_slice %arg7[%dma_start3A_536, %dma_start3A_539, %dma_start3A_540] : memref<4x80x128xf32, #tpu.memory_space<vmem>> -> memref<1x80x128xf32, #tpu.memory_space<vmem>>
      %dma_start3A_542 = tpu.memref_squeeze %dma_start3A_541 : memref<1x80x128xf32, #tpu.memory_space<vmem>> -> memref<80x128xf32, #tpu.memory_space<vmem>>
      %dma_start3A_543 = arith.constant 0 : i32
      %dma_start3A_544 = tpu.memref_slice %arg6[%select_n3A_520, %dma_start3A_537, %dma_start3A_543] : memref<8x2x80xi32, #tpu.memory_space<vmem>> -> memref<1x1x80xi32, #tpu.memory_space<vmem>>
      %dma_start3A_545 = tpu.memref_squeeze %dma_start3A_544 : memref<1x1x80xi32, #tpu.memory_space<vmem>> -> memref<80xi32, #tpu.memory_space<vmem>>
      %dma_start3A_546 = arith.constant 0 : i32
      %dma_start3A_547 = arith.constant 0 : i32
      %dma_start3A_548 = tpu.memref_slice %arg8[%dma_start3A_546, %dma_start3A_547] : memref<10240x128xf32, #tpu.memory_space<vmem_shared>> -> memref<10240x128xf32, #tpu.memory_space<vmem_shared>>
      %dma_start3A_549 = tpu.memref_slice %arg11[%dma_start3A_538] : memref<4x!tpu.dma_semaphore, #tpu.memory_space<semaphore_mem>> -> memref<1x!tpu.dma_semaphore, #tpu.memory_space<semaphore_mem>>
      %dma_start3A_550 = tpu.memref_squeeze %dma_start3A_549 : memref<1x!tpu.dma_semaphore, #tpu.memory_space<semaphore_mem>> -> memref<!tpu.dma_semaphore, #tpu.memory_space<semaphore_mem>>
      tpu.enqueue_indirect_dma source(%dma_start3A_542 : memref<80x128xf32, #tpu.memory_space<vmem>>) target(%dma_start3A_548 : memref<10240x128xf32, #tpu.memory_space<vmem_shared>>) offsets(%dma_start3A_545 : memref<80xi32, #tpu.memory_space<vmem>>) semaphore(%dma_start3A_550 : memref<!tpu.dma_semaphore, #tpu.memory_space<semaphore_mem>>) {add = true}
      %add3A_551 = arith.constant 3 : i32
      %add3A_552 = arith.addi %add3A_164, %add3A_551 : i32
      %jit3A_553 = arith.constant 8 : i32
      %eq3A_554 = arith.constant 0 : i32
      %eq3A_555 = arith.cmpi eq, %jit3A_553, %eq3A_554 : i32
      %jit3A_556 = arith.constant 1 : i32
      %select_n3A_557 = arith.select %eq3A_555, %jit3A_556, %jit3A_553 : i32
      %rem3A_558 = arith.remsi %add3A_552, %select_n3A_557 : i32
      %ne3A_559 = arith.constant 0 : i32
      %ne3A_560 = arith.cmpi ne, %rem3A_558, %ne3A_559 : i32
      %lt3A_561 = arith.constant 0 : i32
      %lt3A_562 = arith.cmpi slt, %rem3A_558, %lt3A_561 : i32
      %lt3A_563 = arith.constant 0 : i32
      %lt3A_564 = arith.cmpi slt, %select_n3A_557, %lt3A_563 : i32
      %ne3A_565 = arith.xori %lt3A_562, %lt3A_564 : i1
      %and3A_566 = arith.andi %ne3A_565, %ne3A_560 : i1
      %add3A_567 = arith.addi %rem3A_558, %select_n3A_557 : i32
      %select_n3A_568 = arith.select %and3A_566, %add3A_567, %rem3A_558 : i32
      %dma_wait3A_569 = arith.constant 0 : i32
      %dma_wait3A_570 = arith.constant 3 : i32
      %dma_wait3A_571 = arith.constant 3 : i32
      %dma_wait3A_572 = arith.constant 0 : i32
      %dma_wait3A_573 = arith.constant 0 : i32
      %dma_wait3A_574 = tpu.memref_slice %arg7[%dma_wait3A_570, %dma_wait3A_572, %dma_wait3A_573] : memref<4x80x128xf32, #tpu.memory_space<vmem>> -> memref<1x80x128xf32, #tpu.memory_space<vmem>>
      %dma_wait3A_575 = tpu.memref_squeeze %dma_wait3A_574 : memref<1x80x128xf32, #tpu.memory_space<vmem>> -> memref<80x128xf32, #tpu.memory_space<vmem>>
      %dma_wait3A_576 = arith.constant 0 : i32
      %dma_wait3A_577 = tpu.memref_slice %arg6[%select_n3A_568, %dma_wait3A_569, %dma_wait3A_576] : memref<8x2x80xi32, #tpu.memory_space<vmem>> -> memref<1x1x80xi32, #tpu.memory_space<vmem>>
      %dma_wait3A_578 = tpu.memref_squeeze %dma_wait3A_577 : memref<1x1x80xi32, #tpu.memory_space<vmem>> -> memref<80xi32, #tpu.memory_space<vmem>>
      %dma_wait3A_579 = arith.constant 0 : i32
      %dma_wait3A_580 = arith.constant 0 : i32
      %dma_wait3A_581 = tpu.memref_slice %arg2[%dma_wait3A_579, %dma_wait3A_580] : memref<10240x128xf32, #tpu.memory_space<hbm>> -> memref<10240x128xf32, #tpu.memory_space<hbm>>
      %dma_wait3A_582 = tpu.memref_slice %arg10[%dma_wait3A_571] : memref<4x!tpu.dma_semaphore, #tpu.memory_space<semaphore_mem>> -> memref<1x!tpu.dma_semaphore, #tpu.memory_space<semaphore_mem>>
      %dma_wait3A_583 = tpu.memref_squeeze %dma_wait3A_582 : memref<1x!tpu.dma_semaphore, #tpu.memory_space<semaphore_mem>> -> memref<!tpu.dma_semaphore, #tpu.memory_space<semaphore_mem>>
      tpu.wait_indirect_dma semaphore(%dma_wait3A_583 : memref<!tpu.dma_semaphore, #tpu.memory_space<semaphore_mem>>) src(%dma_wait3A_581 : memref<10240x128xf32, #tpu.memory_space<hbm>>) dst(%dma_wait3A_575 : memref<80x128xf32, #tpu.memory_space<vmem>>)
      %dma_start3A_584 = arith.constant 3 : i32
      %dma_start3A_585 = arith.constant 1 : i32
      %dma_start3A_586 = arith.constant 3 : i32
      %dma_start3A_587 = arith.constant 0 : i32
      %dma_start3A_588 = arith.constant 0 : i32
      %dma_start3A_589 = tpu.memref_slice %arg7[%dma_start3A_584, %dma_start3A_587, %dma_start3A_588] : memref<4x80x128xf32, #tpu.memory_space<vmem>> -> memref<1x80x128xf32, #tpu.memory_space<vmem>>
      %dma_start3A_590 = tpu.memref_squeeze %dma_start3A_589 : memref<1x80x128xf32, #tpu.memory_space<vmem>> -> memref<80x128xf32, #tpu.memory_space<vmem>>
      %dma_start3A_591 = arith.constant 0 : i32
      %dma_start3A_592 = tpu.memref_slice %arg6[%select_n3A_568, %dma_start3A_585, %dma_start3A_591] : memref<8x2x80xi32, #tpu.memory_space<vmem>> -> memref<1x1x80xi32, #tpu.memory_space<vmem>>
      %dma_start3A_593 = tpu.memref_squeeze %dma_start3A_592 : memref<1x1x80xi32, #tpu.memory_space<vmem>> -> memref<80xi32, #tpu.memory_space<vmem>>
      %dma_start3A_594 = arith.constant 0 : i32
      %dma_start3A_595 = arith.constant 0 : i32
      %dma_start3A_596 = tpu.memref_slice %arg8[%dma_start3A_594, %dma_start3A_595] : memref<10240x128xf32, #tpu.memory_space<vmem_shared>> -> memref<10240x128xf32, #tpu.memory_space<vmem_shared>>
      %dma_start3A_597 = tpu.memref_slice %arg11[%dma_start3A_586] : memref<4x!tpu.dma_semaphore, #tpu.memory_space<semaphore_mem>> -> memref<1x!tpu.dma_semaphore, #tpu.memory_space<semaphore_mem>>
      %dma_start3A_598 = tpu.memref_squeeze %dma_start3A_597 : memref<1x!tpu.dma_semaphore, #tpu.memory_space<semaphore_mem>> -> memref<!tpu.dma_semaphore, #tpu.memory_space<semaphore_mem>>
      tpu.enqueue_indirect_dma source(%dma_start3A_590 : memref<80x128xf32, #tpu.memory_space<vmem>>) target(%dma_start3A_596 : memref<10240x128xf32, #tpu.memory_space<vmem_shared>>) offsets(%dma_start3A_593 : memref<80xi32, #tpu.memory_space<vmem>>) semaphore(%dma_start3A_598 : memref<!tpu.dma_semaphore, #tpu.memory_space<semaphore_mem>>) {add = true}
    }
    %scan3A_91 = arith.constant 32 : i32
    %dma_wait3A = arith.constant 0 : i32
    %dma_wait3A_92 = arith.constant 4 : i32
    %dma_wait3A_93 = arith.constant 1 : i32
    %dma_wait3A_94 = arith.constant 0 : i32
    %dma_wait3A_95 = arith.constant 0 : i32
    %dma_wait3A_96 = arith.constant 0 : i32
    %dma_wait3A_97 = tpu.memref_slice %arg7[%dma_wait3A, %dma_wait3A_95, %dma_wait3A_96] : memref<4x80x128xf32, #tpu.memory_space<vmem>> -> memref<1x80x128xf32, #tpu.memory_space<vmem>>
    %dma_wait3A_98 = tpu.memref_squeeze %dma_wait3A_97 : memref<1x80x128xf32, #tpu.memory_space<vmem>> -> memref<80x128xf32, #tpu.memory_space<vmem>>
    %dma_wait3A_99 = arith.constant 0 : i32
    %dma_wait3A_100 = tpu.memref_slice %arg6[%dma_wait3A_92, %dma_wait3A_93, %dma_wait3A_99] : memref<8x2x80xi32, #tpu.memory_space<vmem>> -> memref<1x1x80xi32, #tpu.memory_space<vmem>>
    %dma_wait3A_101 = tpu.memref_squeeze %dma_wait3A_100 : memref<1x1x80xi32, #tpu.memory_space<vmem>> -> memref<80xi32, #tpu.memory_space<vmem>>
    %dma_wait3A_102 = arith.constant 0 : i32
    %dma_wait3A_103 = arith.constant 0 : i32
    %dma_wait3A_104 = tpu.memref_slice %arg8[%dma_wait3A_102, %dma_wait3A_103] : memref<10240x128xf32, #tpu.memory_space<vmem_shared>> -> memref<10240x128xf32, #tpu.memory_space<vmem_shared>>
    %dma_wait3A_105 = tpu.memref_slice %arg11[%dma_wait3A_94] : memref<4x!tpu.dma_semaphore, #tpu.memory_space<semaphore_mem>> -> memref<1x!tpu.dma_semaphore, #tpu.memory_space<semaphore_mem>>
    %dma_wait3A_106 = tpu.memref_squeeze %dma_wait3A_105 : memref<1x!tpu.dma_semaphore, #tpu.memory_space<semaphore_mem>> -> memref<!tpu.dma_semaphore, #tpu.memory_space<semaphore_mem>>
    tpu.wait_indirect_dma semaphore(%dma_wait3A_106 : memref<!tpu.dma_semaphore, #tpu.memory_space<semaphore_mem>>) src(%dma_wait3A_98 : memref<80x128xf32, #tpu.memory_space<vmem>>) dst(%dma_wait3A_104 : memref<10240x128xf32, #tpu.memory_space<vmem_shared>>)
    %dma_wait3A_107 = arith.constant 1 : i32
    %dma_wait3A_108 = arith.constant 5 : i32
    %dma_wait3A_109 = arith.constant 1 : i32
    %dma_wait3A_110 = arith.constant 1 : i32
    %dma_wait3A_111 = arith.constant 0 : i32
    %dma_wait3A_112 = arith.constant 0 : i32
    %dma_wait3A_113 = tpu.memref_slice %arg7[%dma_wait3A_107, %dma_wait3A_111, %dma_wait3A_112] : memref<4x80x128xf32, #tpu.memory_space<vmem>> -> memref<1x80x128xf32, #tpu.memory_space<vmem>>
    %dma_wait3A_114 = tpu.memref_squeeze %dma_wait3A_113 : memref<1x80x128xf32, #tpu.memory_space<vmem>> -> memref<80x128xf32, #tpu.memory_space<vmem>>
    %dma_wait3A_115 = arith.constant 0 : i32
    %dma_wait3A_116 = tpu.memref_slice %arg6[%dma_wait3A_108, %dma_wait3A_109, %dma_wait3A_115] : memref<8x2x80xi32, #tpu.memory_space<vmem>> -> memref<1x1x80xi32, #tpu.memory_space<vmem>>
    %dma_wait3A_117 = tpu.memref_squeeze %dma_wait3A_116 : memref<1x1x80xi32, #tpu.memory_space<vmem>> -> memref<80xi32, #tpu.memory_space<vmem>>
    %dma_wait3A_118 = arith.constant 0 : i32
    %dma_wait3A_119 = arith.constant 0 : i32
    %dma_wait3A_120 = tpu.memref_slice %arg8[%dma_wait3A_118, %dma_wait3A_119] : memref<10240x128xf32, #tpu.memory_space<vmem_shared>> -> memref<10240x128xf32, #tpu.memory_space<vmem_shared>>
    %dma_wait3A_121 = tpu.memref_slice %arg11[%dma_wait3A_110] : memref<4x!tpu.dma_semaphore, #tpu.memory_space<semaphore_mem>> -> memref<1x!tpu.dma_semaphore, #tpu.memory_space<semaphore_mem>>
    %dma_wait3A_122 = tpu.memref_squeeze %dma_wait3A_121 : memref<1x!tpu.dma_semaphore, #tpu.memory_space<semaphore_mem>> -> memref<!tpu.dma_semaphore, #tpu.memory_space<semaphore_mem>>
    tpu.wait_indirect_dma semaphore(%dma_wait3A_122 : memref<!tpu.dma_semaphore, #tpu.memory_space<semaphore_mem>>) src(%dma_wait3A_114 : memref<80x128xf32, #tpu.memory_space<vmem>>) dst(%dma_wait3A_120 : memref<10240x128xf32, #tpu.memory_space<vmem_shared>>)
    %dma_wait3A_123 = arith.constant 2 : i32
    %dma_wait3A_124 = arith.constant 6 : i32
    %dma_wait3A_125 = arith.constant 1 : i32
    %dma_wait3A_126 = arith.constant 2 : i32
    %dma_wait3A_127 = arith.constant 0 : i32
    %dma_wait3A_128 = arith.constant 0 : i32
    %dma_wait3A_129 = tpu.memref_slice %arg7[%dma_wait3A_123, %dma_wait3A_127, %dma_wait3A_128] : memref<4x80x128xf32, #tpu.memory_space<vmem>> -> memref<1x80x128xf32, #tpu.memory_space<vmem>>
    %dma_wait3A_130 = tpu.memref_squeeze %dma_wait3A_129 : memref<1x80x128xf32, #tpu.memory_space<vmem>> -> memref<80x128xf32, #tpu.memory_space<vmem>>
    %dma_wait3A_131 = arith.constant 0 : i32
    %dma_wait3A_132 = tpu.memref_slice %arg6[%dma_wait3A_124, %dma_wait3A_125, %dma_wait3A_131] : memref<8x2x80xi32, #tpu.memory_space<vmem>> -> memref<1x1x80xi32, #tpu.memory_space<vmem>>
    %dma_wait3A_133 = tpu.memref_squeeze %dma_wait3A_132 : memref<1x1x80xi32, #tpu.memory_space<vmem>> -> memref<80xi32, #tpu.memory_space<vmem>>
    %dma_wait3A_134 = arith.constant 0 : i32
    %dma_wait3A_135 = arith.constant 0 : i32
    %dma_wait3A_136 = tpu.memref_slice %arg8[%dma_wait3A_134, %dma_wait3A_135] : memref<10240x128xf32, #tpu.memory_space<vmem_shared>> -> memref<10240x128xf32, #tpu.memory_space<vmem_shared>>
    %dma_wait3A_137 = tpu.memref_slice %arg11[%dma_wait3A_126] : memref<4x!tpu.dma_semaphore, #tpu.memory_space<semaphore_mem>> -> memref<1x!tpu.dma_semaphore, #tpu.memory_space<semaphore_mem>>
    %dma_wait3A_138 = tpu.memref_squeeze %dma_wait3A_137 : memref<1x!tpu.dma_semaphore, #tpu.memory_space<semaphore_mem>> -> memref<!tpu.dma_semaphore, #tpu.memory_space<semaphore_mem>>
    tpu.wait_indirect_dma semaphore(%dma_wait3A_138 : memref<!tpu.dma_semaphore, #tpu.memory_space<semaphore_mem>>) src(%dma_wait3A_130 : memref<80x128xf32, #tpu.memory_space<vmem>>) dst(%dma_wait3A_136 : memref<10240x128xf32, #tpu.memory_space<vmem_shared>>)
    %dma_wait3A_139 = arith.constant 3 : i32
    %dma_wait3A_140 = arith.constant 7 : i32
    %dma_wait3A_141 = arith.constant 1 : i32
    %dma_wait3A_142 = arith.constant 3 : i32
    %dma_wait3A_143 = arith.constant 0 : i32
    %dma_wait3A_144 = arith.constant 0 : i32
    %dma_wait3A_145 = tpu.memref_slice %arg7[%dma_wait3A_139, %dma_wait3A_143, %dma_wait3A_144] : memref<4x80x128xf32, #tpu.memory_space<vmem>> -> memref<1x80x128xf32, #tpu.memory_space<vmem>>
    %dma_wait3A_146 = tpu.memref_squeeze %dma_wait3A_145 : memref<1x80x128xf32, #tpu.memory_space<vmem>> -> memref<80x128xf32, #tpu.memory_space<vmem>>
    %dma_wait3A_147 = arith.constant 0 : i32
    %dma_wait3A_148 = tpu.memref_slice %arg6[%dma_wait3A_140, %dma_wait3A_141, %dma_wait3A_147] : memref<8x2x80xi32, #tpu.memory_space<vmem>> -> memref<1x1x80xi32, #tpu.memory_space<vmem>>
    %dma_wait3A_149 = tpu.memref_squeeze %dma_wait3A_148 : memref<1x1x80xi32, #tpu.memory_space<vmem>> -> memref<80xi32, #tpu.memory_space<vmem>>
    %dma_wait3A_150 = arith.constant 0 : i32
    %dma_wait3A_151 = arith.constant 0 : i32
    %dma_wait3A_152 = tpu.memref_slice %arg8[%dma_wait3A_150, %dma_wait3A_151] : memref<10240x128xf32, #tpu.memory_space<vmem_shared>> -> memref<10240x128xf32, #tpu.memory_space<vmem_shared>>
    %dma_wait3A_153 = tpu.memref_slice %arg11[%dma_wait3A_142] : memref<4x!tpu.dma_semaphore, #tpu.memory_space<semaphore_mem>> -> memref<1x!tpu.dma_semaphore, #tpu.memory_space<semaphore_mem>>
    %dma_wait3A_154 = tpu.memref_squeeze %dma_wait3A_153 : memref<1x!tpu.dma_semaphore, #tpu.memory_space<semaphore_mem>> -> memref<!tpu.dma_semaphore, #tpu.memory_space<semaphore_mem>>
    tpu.wait_indirect_dma semaphore(%dma_wait3A_154 : memref<!tpu.dma_semaphore, #tpu.memory_space<semaphore_mem>>) src(%dma_wait3A_146 : memref<80x128xf32, #tpu.memory_space<vmem>>) dst(%dma_wait3A_152 : memref<10240x128xf32, #tpu.memory_space<vmem_shared>>)
    %barrier3A_155 = arith.constant 0 : index
    tpu.barrier barrier_id(%barrier3A_155)
    %mul3A_156 = arith.constant 640 : i32
    %mul3A_157 = arith.muli %arg1, %mul3A_156 : i32
    %mul3A_158 = arith.constant 640 : i32
    %mul3A_159 = arith.muli %arg1, %mul3A_158 : i32
    "tpu.region"() ({
      %run_scoped3A = tpu.sem_alloc : memref<!tpu.dma_semaphore, #tpu.memory_space<semaphore_mem>>
      %dma_start3A_160 = arith.constant 0 : i32
      %dma_start3A_161 = tpu.memref_slice %arg5[%arg0, %mul3A_159, %dma_start3A_160] : memref<2x10240x128xf32, #tpu.memory_space<hbm>> -> memref<1x640x128xf32, #tpu.memory_space<hbm>>
      %dma_start3A_162 = tpu.memref_squeeze %dma_start3A_161 : memref<1x640x128xf32, #tpu.memory_space<hbm>> -> memref<640x128xf32, #tpu.memory_space<hbm>>
      %dma_start3A_163 = arith.constant 0 : i32
      %dma_start3A_164 = tpu.memref_slice %arg8[%mul3A_157, %dma_start3A_163] : memref<10240x128xf32, #tpu.memory_space<vmem_shared>> -> memref<640x128xf32, #tpu.memory_space<vmem_shared>>
      tpu.enqueue_dma source(%dma_start3A_164 : memref<640x128xf32, #tpu.memory_space<vmem_shared>>) target(%dma_start3A_162 : memref<640x128xf32, #tpu.memory_space<hbm>>) target_semaphore(%run_scoped3A : memref<!tpu.dma_semaphore, #tpu.memory_space<semaphore_mem>>)
      %dma_wait3A_165 = arith.constant 0 : i32
      %dma_wait3A_166 = tpu.memref_slice %arg5[%arg0, %mul3A_159, %dma_wait3A_165] : memref<2x10240x128xf32, #tpu.memory_space<hbm>> -> memref<1x640x128xf32, #tpu.memory_space<hbm>>
      %dma_wait3A_167 = tpu.memref_squeeze %dma_wait3A_166 : memref<1x640x128xf32, #tpu.memory_space<hbm>> -> memref<640x128xf32, #tpu.memory_space<hbm>>
      %dma_wait3A_168 = arith.constant 0 : i32
      %dma_wait3A_169 = tpu.memref_slice %arg8[%mul3A_157, %dma_wait3A_168] : memref<10240x128xf32, #tpu.memory_space<vmem_shared>> -> memref<640x128xf32, #tpu.memory_space<vmem_shared>>
      tpu.wait_dma2 semaphore(%run_scoped3A : memref<!tpu.dma_semaphore, #tpu.memory_space<semaphore_mem>>) src(%dma_wait3A_169 : memref<640x128xf32, #tpu.memory_space<vmem_shared>>) dst(%dma_wait3A_167 : memref<640x128xf32, #tpu.memory_space<hbm>>)
      tpu.yield
    }) : () -> ()
    return
  }
}

#map = affine_map<(d0, d1) -> (0, 0)>
#map1 = affine_map<(d0, d1) -> (0)>
module attributes {stable_mosaic.version = 14 : i64} {
  func.func @_sc_deg_body(%arg0: i32, %arg1: i32, %arg2: memref<32x10240xi32, #tpu.memory_space<hbm>>, %arg3: memref<10240xf32, #tpu.memory_space<hbm>>, %arg4: memref<327680xf32, #tpu.memory_space<hbm>>, %arg5: memref<10240xi32, #tpu.memory_space<vmem>>, %arg6: memref<10240xf32, #tpu.memory_space<vmem>>) attributes {dimension_semantics = [#tpu.dimension_semantics<core_parallel>, #tpu.dimension_semantics<subcore_parallel>], iteration_bounds = array<i64: 2, 16>, scalar_prefetch = 0 : i64, scratch_operands = 2 : i64, tpu.core_type = #tpu.core_type<sc_vector_subcore>, window_params = [{transform_indices = #map}, {transform_indices = #map1}, {transform_indices = #map1}]} {
    %mul3A = arith.constant 16 : i32
    %mul3A_0 = arith.muli %arg0, %mul3A : i32
    %add3A = arith.addi %mul3A_0, %arg1 : i32
    "tpu.region"() ({
      %run_scoped3A = tpu.sem_alloc : memref<!tpu.dma_semaphore, #tpu.memory_space<semaphore_mem>>
      %dma_start3A = arith.constant 0 : i32
      %dma_start3A_9 = tpu.memref_slice %arg2[%add3A, %dma_start3A] : memref<32x10240xi32, #tpu.memory_space<hbm>> -> memref<1x10240xi32, #tpu.memory_space<hbm>>
      %dma_start3A_10 = tpu.memref_squeeze %dma_start3A_9 : memref<1x10240xi32, #tpu.memory_space<hbm>> -> memref<10240xi32, #tpu.memory_space<hbm>>
      %dma_start3A_11 = arith.constant 0 : i32
      %dma_start3A_12 = tpu.memref_slice %arg2[%add3A, %dma_start3A_11] : memref<32x10240xi32, #tpu.memory_space<hbm>> -> memref<1x10240xi32, #tpu.memory_space<hbm>>
      %dma_start3A_13 = tpu.memref_squeeze %dma_start3A_12 : memref<1x10240xi32, #tpu.memory_space<hbm>> -> memref<10240xi32, #tpu.memory_space<hbm>>
      tpu.enqueue_dma source(%dma_start3A_13 : memref<10240xi32, #tpu.memory_space<hbm>>) target(%arg5 : memref<10240xi32, #tpu.memory_space<vmem>>) target_semaphore(%run_scoped3A : memref<!tpu.dma_semaphore, #tpu.memory_space<semaphore_mem>>)
      %dma_wait3A = arith.constant 0 : i32
      %dma_wait3A_14 = tpu.memref_slice %arg2[%add3A, %dma_wait3A] : memref<32x10240xi32, #tpu.memory_space<hbm>> -> memref<1x10240xi32, #tpu.memory_space<hbm>>
      %dma_wait3A_15 = tpu.memref_squeeze %dma_wait3A_14 : memref<1x10240xi32, #tpu.memory_space<hbm>> -> memref<10240xi32, #tpu.memory_space<hbm>>
      %dma_wait3A_16 = arith.constant 0 : i32
      %dma_wait3A_17 = tpu.memref_slice %arg2[%add3A, %dma_wait3A_16] : memref<32x10240xi32, #tpu.memory_space<hbm>> -> memref<1x10240xi32, #tpu.memory_space<hbm>>
      %dma_wait3A_18 = tpu.memref_squeeze %dma_wait3A_17 : memref<1x10240xi32, #tpu.memory_space<hbm>> -> memref<10240xi32, #tpu.memory_space<hbm>>
      tpu.wait_dma2 semaphore(%run_scoped3A : memref<!tpu.dma_semaphore, #tpu.memory_space<semaphore_mem>>) src(%dma_wait3A_18 : memref<10240xi32, #tpu.memory_space<hbm>>) dst(%arg5 : memref<10240xi32, #tpu.memory_space<vmem>>)
      tpu.yield
    }) : () -> ()
    "tpu.region"() ({
      %run_scoped3A = tpu.sem_alloc : memref<!tpu.dma_semaphore, #tpu.memory_space<semaphore_mem>>
      tpu.enqueue_dma source(%arg3 : memref<10240xf32, #tpu.memory_space<hbm>>) target(%arg6 : memref<10240xf32, #tpu.memory_space<vmem>>) target_semaphore(%run_scoped3A : memref<!tpu.dma_semaphore, #tpu.memory_space<semaphore_mem>>)
      tpu.wait_dma2 semaphore(%run_scoped3A : memref<!tpu.dma_semaphore, #tpu.memory_space<semaphore_mem>>) src(%arg3 : memref<10240xf32, #tpu.memory_space<hbm>>) dst(%arg6 : memref<10240xf32, #tpu.memory_space<vmem>>)
      tpu.yield
    }) : () -> ()
    %broadcast_in_dim3A = arith.constant 1.000000e+00 : f32
    %broadcast_in_dim3A_1 = vector.broadcast %broadcast_in_dim3A : f32 to vector<16xf32>
    %scan3A = arith.constant 0 : i32
    %scan3A_2 = arith.constant 0 : i32
    %scan3A_3 = arith.constant 640 : i32
    %scan3A_4 = arith.addi %scan3A_2, %scan3A_3 : i32
    %scan3A_5 = arith.constant 1 : i32
    scf.for %scan3A_9 = %scan3A_2 to %scan3A_4 step %scan3A_5  : i32 {
      %mul3A_10 = arith.constant 16 : i32
      %mul3A_11 = arith.muli %scan3A_9, %mul3A_10 : i32
      %get3A = arith.index_cast %mul3A_11 : i32 to index
      %get3A_12 = tpu.vector_load %arg5[%get3A] {strides = array<i32>} : memref<10240xi32, #tpu.memory_space<vmem>>, vector<16xi32>,
      tpu.vector_store_idx %arg6[%get3A_12], %broadcast_in_dim3A_1 {add = true} : memref<10240xf32, #tpu.memory_space<vmem>>[vector<16xi32>], vector<16xf32>,
    }
    %scan3A_6 = arith.constant 640 : i32
    %mul3A_7 = arith.constant 10240 : i32
    %mul3A_8 = arith.muli %add3A, %mul3A_7 : i32
    "tpu.region"() ({
      %run_scoped3A = tpu.sem_alloc : memref<!tpu.dma_semaphore, #tpu.memory_space<semaphore_mem>>
      %dma_start3A = tpu.memref_slice %arg4[%mul3A_8] : memref<327680xf32, #tpu.memory_space<hbm>> -> memref<10240xf32, #tpu.memory_space<hbm>>
      %dma_start3A_9 = tpu.memref_slice %arg4[%mul3A_8] : memref<327680xf32, #tpu.memory_space<hbm>> -> memref<10240xf32, #tpu.memory_space<hbm>>
      tpu.enqueue_dma source(%arg6 : memref<10240xf32, #tpu.memory_space<vmem>>) target(%dma_start3A_9 : memref<10240xf32, #tpu.memory_space<hbm>>) target_semaphore(%run_scoped3A : memref<!tpu.dma_semaphore, #tpu.memory_space<semaphore_mem>>)
      %dma_wait3A = tpu.memref_slice %arg4[%mul3A_8] : memref<327680xf32, #tpu.memory_space<hbm>> -> memref<10240xf32, #tpu.memory_space<hbm>>
      %dma_wait3A_10 = tpu.memref_slice %arg4[%mul3A_8] : memref<327680xf32, #tpu.memory_space<hbm>> -> memref<10240xf32, #tpu.memory_space<hbm>>
      tpu.wait_dma2 semaphore(%run_scoped3A : memref<!tpu.dma_semaphore, #tpu.memory_space<semaphore_mem>>) src(%arg6 : memref<10240xf32, #tpu.memory_space<vmem>>) dst(%dma_wait3A_10 : memref<10240xf32, #tpu.memory_space<hbm>>)
      tpu.yield
    }) : () -> ()
    return
  }
}

module attributes {stable_mosaic.version = 14 : i64} {
  func.func @_tc0_body(%arg0: i32, %arg1: memref<32x80x128xf32, #tpu.memory_space<vmem>>, %arg2: memref<80x128xf32, #tpu.memory_space<vmem>>) attributes {dimension_semantics = [#tpu.dimension_semantics<arbitrary>], iteration_bounds = array<i64: 1>, scalar_prefetch = 0 : i64, scratch_operands = 0 : i64, tpu.core_type = #tpu.core_type<tc>, window_params = [{pipeline_mode = #tpu.pipeline_mode<synchronous>, transform_indices = @transform_0, window_bounds = array<i64: 32, 80, 128>}, {pipeline_mode = #tpu.pipeline_mode<synchronous>, transform_indices = @transform_1, window_bounds = array<i64: 80, 128>}]} {
    %get3A = arith.constant 0 : index
    %get3A_0 = arith.constant 0 : index
    %get3A_1 = arith.constant 0 : index
    %get3A_2 = vector.load %arg1[%get3A, %get3A_0, %get3A_1] : memref<32x80x128xf32, #tpu.memory_space<vmem>>, vector<32x80x128xf32>
    %reduce_sum3A = arith.constant dense<0.000000e+00> : vector<80x128xf32>
    %reduce_sum3A_3 = vector.multi_reduction <add>, %get3A_2, %reduce_sum3A [0] : vector<32x80x128xf32> to vector<80x128xf32>
    %add3A = arith.constant 1.000000e+00 : f32
    %add3A_4 = vector.broadcast %add3A : f32 to vector<80x128xf32>
    %add3A_5 = arith.addf %reduce_sum3A_3, %add3A_4 : vector<80x128xf32>
    %rsqrt3A = math.rsqrt %add3A_5 : vector<80x128xf32>
    %swap3A = arith.constant 0 : index
    %swap3A_6 = arith.constant 0 : index
    %swap3A_7 = vector.load %arg2[%swap3A, %swap3A_6] : memref<80x128xf32, #tpu.memory_space<vmem>>, vector<80x128xf32>
    tpu.vector_store %arg2[%swap3A, %swap3A_6], %rsqrt3A {strides = array<i32>} : memref<80x128xf32, #tpu.memory_space<vmem>>, vector<80x128xf32>,
    return
  }
  func.func @transform_0(%arg0: i32) -> (i32, i32, i32) {
    %c0_i32 = arith.constant 0 : i32
    %c0_i32_0 = arith.constant 0 : i32
    %c0_i32_1 = arith.constant 0 : i32
    %c0_i32_2 = arith.constant 0 : i32
    return %c0_i32, %c0_i32_0, %c0_i32_1 : i32, i32, i32
  }
  func.func @transform_1(%arg0: i32) -> (i32, i32) {
    %c0_i32 = arith.constant 0 : i32
    %c0_i32_0 = arith.constant 0 : i32
    %c0_i32_1 = arith.constant 0 : i32
    return %c0_i32, %c0_i32_0 : i32, i32
  }
}

module attributes {stable_mosaic.version = 14 : i64} {
  func.func @_tc1_body(%arg0: i32, %arg1: memref<512x128xf32, #tpu.memory_space<vmem>>, %arg2: memref<128x128xf32, #tpu.memory_space<vmem>>, %arg3: memref<512x1xf32, #tpu.memory_space<vmem>>, %arg4: memref<512x128xf32, #tpu.memory_space<vmem>>, %arg5: memref<512x128xf32, #tpu.memory_space<vmem>>) attributes {dimension_semantics = [#tpu.dimension_semantics<arbitrary>], iteration_bounds = array<i64: 20>, scalar_prefetch = 0 : i64, scratch_operands = 0 : i64, tpu.core_type = #tpu.core_type<tc>, window_params = [{transform_indices = @transform_0, window_bounds = array<i64: 512, 128>}, {pipeline_mode = #tpu.pipeline_mode<synchronous>, transform_indices = @transform_1, window_bounds = array<i64: 128, 128>}, {transform_indices = @transform_2, window_bounds = array<i64: 512, 1>}, {transform_indices = @transform_3, window_bounds = array<i64: 512, 128>}, {transform_indices = @transform_4, window_bounds = array<i64: 512, 128>}]} {
    %get3A = arith.constant 0 : index
    %get3A_0 = arith.constant 0 : index
    %get3A_1 = vector.load %arg3[%get3A, %get3A_0] : memref<512x1xf32, #tpu.memory_space<vmem>>, vector<512x1xf32>
    %get3A_2 = arith.constant 0 : index
    %get3A_3 = arith.constant 0 : index
    %get3A_4 = vector.load %arg1[%get3A_2, %get3A_3] : memref<512x128xf32, #tpu.memory_space<vmem>>, vector<512x128xf32>
    %get3A_5 = arith.constant 0 : index
    %get3A_6 = arith.constant 0 : index
    %get3A_7 = vector.load %arg2[%get3A_5, %get3A_6] : memref<128x128xf32, #tpu.memory_space<vmem>>, vector<128x128xf32>
    %dot_general3A = arith.constant dense<0.000000e+00> : vector<512x128xf32>
    %dot_general3A_8 = tpu.matmul %get3A_4, %get3A_7, %dot_general3A {dimension_numbers = #tpu.dot_dimension_numbers<[1], [0], [0], [1], [0, 0, 1, 1], [], []>, precision = #tpu.contract_precision<fp32>, transpose_lhs_hint = false} : vector<512x128xf32>, vector<128x128xf32>, vector<512x128xf32> -> vector<512x128xf32>
    %swap3A = arith.constant 0 : index
    %swap3A_9 = arith.constant 0 : index
    %swap3A_10 = vector.load %arg4[%swap3A, %swap3A_9] : memref<512x128xf32, #tpu.memory_space<vmem>>, vector<512x128xf32>
    tpu.vector_store %arg4[%swap3A, %swap3A_9], %dot_general3A_8 {strides = array<i32>} : memref<512x128xf32, #tpu.memory_space<vmem>>, vector<512x128xf32>,
    %mul3A = vector.broadcast %get3A_1 : vector<512x1xf32> to vector<512x128xf32>
    %mul3A_11 = arith.mulf %dot_general3A_8, %mul3A : vector<512x128xf32>
    %swap3A_12 = arith.constant 0 : index
    %swap3A_13 = arith.constant 0 : index
    %swap3A_14 = vector.load %arg5[%swap3A_12, %swap3A_13] : memref<512x128xf32, #tpu.memory_space<vmem>>, vector<512x128xf32>
    tpu.vector_store %arg5[%swap3A_12, %swap3A_13], %mul3A_11 {strides = array<i32>} : memref<512x128xf32, #tpu.memory_space<vmem>>, vector<512x128xf32>,
    return
  }
  func.func @transform_0(%arg0: i32) -> (i32, i32) {
    %c0_i32 = arith.constant 0 : i32
    %c0_i32_0 = arith.constant 0 : i32
    return %arg0, %c0_i32 : i32, i32
  }
  func.func @transform_1(%arg0: i32) -> (i32, i32) {
    %c0_i32 = arith.constant 0 : i32
    %c0_i32_0 = arith.constant 0 : i32
    %c0_i32_1 = arith.constant 0 : i32
    return %c0_i32, %c0_i32_0 : i32, i32
  }
  func.func @transform_2(%arg0: i32) -> (i32, i32) {
    %c0_i32 = arith.constant 0 : i32
    %c0_i32_0 = arith.constant 0 : i32
    return %arg0, %c0_i32 : i32, i32
  }
  func.func @transform_3(%arg0: i32) -> (i32, i32) {
    %c0_i32 = arith.constant 0 : i32
    %c0_i32_0 = arith.constant 0 : i32
    return %arg0, %c0_i32 : i32, i32
  }
  func.func @transform_4(%arg0: i32) -> (i32, i32) {
    %c0_i32 = arith.constant 0 : i32
    %c0_i32_0 = arith.constant 0 : i32
    return %arg0, %c0_i32 : i32, i32
  }
}

module attributes {stable_mosaic.version = 14 : i64} {
  func.func @_tc2_body(%arg0: i32, %arg1: memref<2x512x128xf32, #tpu.memory_space<vmem>>, %arg2: memref<512x128xf32, #tpu.memory_space<vmem>>, %arg3: memref<512x1xf32, #tpu.memory_space<vmem>>, %arg4: memref<1x128xf32, #tpu.memory_space<vmem>>, %arg5: memref<128x128xf32, #tpu.memory_space<vmem>>, %arg6: memref<512x128xf32, #tpu.memory_space<vmem>>, %arg7: memref<512x128xf32, #tpu.memory_space<vmem>>) attributes {dimension_semantics = [#tpu.dimension_semantics<arbitrary>], iteration_bounds = array<i64: 20>, scalar_prefetch = 0 : i64, scratch_operands = 0 : i64, tpu.core_type = #tpu.core_type<tc>, window_params = [{transform_indices = @transform_0, window_bounds = array<i64: 2, 512, 128>}, {transform_indices = @transform_1, window_bounds = array<i64: 512, 128>}, {transform_indices = @transform_2, window_bounds = array<i64: 512, 1>}, {pipeline_mode = #tpu.pipeline_mode<synchronous>, transform_indices = @transform_3, window_bounds = array<i64: 1, 128>}, {pipeline_mode = #tpu.pipeline_mode<synchronous>, transform_indices = @transform_4, window_bounds = array<i64: 128, 128>}, {transform_indices = @transform_5, window_bounds = array<i64: 512, 128>}, {transform_indices = @transform_6, window_bounds = array<i64: 512, 128>}]} {
    %get3A = arith.constant 0 : index
    %get3A_0 = arith.constant 0 : index
    %get3A_1 = arith.constant 0 : index
    %get3A_2 = vector.load %arg1[%get3A, %get3A_0, %get3A_1] : memref<2x512x128xf32, #tpu.memory_space<vmem>>, vector<2x512x128xf32>
    %get3A_3 = arith.constant 0 : index
    %get3A_4 = arith.constant 0 : index
    %get3A_5 = vector.load %arg3[%get3A_3, %get3A_4] : memref<512x1xf32, #tpu.memory_space<vmem>>, vector<512x1xf32>
    %slice3A = vector.extract_strided_slice %get3A_2 {offsets = [0, 0, 0], sizes = [1, 512, 128], strides = [1, 1, 1]} : vector<2x512x128xf32> to vector<1x512x128xf32>
    %squeeze3A = vector.shape_cast %slice3A : vector<1x512x128xf32> to vector<512x128xf32>
    %slice3A_6 = vector.extract_strided_slice %get3A_2 {offsets = [1, 0, 0], sizes = [1, 512, 128], strides = [1, 1, 1]} : vector<2x512x128xf32> to vector<1x512x128xf32>
    %squeeze3A_7 = vector.shape_cast %slice3A_6 : vector<1x512x128xf32> to vector<512x128xf32>
    %add3A = arith.addf %squeeze3A, %squeeze3A_7 : vector<512x128xf32>
    %mul3A = vector.broadcast %get3A_5 : vector<512x1xf32> to vector<512x128xf32>
    %mul3A_8 = arith.mulf %mul3A, %add3A : vector<512x128xf32>
    %mul3A_9 = arith.mulf %get3A_5, %get3A_5 : vector<512x1xf32>
    %get3A_10 = arith.constant 0 : index
    %get3A_11 = arith.constant 0 : index
    %get3A_12 = vector.load %arg2[%get3A_10, %get3A_11] : memref<512x128xf32, #tpu.memory_space<vmem>>, vector<512x128xf32>
    %mul3A_13 = vector.broadcast %mul3A_9 : vector<512x1xf32> to vector<512x128xf32>
    %mul3A_14 = arith.mulf %mul3A_13, %get3A_12 : vector<512x128xf32>
    %add3A_15 = arith.addf %mul3A_8, %mul3A_14 : vector<512x128xf32>
    %get3A_16 = arith.constant 0 : index
    %get3A_17 = arith.constant 0 : index
    %get3A_18 = vector.load %arg4[%get3A_16, %get3A_17] : memref<1x128xf32, #tpu.memory_space<vmem>>, vector<1x128xf32>
    %add3A_19 = vector.broadcast %get3A_18 : vector<1x128xf32> to vector<512x128xf32>
    %add3A_20 = arith.addf %add3A_15, %add3A_19 : vector<512x128xf32>
    %max3A = arith.constant 0.000000e+00 : f32
    %max3A_21 = vector.broadcast %max3A : f32 to vector<512x128xf32>
    %max3A_22 = arith.maximumf %add3A_20, %max3A_21 : vector<512x128xf32>
    %mul3A_23 = arith.constant 512 : i32
    %mul3A_24 = arith.muli %arg0, %mul3A_23 : i32
    %iota3A = tpu.iota {dimensions = array<i32: 0>} : vector<512x1xi32>
    %add3A_25 = vector.broadcast %mul3A_24 : i32 to vector<512x1xi32>
    %add3A_26 = arith.addi %add3A_25, %iota3A : vector<512x1xi32>
    %lt3A = arith.constant 10000 : i32
    %lt3A_27 = vector.broadcast %lt3A : i32 to vector<512x1xi32>
    %lt3A_28 = arith.cmpi slt, %add3A_26, %lt3A_27 : vector<512x1xi32>
    %jit3A = arith.constant 0.000000e+00 : f32
    %broadcast_in_dim3A = vector.shape_cast %lt3A_28 : vector<512x1xi1> to vector<512x1xi1>
    %broadcast_in_dim3A_29 = vector.broadcast %broadcast_in_dim3A : vector<512x1xi1> to vector<512x128xi1>
    %broadcast_in_dim3A_30 = vector.broadcast %jit3A : f32 to vector<512x128xf32>
    %select_n3A = arith.select %broadcast_in_dim3A_29, %max3A_22, %broadcast_in_dim3A_30 : vector<512x128xi1>, vector<512x128xf32>
    %get3A_31 = arith.constant 0 : index
    %get3A_32 = arith.constant 0 : index
    %get3A_33 = vector.load %arg5[%get3A_31, %get3A_32] : memref<128x128xf32, #tpu.memory_space<vmem>>, vector<128x128xf32>
    %dot_general3A = arith.constant dense<0.000000e+00> : vector<512x128xf32>
    %dot_general3A_34 = tpu.matmul %select_n3A, %get3A_33, %dot_general3A {dimension_numbers = #tpu.dot_dimension_numbers<[1], [0], [0], [1], [0, 0, 1, 1], [], []>, precision = #tpu.contract_precision<fp32>, transpose_lhs_hint = false} : vector<512x128xf32>, vector<128x128xf32>, vector<512x128xf32> -> vector<512x128xf32>
    %swap3A = arith.constant 0 : index
    %swap3A_35 = arith.constant 0 : index
    %swap3A_36 = vector.load %arg6[%swap3A, %swap3A_35] : memref<512x128xf32, #tpu.memory_space<vmem>>, vector<512x128xf32>
    tpu.vector_store %arg6[%swap3A, %swap3A_35], %dot_general3A_34 {strides = array<i32>} : memref<512x128xf32, #tpu.memory_space<vmem>>, vector<512x128xf32>,
    %mul3A_37 = vector.broadcast %get3A_5 : vector<512x1xf32> to vector<512x128xf32>
    %mul3A_38 = arith.mulf %dot_general3A_34, %mul3A_37 : vector<512x128xf32>
    %swap3A_39 = arith.constant 0 : index
    %swap3A_40 = arith.constant 0 : index
    %swap3A_41 = vector.load %arg7[%swap3A_39, %swap3A_40] : memref<512x128xf32, #tpu.memory_space<vmem>>, vector<512x128xf32>
    tpu.vector_store %arg7[%swap3A_39, %swap3A_40], %mul3A_38 {strides = array<i32>} : memref<512x128xf32, #tpu.memory_space<vmem>>, vector<512x128xf32>,
    return
  }
  func.func @transform_0(%arg0: i32) -> (i32, i32, i32) {
    %c0_i32 = arith.constant 0 : i32
    %c0_i32_0 = arith.constant 0 : i32
    %c0_i32_1 = arith.constant 0 : i32
    return %c0_i32, %arg0, %c0_i32_0 : i32, i32, i32
  }
  func.func @transform_1(%arg0: i32) -> (i32, i32) {
    %c0_i32 = arith.constant 0 : i32
    %c0_i32_0 = arith.constant 0 : i32
    return %arg0, %c0_i32 : i32, i32
  }
  func.func @transform_2(%arg0: i32) -> (i32, i32) {
    %c0_i32 = arith.constant 0 : i32
    %c0_i32_0 = arith.constant 0 : i32
    return %arg0, %c0_i32 : i32, i32
  }
  func.func @transform_3(%arg0: i32) -> (i32, i32) {
    %c0_i32 = arith.constant 0 : i32
    %c0_i32_0 = arith.constant 0 : i32
    %c0_i32_1 = arith.constant 0 : i32
    return %c0_i32, %c0_i32_0 : i32, i32
  }
  func.func @transform_4(%arg0: i32) -> (i32, i32) {
    %c0_i32 = arith.constant 0 : i32
    %c0_i32_0 = arith.constant 0 : i32
    %c0_i32_1 = arith.constant 0 : i32
    return %c0_i32, %c0_i32_0 : i32, i32
  }
  func.func @transform_5(%arg0: i32) -> (i32, i32) {
    %c0_i32 = arith.constant 0 : i32
    %c0_i32_0 = arith.constant 0 : i32
    return %arg0, %c0_i32 : i32, i32
  }
  func.func @transform_6(%arg0: i32) -> (i32, i32) {
    %c0_i32 = arith.constant 0 : i32
    %c0_i32_0 = arith.constant 0 : i32
    return %arg0, %c0_i32 : i32, i32
  }
}

module attributes {stable_mosaic.version = 14 : i64} {
  func.func @_tc3_body(%arg0: i32, %arg1: i32, %arg2: memref<2x512x128xf32, #tpu.memory_space<vmem>>, %arg3: memref<512x128xf32, #tpu.memory_space<vmem>>, %arg4: memref<512x1xf32, #tpu.memory_space<vmem>>, %arg5: memref<1x128xf32, #tpu.memory_space<vmem>>, %arg6: memref<512x128xf32, #tpu.memory_space<vmem>>, %arg7: memref<1x128xf32, #tpu.memory_space<vmem>>, %arg8: memref<10240x128xf32, #tpu.memory_space<vmem>>) attributes {dimension_semantics = [#tpu.dimension_semantics<arbitrary>, #tpu.dimension_semantics<arbitrary>], iteration_bounds = array<i64: 2, 20>, scalar_prefetch = 0 : i64, scratch_operands = 1 : i64, tpu.core_type = #tpu.core_type<tc>, window_params = [{transform_indices = @transform_0, window_bounds = array<i64: 2, 512, 128>}, {transform_indices = @transform_1, window_bounds = array<i64: 512, 128>}, {transform_indices = @transform_2, window_bounds = array<i64: 512, 1>}, {pipeline_mode = #tpu.pipeline_mode<synchronous>, transform_indices = @transform_3, window_bounds = array<i64: 1, 128>}, {transform_indices = @transform_4, window_bounds = array<i64: 512, 128>}, {pipeline_mode = #tpu.pipeline_mode<synchronous>, transform_indices = @transform_5, window_bounds = array<i64: 1, 128>}]} {
    %eq3A = arith.constant 0 : i32
    %eq3A_0 = arith.cmpi eq, %arg0, %eq3A : i32
    %convert_element_type3A = arith.extui %eq3A_0 : i1 to i32
    %cond3A = arith.constant 0 : i32
    %cond3A_1 = arith.cmpi ne, %convert_element_type3A, %cond3A : i32
    scf.if %cond3A_1 {
      %get3A = arith.constant 0 : index
      %get3A_7 = arith.constant 0 : index
      %get3A_8 = arith.constant 0 : index
      %get3A_9 = vector.load %arg2[%get3A, %get3A_7, %get3A_8] : memref<2x512x128xf32, #tpu.memory_space<vmem>>, vector<2x512x128xf32>
      %get3A_10 = arith.constant 0 : index
      %get3A_11 = arith.constant 0 : index
      %get3A_12 = vector.load %arg4[%get3A_10, %get3A_11] : memref<512x1xf32, #tpu.memory_space<vmem>>, vector<512x1xf32>
      %slice3A = vector.extract_strided_slice %get3A_9 {offsets = [0, 0, 0], sizes = [1, 512, 128], strides = [1, 1, 1]} : vector<2x512x128xf32> to vector<1x512x128xf32>
      %squeeze3A = vector.shape_cast %slice3A : vector<1x512x128xf32> to vector<512x128xf32>
      %slice3A_13 = vector.extract_strided_slice %get3A_9 {offsets = [1, 0, 0], sizes = [1, 512, 128], strides = [1, 1, 1]} : vector<2x512x128xf32> to vector<1x512x128xf32>
      %squeeze3A_14 = vector.shape_cast %slice3A_13 : vector<1x512x128xf32> to vector<512x128xf32>
      %add3A = arith.addf %squeeze3A, %squeeze3A_14 : vector<512x128xf32>
      %mul3A = vector.broadcast %get3A_12 : vector<512x1xf32> to vector<512x128xf32>
      %mul3A_15 = arith.mulf %mul3A, %add3A : vector<512x128xf32>
      %mul3A_16 = arith.mulf %get3A_12, %get3A_12 : vector<512x1xf32>
      %get3A_17 = arith.constant 0 : index
      %get3A_18 = arith.constant 0 : index
      %get3A_19 = vector.load %arg3[%get3A_17, %get3A_18] : memref<512x128xf32, #tpu.memory_space<vmem>>, vector<512x128xf32>
      %mul3A_20 = vector.broadcast %mul3A_16 : vector<512x1xf32> to vector<512x128xf32>
      %mul3A_21 = arith.mulf %mul3A_20, %get3A_19 : vector<512x128xf32>
      %add3A_22 = arith.addf %mul3A_15, %mul3A_21 : vector<512x128xf32>
      %get3A_23 = arith.constant 0 : index
      %get3A_24 = arith.constant 0 : index
      %get3A_25 = vector.load %arg5[%get3A_23, %get3A_24] : memref<1x128xf32, #tpu.memory_space<vmem>>, vector<1x128xf32>
      %add3A_26 = vector.broadcast %get3A_25 : vector<1x128xf32> to vector<512x128xf32>
      %add3A_27 = arith.addf %add3A_22, %add3A_26 : vector<512x128xf32>
      %mul3A_28 = arith.constant 512 : i32
      %mul3A_29 = arith.muli %arg1, %mul3A_28 : i32
      %iota3A = tpu.iota {dimensions = array<i32: 0>} : vector<512x1xi32>
      %add3A_30 = vector.broadcast %mul3A_29 : i32 to vector<512x1xi32>
      %add3A_31 = arith.addi %add3A_30, %iota3A : vector<512x1xi32>
      %lt3A = arith.constant 10000 : i32
      %lt3A_32 = vector.broadcast %lt3A : i32 to vector<512x1xi32>
      %lt3A_33 = arith.cmpi slt, %add3A_31, %lt3A_32 : vector<512x1xi32>
      %jit3A = arith.constant 0.000000e+00 : f32
      %broadcast_in_dim3A = vector.shape_cast %lt3A_33 : vector<512x1xi1> to vector<512x1xi1>
      %broadcast_in_dim3A_34 = vector.broadcast %broadcast_in_dim3A : vector<512x1xi1> to vector<512x128xi1>
      %broadcast_in_dim3A_35 = vector.broadcast %jit3A : f32 to vector<512x128xf32>
      %select_n3A = arith.select %broadcast_in_dim3A_34, %add3A_27, %broadcast_in_dim3A_35 : vector<512x128xi1>, vector<512x128xf32>
      %mul3A_36 = arith.constant 512 : i32
      %mul3A_37 = arith.muli %arg1, %mul3A_36 : i32
      %swap3A = arith.index_cast %mul3A_37 : i32 to index
      %swap3A_38 = arith.constant 0 : index
      %swap3A_39 = vector.load %arg8[%swap3A, %swap3A_38] : memref<10240x128xf32, #tpu.memory_space<vmem>>, vector<512x128xf32>
      tpu.vector_store %arg8[%swap3A, %swap3A_38], %select_n3A {strides = array<i32>} : memref<10240x128xf32, #tpu.memory_space<vmem>>, vector<512x128xf32>,
      %eq3A_40 = arith.constant 0 : i32
      %eq3A_41 = arith.cmpi eq, %arg1, %eq3A_40 : i32
      %convert_element_type3A_42 = arith.extui %eq3A_41 : i1 to i32
      %cond3A_43 = arith.constant 0 : i32
      %cond3A_44 = arith.cmpi ne, %convert_element_type3A_42, %cond3A_43 : i32
      scf.if %cond3A_44 {
        %broadcast_in_dim3A_55 = arith.constant 0.000000e+00 : f32
        %broadcast_in_dim3A_56 = vector.broadcast %broadcast_in_dim3A_55 : f32 to vector<1x128xf32>
        %swap3A_57 = arith.constant 0 : index
        %swap3A_58 = arith.constant 0 : index
        %swap3A_59 = vector.load %arg7[%swap3A_57, %swap3A_58] : memref<1x128xf32, #tpu.memory_space<vmem>>, vector<1x128xf32>
        tpu.vector_store %arg7[%swap3A_57, %swap3A_58], %broadcast_in_dim3A_56 {strides = array<i32>} : memref<1x128xf32, #tpu.memory_space<vmem>>, vector<1x128xf32>,
      } else {
      }
      %get3A_45 = arith.constant 0 : index
      %get3A_46 = arith.constant 0 : index
      %get3A_47 = vector.load %arg7[%get3A_45, %get3A_46] : memref<1x128xf32, #tpu.memory_space<vmem>>, vector<1x128xf32>
      %mul3A_48 = arith.mulf %select_n3A, %select_n3A : vector<512x128xf32>
      %reduce_sum3A = arith.constant dense<0.000000e+00> : vector<128xf32>
      %reduce_sum3A_49 = vector.multi_reduction <add>, %mul3A_48, %reduce_sum3A [0] : vector<512x128xf32> to vector<128xf32>
      %broadcast_in_dim3A_50 = vector.shape_cast %reduce_sum3A_49 : vector<128xf32> to vector<1x128xf32>
      %add3A_51 = arith.addf %get3A_47, %broadcast_in_dim3A_50 : vector<1x128xf32>
      %swap3A_52 = arith.constant 0 : index
      %swap3A_53 = arith.constant 0 : index
      %swap3A_54 = vector.load %arg7[%swap3A_52, %swap3A_53] : memref<1x128xf32, #tpu.memory_space<vmem>>, vector<1x128xf32>
      tpu.vector_store %arg7[%swap3A_52, %swap3A_53], %add3A_51 {strides = array<i32>} : memref<1x128xf32, #tpu.memory_space<vmem>>, vector<1x128xf32>,
    } else {
    }
    %eq3A_2 = arith.constant 1 : i32
    %eq3A_3 = arith.cmpi eq, %arg0, %eq3A_2 : i32
    %convert_element_type3A_4 = arith.extui %eq3A_3 : i1 to i32
    %cond3A_5 = arith.constant 0 : i32
    %cond3A_6 = arith.cmpi ne, %convert_element_type3A_4, %cond3A_5 : i32
    scf.if %cond3A_6 {
      %get3A = arith.constant 0 : index
      %get3A_7 = arith.constant 0 : index
      %get3A_8 = vector.load %arg7[%get3A, %get3A_7] : memref<1x128xf32, #tpu.memory_space<vmem>>, vector<1x128xf32>
      %sqrt3A = math.sqrt %get3A_8 : vector<1x128xf32>
      %max3A = arith.constant 9.99999996E-13 : f32
      %max3A_9 = vector.broadcast %max3A : f32 to vector<1x128xf32>
      %max3A_10 = arith.maximumf %sqrt3A, %max3A_9 : vector<1x128xf32>
      %mul3A = arith.constant 512 : i32
      %mul3A_11 = arith.muli %arg1, %mul3A : i32
      %get3A_12 = arith.index_cast %mul3A_11 : i32 to index
      %get3A_13 = arith.constant 0 : index
      %get3A_14 = vector.load %arg8[%get3A_12, %get3A_13] : memref<10240x128xf32, #tpu.memory_space<vmem>>, vector<512x128xf32>
      %div3A = vector.broadcast %max3A_10 : vector<1x128xf32> to vector<512x128xf32>
      %div3A_15 = arith.divf %get3A_14, %div3A : vector<512x128xf32>
      %swap3A = arith.constant 0 : index
      %swap3A_16 = arith.constant 0 : index
      %swap3A_17 = vector.load %arg6[%swap3A, %swap3A_16] : memref<512x128xf32, #tpu.memory_space<vmem>>, vector<512x128xf32>
      tpu.vector_store %arg6[%swap3A, %swap3A_16], %div3A_15 {strides = array<i32>} : memref<512x128xf32, #tpu.memory_space<vmem>>, vector<512x128xf32>,
    } else {
    }
    return
  }
  func.func @transform_0(%arg0: i32, %arg1: i32) -> (i32, i32, i32) {
    %sub3A = arith.constant 1 : i32
    %sub3A_0 = arith.subi %sub3A, %arg0 : i32
    %mul3A = arith.muli %sub3A_0, %arg1 : i32
    %c0_i32 = arith.constant 0 : i32
    %c0_i32_1 = arith.constant 0 : i32
    %c0_i32_2 = arith.constant 0 : i32
    return %c0_i32, %mul3A, %c0_i32_1 : i32, i32, i32
  }
  func.func @transform_1(%arg0: i32, %arg1: i32) -> (i32, i32) {
    %sub3A = arith.constant 1 : i32
    %sub3A_0 = arith.subi %sub3A, %arg0 : i32
    %mul3A = arith.muli %sub3A_0, %arg1 : i32
    %c0_i32 = arith.constant 0 : i32
    %c0_i32_1 = arith.constant 0 : i32
    return %mul3A, %c0_i32 : i32, i32
  }
  func.func @transform_2(%arg0: i32, %arg1: i32) -> (i32, i32) {
    %sub3A = arith.constant 1 : i32
    %sub3A_0 = arith.subi %sub3A, %arg0 : i32
    %mul3A = arith.muli %sub3A_0, %arg1 : i32
    %c0_i32 = arith.constant 0 : i32
    %c0_i32_1 = arith.constant 0 : i32
    return %mul3A, %c0_i32 : i32, i32
  }
  func.func @transform_3(%arg0: i32, %arg1: i32) -> (i32, i32) {
    %c0_i32 = arith.constant 0 : i32
    %c0_i32_0 = arith.constant 0 : i32
    %c0_i32_1 = arith.constant 0 : i32
    return %c0_i32, %c0_i32_0 : i32, i32
  }
  func.func @transform_4(%arg0: i32, %arg1: i32) -> (i32, i32) {
    %mul3A = arith.muli %arg0, %arg1 : i32
    %c0_i32 = arith.constant 0 : i32
    %c0_i32_0 = arith.constant 0 : i32
    return %mul3A, %c0_i32 : i32, i32
  }
  func.func @transform_5(%arg0: i32, %arg1: i32) -> (i32, i32) {
    %c0_i32 = arith.constant 0 : i32
    %c0_i32_0 = arith.constant 0 : i32
    %c0_i32_1 = arith.constant 0 : i32
    return %c0_i32, %c0_i32_0 : i32, i32
  }
}

</mosaic_0001>

<sc_bundles>
// kernel: kernel.12.cloned.1.call-start
scs
__scs_entry_jumppad:
0x0: {  	(pc) =	sbr.rel $0x88, $3  }
0x1: {  	(tag) =	ssettag $0x0;
	lr =	simm.s32 $0x1  }
0x2: {  	[smem:$0x3F9B] =	sst lr;
	_ =	strace $0xD0000000  }
0x3: {  	_ = 	snop  }
0x4: {  	_ = 	snop  }
0x5: {  	_ = 	snop  }
0x6: {  	_ = 	snop  }
0x7: {  	_ = 	snop  }
__scs_overlays_trampoline_lowered:
0x8: {  	[smem:$0x3FAA] =	sst s0  }
0x9: {  	[smem:$0x3FAB] =	sst s1  }
0xa: {  	[smem:$0x3FAC] =	sst s2  }
0xb: {  	[smem:$0x3FAD] =	sst s3  }
0xc: {  	[smem:$0x3FAE] =	sst s4  }
0xd: {  	[smem:$0x3FAF] =	sst s5  }
0xe: {  	[smem:$0x3FB0] =	sst s6  }
0xf: {  	[smem:$0x3FB1] =	sst s7  }
0x10: {  	[smem:$0x3FB2] =	sst s8  }
0x11: {  	[smem:$0x3FB3] =	sst s9;
	s0 =	simm.s32 @!p0 $0x0  }
0x12: {  	s1 =	sld [smem:$0x3F99];
	s0 =	simm.s32 @p0 $0x1  }
0x13: {  	[smem:$0x3FB4] =	sst s0;
	s0 =	simm.s32 @!p1 $0x0  }
0x14: {  	s2 =	sld [smem:$0x3F98];
	s0 =	simm.s32 @p1 $0x1  }
0x15: {  	[smem:$0x3FB5] =	sst s0;
	s0 =	simm.s32 @!p2 $0x0  }
0x16: {  	s3 =	sld [smem:$0x3FDB];
	s0 =	simm.s32 @p2 $0x1  }
0x17: {  	s4 =	simm.s32 $0x1BF5;
	[smem:$0x3FB7] =	sst s0  }
0x18: {  	s0 =	sld [smem:$0x3F9A];
	_ =	swait.ge [sflag:s4], $0x0  }
0x19: {  	s7 =	sld [smem:$0x3F9B]  }
0x1a: {  	s8 =	sadd.s32 $0xFFFFE003, lr  }
0x1b: {  	s9 =	sadd.s32 $0xFFFFFEF7, lr;
	s5 =	simm.s32 $0xFFFFFFFF;
	p2 =	slt.u32 s8, $0xFFFFF086  }
0x1c: {  	p1 =	slt.u32 s9, $0xF7A;
	s5 =	simm.s32 @!p2 $0x0  }
0x1d: {  	s5 =	simm.s32 @p1 $0x1;
	p0 =	seq.s32 s7, s2  }
0x1e: {  	s7 =	smul.u32 @!p0 $0xF7A, s2;
	p2 =	seq.s32 @!p0 s5, $0x0  }
0x1f: {  	s9 =	smul.u32 $0xF7A, s1;
	s8 =	simm.s32 @!p0 $0x1BF5;
	p2 =	por !p2, p0  }
0x20: {  	[sflag:s8] =	ssyncset.s32 @!p0 $0xFFFFF086;
	s6 =	sadd.s32 @!p0 s3, s7;
	s7 =	simm.s32 @!p0 $0x108  }
0x21: {  	s3 =	sadd.s32 s3, s9;
	s6 =	sadd.s32 @!p0 $0x88, s6;
	s7 =	simm.s32 @p2 $0x1082  }
0x22: {  	[simem:s7], [sflag:s8] =	dma.local @!p0 [hbm:s6], $0xF7A  }
0x23: {  	s9 =	sor.u32 $0xD0000000, s2;
	s6 =	simm.s32 $0x108;
	_ =	swait.ge @!p0 [sflag:s8], $0x0  }
0x24: {  	s3 =	sadd.s32 $0x88, s3;
	s6 =	simm.s32 @!p1 $0x1082;
	[sflag:s4] =	ssyncset.s32 $0xFFFFF086  }
0x25: {  	[simem:s6], [sflag:s4] =	dma.local [hbm:s3], $0xF7A  }
0x26: {  	[smem:$0x3F9B] =	sst s1;
	(tag) =	ssettag s2;
	_ =	strace s9  }
0x27: {  	s1 =	sld [smem:$0x3FAB]  }
0x28: {  	s2 =	sld [smem:$0x3FAC]  }
0x29: {  	s4 =	sld [smem:$0x3FAE]  }
0x2a: {  	p0 =	seq.s32 s5, $0x0;
	s5 =	sld [smem:$0x3FAF]  }
0x2b: {  	s6 =	sld [smem:$0x3FB0]  }
0x2c: {  	s7 =	sld [smem:$0x3FB1]  }
0x2d: {  	s3 =	simm.s32 $0x108;
	s8 =	sld [smem:$0x3FB2]  }
0x2e: {  	s3 =	simm.s32 @!p0 $0x1082;
	s9 =	sld [smem:$0x3FB3]  }
0x2f: {  	lr =	sadd.s32 s0, s3;
	s0 =	sld [smem:$0x3FAA]  }
0x30: {  	s3 =	sld [smem:$0x3FAD]  }
0x31: {  	[smem:$0x3FB6] =	sst s10  }
0x32: {  	s10 =	sld [smem:$0x3FB4];
	_ =	sdelay $0x3  }
0x33: {  	p0 =	seq.s32 s10, $0x1;
	s10 =	sld [smem:$0x3FB6];
	_ =	sdelay $0x3  }
0x34: {  	[smem:$0x3FB6] =	sst s10  }
0x35: {  	s10 =	sld [smem:$0x3FB5];
	_ =	sdelay $0x3  }
0x36: {  	p1 =	seq.s32 s10, $0x1;
	s10 =	sld [smem:$0x3FB6];
	_ =	sdelay $0x3  }
0x37: {  	[smem:$0x3FB6] =	sst s10  }
0x38: {  	s10 =	sld [smem:$0x3FB7]  }
0x39: {  	_ = 	snop;
	(pc) =	sbr.ind lr, $3  }
0x3a: {  	_ = 	snop  }
0x3b: {  	_ = 	snop  }
0x3c: {  	p2 =	seq.s32 s10, $0x1;
	s10 =	sld [smem:$0x3FB6]  }
0x3d: {  	_ =	shalt  }
0x3e: {  	_ =	shalt  }
0x3f: {  	_ =	shalt  }
0x40: {  	_ =	shalt  }
0x41: {  	_ =	shalt  }
0x42: {  	_ =	shalt  }
0x43: {  	_ =	shalt  }
0x44: {  	_ =	shalt  }
0x45: {  	_ =	shalt  }
0x46: {  	_ =	shalt  }
0x47: {  	_ =	shalt  }
0x48: {  	_ =	shalt  }
0x49: {  	_ =	shalt  }
0x4a: {  	_ =	shalt  }
0x4b: {  	_ =	shalt  }
0x4c: {  	_ =	shalt  }
0x4d: {  	_ =	shalt  }
0x4e: {  	_ =	shalt  }
0x4f: {  	_ =	shalt  }
0x50: {  	_ =	shalt  }
0x51: {  	_ =	shalt  }
0x52: {  	_ =	shalt  }
0x53: {  	_ =	shalt  }
0x54: {  	_ =	shalt  }
0x55: {  	_ =	shalt  }
0x56: {  	_ =	shalt  }
0x57: {  	_ =	shalt  }
0x58: {  	_ =	shalt  }
0x59: {  	_ =	shalt  }
0x5a: {  	_ =	shalt  }
0x5b: {  	_ =	shalt  }
0x5c: {  	_ =	shalt  }
0x5d: {  	_ =	shalt  }
0x5e: {  	_ =	shalt  }
0x5f: {  	_ =	shalt  }
0x60: {  	_ =	shalt  }
0x61: {  	_ =	shalt  }
0x62: {  	_ =	shalt  }
0x63: {  	_ =	shalt  }
0x64: {  	_ =	shalt  }
0x65: {  	_ =	shalt  }
0x66: {  	_ =	shalt  }
0x67: {  	_ =	shalt  }
0x68: {  	_ =	shalt  }
0x69: {  	_ =	shalt  }
0x6a: {  	_ =	shalt  }
0x6b: {  	_ =	shalt  }
0x6c: {  	_ =	shalt  }
0x6d: {  	_ =	shalt  }
0x6e: {  	_ =	shalt  }
0x6f: {  	_ =	shalt  }
0x70: {  	_ =	shalt  }
0x71: {  	_ =	shalt  }
0x72: {  	_ =	shalt  }
0x73: {  	_ =	shalt  }
0x74: {  	_ =	shalt  }
0x75: {  	_ =	shalt  }
0x76: {  	_ =	shalt  }
0x77: {  	_ =	shalt  }
0x78: {  	_ =	shalt  }
0x79: {  	_ =	shalt  }
0x7a: {  	_ =	shalt  }
0x7b: {  	_ =	shalt  }
0x7c: {  	_ =	shalt  }
0x7d: {  	_ =	shalt  }
0x7e: {  	_ =	shalt  }
0x7f: {  	_ =	shalt  }
0x80: {  	_ =	shalt  }
0x81: {  	_ =	shalt  }
0x82: {  	_ =	shalt  }
0x83: {  	_ =	shalt  }
0x84: {  	_ =	shalt  }
0x85: {  	_ =	shalt  }
0x86: {  	_ =	shalt  }
0x87: {  	_ =	shalt  }
.Lfunc_end0:
.L_simem_size_0:
called_computation.1_lowered:
.L_overlay_start_0:
0x88: {  	s2 =	sld [smem:$0x3FD9]  }
0x89: {  	s3 =	sld [smem:$0x3FFE];
	_ =	sdelay $0x1  }
0x8a: {  	s1 =	srdreg.scid  }
0x8b: {  	s0 =	sand.u32 $0x1, s1  }
0x8c: {  	s17 =	sshll.u32 s0, $0xA;
	s2 =	sadd.s32 s3, s2  }
0x8d: {  	s2 =	sadd.s32 s2, s17  }
0x8e: {  	[smem:$0x3FC2] =	sst s2  }
0x8f: {  	_ = 	snop  }
0x90: {  	s2 =	sld [smem:$0x3FD0];
	(tm) =	ssettm $0x1  }
0x91: {  	s18 =	sld [smem:$0x3FFB];
	_ =	sdelay $0x3  }
0x92: {  	_ =	strace s18  }
0x93: {  	s3 =	sld [smem:$0x3FFC];
	_ =	sdelay $0x3  }
0x94: {  	_ =	strace s3  }
0x95: {  	s3 =	sld [smem:$0x3FFD];
	_ =	sdelay $0x3  }
0x96: {  	_ =	strace s3  }
0x97: {  	_ =	strace $0x8FFFFFFF  }
0x98: {  	s19 =	sld [smem:$0x3FDB];
	_ =	sdelay $0x1  }
0x99: {  	s4 =	simm.s32 $_scs_section_size  }
0x9a: {  	s5 =	simm.s32 $_size__tile_overlayer_lowered;
	s6 =	simm.s32 $_tile_overlayer_lowered  }
0x9b: {  	s22 =	simm.s32 $0x1BFF;
	s21 =	sshll.u32 s6, $0x1;
	s3 =	sadd.s32 s4, s19  }
0x9c: {  	s7 =	simm.s32 $0x0;
	s20 =	sshll.u32 s5, $0x1;
	s5 =	sadd.s32 s21, s3  }
0x9d: {  	[timem:s7], [sflag:s22] =	dma.local [hbm:s5], s20  }
0x9e: {  	_ =	swait.ge [sflag:s22], s20  }
0x9f: {  	s4 =	ssub.s32 $0x0, s20;
	[sflag:s22] =	ssyncset.done $0x0  }
0xa0: {  	[sflag:s22] =	ssyncadd.s32 s4;
	_ =	sdelay $0x1  }
0xa1: {  	s23 =	simm.s32 $0x1B8B  }
0xa2: {  	_ =	swait.ge [sflag:s23], $0x1  }
0xa3: {  	[sflag:s23] =	ssyncset.done $0x0  }
0xa4: {  	s25 =	simm.s32 $0x1B8E;
	s24 =	sld [smem:$0x3FFE];
	[sflag:s23] =	ssyncadd.s32 $0xFFFFFFFF  }
0xa5: {  	s26 =	simm.s32 $execute0_lowered;
	[smem:$0x3FD2] =	sst s25  }
0xa6: {  	s5 =	sshll.u32 s26, $0x1;
	_ =	strace $0x80000049;
	[dreg:$0x1] =	wrdreg $0xFFFFFFFF  }
0xa7: {  	s28 =	simm.s32 $_size_execute0_lowered;
	s3 =	sadd.s32 s3, s5;
	[dreg:$0x0] =	wrdreg $0x0  }
0xa8: {  	s5 =	sshll.u32 s28, $0x1;
	[dreg:$0x2] =	wrdreg s3  }
0xa9: {  	[dreg:$0x3] =	wrdreg s5  }
0xaa: {  	[dreg:$0x4] =	wrdreg $0xC0  }
0xab: {  	_ =	task [dreg:s7], $0x5FFFF  }
0xac: {  	[dreg:$0x1] =	wrdreg $0xFFFFFFFF  }
0xad: {  	[dreg:$0x0] =	wrdreg $0x60  }
0xae: {  	[dreg:$0x2] =	wrdreg s24  }
0xaf: {  	[dreg:$0x3] =	wrdreg s2  }
0xb0: {  	[dreg:$0x4] =	wrdreg $0xA8000  }
0xb1: {  	[dreg:$0x5] =	wrdreg $0x9  }
0xb2: {  	_ =	task.clear_ibuf [dreg:s7], $0x6FFFF;
	_ =	strace $0x90000049  }
0xb3: {  	s29 =	simm.s32 $0x9;
	_ =	strace $0x8000004B  }
0xb4: {  	_ =	swait.ge [sflag:s29], $0x1  }
0xb5: {  	[sflag:s29] =	ssyncadd.s32 $0xFFFFFFFF  }
0xb6: {  	_ =	strace $0x9000004B  }
0xb7: {  	_ =	sfence  }
0xb8: {  	s30 =	sld [smem:$0x0];
	_ =	sdelay $0x2  }
0xb9: {  	s31 =	sshll.u32 s1, $0xD;
	s1 =	sshrl.u32 s1, $0x2  }
0xba: {  	s3 =	sand.u32 $0x4000, s31;
	s1 =	sadd.s32 s1, s30  }
0xbb: {  	s0 =	sor.u32 s3, s0;
	s1 =	sshll.u32 s1, $0x11  }
0xbc: {  	s0 =	sor.u32 s1, s0  }
0xbd: {  	s0 =	sadd.s32 $0x8F2B, s0  }
0xbe: {  	[sflag:s0] =	ssyncadd.remote.s32 $0x1  }
0xbf: {  	_ =	sfence.sel $0xFFFF  }
0xc0: {  	[dreg:$0x0] =	wrdreg $0xFFFFFFFF;
	(pc) =	sbr.abs _section_cstart, $3  }
0xc1: {  	[dreg:$0x1] =	wrdreg $0xFFFFFFFF  }
0xc2: {  	_ =	task.clear_ibuf [dreg:s7], $0x2FFFF;
	_ =	strace $0x9FFFFFFF  }
0xc3: {  	(tm) =	ssettm $0x7FFFFFFF  }
tec
execute0_lowered:
.L_overlay_start_1:
0x0: {  	(tag) =	ssettag $0x1  }
0x1: {  	s0 =	rddreg [dreg:$0x0]  }
0x2: {  	s1 =	rddreg [dreg:$0x1];
	s11 =	stileid.u32  }
0x3: {  	s3 =	srdreg.scid;
	s2 =	rddreg [dreg:$0x2];
	s28 =	simm.s32 $0x9  }
0x4: {  	s29 =	simm.s32 $0xA;
	s30 =	simm.s32 $0xB;
	s31 =	simm.s32 $0xC  }
0x5: {  	s4 =	smul.u32 $0x14000, s11;
	s5 =	sand.u32 $0x1, s3;
	s3 =	simm.s32 $0x0  }
0x6: {  	s8 =	smul.u32 $0x50000, s11;
	s10 =	sshll.u32 s11, $0xF;
	s16 =	sshll.u32 s11, $0x6  }
0x7: {  	s6 =	smul.u32 $0x140000, s5;
	[smem:$0x7FF] =	sst s3;
	s13 =	ssub.s32 $0x2, s5  }
0x8: {  	s5 =	sshll.u32 s5, $0x13;
	_ =	strace $0x8000004A;
	s7 =	sshrl.u32 s4, $0x3  }
0x9: {  	s9 =	sshrl.u32 s13, $0x1;
	s14 =	sshrl.u32 s8, $0x2;
	s5 =	sor.u32 s10, s5  }
0xa: {  	s6 =	sadd.s32 s4, s6;
	s4 =	sadd.s32 $0x2200, s0;
	s7 =	sadd.s32 s7, s0  }
0xb: {  	s9 =	ssub.s32 s13, s9;
	s15 =	sadd.s32 s14, s2;
	s17 =	sshrl.u32 s5, $0x3  }
0xc: {  	s20 =	sor.u32 $0x400, s5;
	s23 =	sor.u32 $0x500, s5;
	s24 =	sor.u32 $0x600, s5  }
0xd: {  	s5 =	sor.u32 $0x700, s5;
	s6 =	sshrl.u32 s6, $0x3;
	s7 =	sadd.s32 $0x2A200, s7  }
0xe: {  	s8 =	sadd.s32 s1, s17;
	s21 =	sshrl.u32 s20, $0x3;
	s22 =	smax.u32 s9, $0x1  }
0xf: {  	s25 =	sshrl.u32 s24, $0x3;
	s5 =	sshrl.u32 s5, $0x3;
	[dreg:$0x4] =	wrdreg s7  }
0x10: {  	s17 =	sshrl.u32 s15, $0x3;
	s24 =	simm.s32 $0x3000;
	[dreg:$0x5] =	wrdreg s8  }
0x11: {  	s20 =	simm.s32 $0x10;
	s18 =	sadd.s32 $0x20, s8;
	[dreg:$0xa] =	wrdreg s22  }
0x12: {  	s0 =	sadd.s32 s6, s0;
	s19 =	sadd.s32 $0x40, s8;
	[dreg:$0x6] =	wrdreg s18  }
0x13: {  	s6 =	sor.u32 $0x1C11, s16;
	s8 =	sadd.s32 $0x60, s8;
	[dreg:$0x7] =	wrdreg s19  }
0x14: {  	s26 =	sadd.s32 s5, s1;
	s22 =	simm.s32 $0x50;
	[dreg:$0x8] =	wrdreg s8  }
0x15: {  	s0 =	sadd.s32 $0x52200, s0;
	[dreg:$0xe] =	wrdreg s26;
	s18 =	simm.s32 $0x11  }
0x16: {  	s26 =	simm.s32 $0x8000;
	[dreg:$0x9] =	wrdreg s0;
	s0 =	sadd.s32 s21, s1  }
0x17: {  	s19 =	simm.s32 $0xF;
	[dreg:$0xb] =	wrdreg s0;
	s0 =	sshrl.u32 s23, $0x3  }
0x18: {  	s21 =	simm.s32 $0x0;
	s23 =	simm.s32 $0x800;
	s0 =	sadd.s32 s0, s1  }
0x19: {  	[dreg:$0xc] =	wrdreg s0;
	s0 =	sadd.s32 s25, s1;
	s25 =	simm.s32 $0x5800  }
0x1a: {  	s1 =	simm.s32 $0xD;
	[dreg:$0xd] =	wrdreg s0;
	s0 =	simm.s32 $0xE  }
.LBB2_1:
0x1b: {  	s5 =	rddreg [dreg:$0x4]  }
0x1c: {  	[spmem:s17], [sflag:s6] =	dma.local [hbm:s5], $0x2800  }
0x1d: {  	_ =	swait.ge [sflag:s18], $0x2800  }
0x1e: {  	[sflag:s18] =	ssyncset.done $0x0  }
0x1f: {  	s11 =	rddreg [dreg:$0x5];
	[sflag:s18] =	ssyncadd.s32 $0xFFFFD800  }
0x20: {  	[tilespmem:s3], [sflag:$0x1] =	stream.linear.gather [hbm4b:s11+s3], $0x100, $0x38;
	[tilespmem:$0x1E800] =	vst v63  }
0x21: {  	s7 =	simm.s32 $0x100;
	s12 =	rddreg [dreg:$0x6]  }
0x22: {  	[tilespmem:s7], [sflag:$0x2] =	stream.linear.gather [hbm4b:s12+s3], $0x100, $0x38;
	[tilespmem:$0x1E800] =	vst v63  }
0x23: {  	s14 =	simm.s32 $0x200;
	s13 =	rddreg [dreg:$0x7]  }
0x24: {  	[tilespmem:s14], [sflag:$0x3] =	stream.linear.gather [hbm4b:s13+s3], $0x100, $0x38;
	[tilespmem:$0x1E800] =	vst v63  }
0x25: {  	s16 =	simm.s32 $0x300;
	s15 =	rddreg [dreg:$0x8]  }
0x26: {  	[tilespmem:s16], [sflag:$0x4] =	stream.linear.gather [hbm4b:s15+s3], $0x100, $0x38;
	[tilespmem:$0x1E800] =	vst v63  }
0x27: {  	[bflag:$0x0] =	sbarrier.arrive $0xFFFF  }
0x28: {  	s16 =	rddreg [dreg:$0xe]  }
0x29: {  	s15 =	rddreg [dreg:$0xd]  }
0x2a: {  	s14 =	rddreg [dreg:$0xc]  }
0x2b: {  	s11 =	simm.s32 $0x0;
	s13 =	rddreg [dreg:$0xb]  }
.LBB2_2:
0x2c: {  	p0 =	seq.s32 s11, $0x0  }
0x2d: {  	s7 =	simm.s32 @!p0 $0xD  }
0x2e: {  	p1 =	seq.s32 @!p0 s11, $0x7C;
	_ =	swait.ge @!p0 [sflag:s7], $0x2800  }
0x2f: {  	p1 =	por p0, !p1;
	[sflag:s7] =	ssyncset.done @!p0 $0x0  }
0x30: {  	[sflag:s7] =	ssyncadd.s32 @!p0 $0xFFFFD800;
	s7 =	sxor.u32 @p1 $0xFFFFFFFF, s11  }
0x31: {  	s10 =	sand.u32 $0x4, s11;
	s7 =	sand.u32 @p1 $0x4, s7  }
0x32: {  	s12 =	sadd.s32 $0x1, s10;
	s9 =	sshll.u32 @p1 s7, $0x8;
	s7 =	sor.u32 @p1 $0x1, s7  }
0x33: {  	[tilespmem:s9], [sflag:s7] =	stream.linear.gather @p1 [hbm4b:s13+s3], $0x100, $0x38;
	[tilespmem:$0x1E800] =	vst v63  }
0x34: {  	_ =	swait.ge [sflag:s12], $0x100  }
0x35: {  	[sflag:s12] =	ssyncset.done $0x0  }
0x36: {  	s7 =	simm.s32 @!p0 $0xE;
	[sflag:s12] =	ssyncadd.s32 $0xFFFFFF00;
	s12 =	sshll.u32 s10, $0x8  }
0x37: {  	[tilespmem:s23], [sflag:$0x9] =	stream.indirect.gather [hbm4b:s4+s22], $0x80, s12, s22, $0xb8;
	[tilespmem:$0x1E800] =	vst v63  }
0x38: {  	_ =	swait.ge @!p0 [sflag:s7], $0x2800  }
0x39: {  	[sflag:s7] =	ssyncset.done @!p0 $0x0  }
0x3a: {  	[sflag:s7] =	ssyncadd.s32 @!p0 $0xFFFFD800;
	s7 =	sadd.s32 @p1 $0x5, s11  }
0x3b: {  	s5 =	sor.u32 $0x1, s10;
	s7 =	sand.u32 @p1 $0x5, s7  }
0x3c: {  	s8 =	sadd.s32 $0x1, s5;
	s9 =	sshll.u32 @p1 s7, $0x8;
	s7 =	sadd.s32 @p1 $0x1, s7  }
0x3d: {  	[tilespmem:s9], [sflag:s7] =	stream.linear.gather @p1 [hbm4b:s14+s3], $0x100, $0x38;
	[tilespmem:$0x1E800] =	vst v63  }
0x3e: {  	_ =	swait.ge [sflag:s8], $0x100  }
0x3f: {  	[sflag:s8] =	ssyncset.done $0x0  }
0x40: {  	s9 =	sshll.u32 s5, $0x8;
	s7 =	simm.s32 @!p0 $0xF;
	[sflag:s8] =	ssyncadd.s32 $0xFFFFFF00  }
0x41: {  	[tilespmem:s24], [sflag:$0xA] =	stream.indirect.gather [hbm4b:s4+s22], $0x80, s9, s22, $0xb8;
	[tilespmem:$0x1E800] =	vst v63  }
0x42: {  	_ =	swait.ge @!p0 [sflag:s7], $0x2800  }
0x43: {  	[sflag:s7] =	ssyncset.done @!p0 $0x0  }
0x44: {  	[sflag:s7] =	ssyncadd.s32 @!p0 $0xFFFFD800;
	s7 =	sadd.s32 @p1 $0x6, s11  }
0x45: {  	s7 =	sand.u32 @p1 $0x6, s7  }
0x46: {  	s8 =	sshll.u32 @p1 s7, $0x8;
	s7 =	sor.u32 @p1 $0x1, s7  }
0x47: {  	[tilespmem:s8], [sflag:s7] =	stream.linear.gather @p1 [hbm4b:s15+s3], $0x100, $0x38;
	[tilespmem:$0x1E800] =	vst v63  }
0x48: {  	s7 =	sor.u32 $0x2, s10  }
0x49: {  	s5 =	sadd.s32 $0x1, s7  }
0x4a: {  	_ =	swait.ge [sflag:s5], $0x100  }
0x4b: {  	[sflag:s5] =	ssyncset.done $0x0  }
0x4c: {  	s8 =	simm.s32 @!p0 $0x10;
	s7 =	sshll.u32 s7, $0x8;
	[sflag:s5] =	ssyncadd.s32 $0xFFFFFF00  }
0x4d: {  	[tilespmem:s25], [sflag:$0xB] =	stream.indirect.gather [hbm4b:s4+s22], $0x80, s7, s22, $0xb8;
	[tilespmem:$0x1E800] =	vst v63  }
0x4e: {  	_ =	swait.ge @!p0 [sflag:s8], $0x2800  }
0x4f: {  	[sflag:s8] =	ssyncset.done @!p0 $0x0  }
0x50: {  	[sflag:s8] =	ssyncadd.s32 @!p0 $0xFFFFD800;
	s8 =	sadd.s32 @p1 $0xFFFFFFFF, s11  }
0x51: {  	s8 =	sand.u32 @p1 $0x7, s8  }
0x52: {  	s5 =	sshll.u32 @p1 s8, $0x8;
	s8 =	sadd.s32 @p1 $0x1, s8  }
0x53: {  	[tilespmem:s5], [sflag:s8] =	stream.linear.gather @p1 [hbm4b:s16+s3], $0x100, $0x38;
	[tilespmem:$0x1E800] =	vst v63  }
0x54: {  	s5 =	sor.u32 $0x3, s10  }
0x55: {  	s10 =	sadd.s32 $0x1, s5  }
0x56: {  	_ =	swait.ge [sflag:s10], $0x100  }
0x57: {  	[sflag:s10] =	ssyncset.done $0x0  }
0x58: {  	s5 =	sshll.u32 s5, $0x8;
	[sflag:s10] =	ssyncadd.s32 $0xFFFFFF00  }
0x59: {  	[tilespmem:s26], [sflag:$0xC] =	stream.indirect.gather [hbm4b:s4+s22], $0x80, s5, s22, $0xb8;
	[tilespmem:$0x1E800] =	vst v63  }
0x5a: {  	_ =	swait.ge [sflag:s28], $0x2800  }
0x5b: {  	[sflag:s28] =	ssyncset.done $0x0  }
0x5c: {  	s10 =	sadd.s32 $0x80, s12;
	[sflag:s28] =	ssyncadd.s32 $0xFFFFD800  }
0x5d: {  	[spmem:s2] =	stream.indirect.scatter.add.f32 [tilespmem:s23], [sflag:$0xD], $0x80, s10, s22, $0xb8;
	[tilespmem:$0x1E800] =	vst v63  }
0x5e: {  	_ =	swait.ge [sflag:s29], $0x2800  }
0x5f: {  	[sflag:s29] =	ssyncset.done $0x0  }
0x60: {  	s12 =	sadd.s32 $0x80, s9;
	[sflag:s29] =	ssyncadd.s32 $0xFFFFD800  }
0x61: {  	[spmem:s2] =	stream.indirect.scatter.add.f32 [tilespmem:s24], [sflag:$0xE], $0x80, s12, s22, $0xb8;
	[tilespmem:$0x1E800] =	vst v63  }
0x62: {  	_ =	swait.ge [sflag:s30], $0x2800  }
0x63: {  	s11 =	sadd.s32 $0x4, s11;
	[sflag:s30] =	ssyncset.done $0x0  }
0x64: {  	s7 =	sadd.s32 $0x80, s7;
	p0 =	sne.s32 s11, $0x80;
	[sflag:s30] =	ssyncadd.s32 $0xFFFFD800  }
0x65: {  	[spmem:s2] =	stream.indirect.scatter.add.f32 [tilespmem:s25], [sflag:$0xF], $0x80, s7, s22, $0xb8;
	[tilespmem:$0x1E800] =	vst v63  }
.Ltmp0:
0x66: {  	_ = 	snop;
	(pc) =	sbr.rel @p0 .LBB2_2-.Ltmp0, $4  }
0x67: {  	s13 =	sadd.s32 $0x80, s13;
	_ =	swait.ge [sflag:s31], $0x2800  }
0x68: {  	s14 =	sadd.s32 $0x80, s14;
	s15 =	sadd.s32 $0x80, s15;
	[sflag:s31] =	ssyncset.done $0x0  }
0x69: {  	s16 =	sadd.s32 $0x80, s16;
	s5 =	sor.u32 $0x80, s5;
	[sflag:s31] =	ssyncadd.s32 $0xFFFFD800  }
0x6a: {  	[spmem:s2] =	stream.indirect.scatter.add.f32 [tilespmem:s26], [sflag:$0x10], $0x80, s5, s22, $0xb8;
	[tilespmem:$0x1E800] =	vst v63  }
0x6b: {  	_ =	swait.ge [sflag:s1], $0x2800  }
0x6c: {  	[sflag:s1] =	ssyncset.done $0x0  }
0x6d: {  	[sflag:s1] =	ssyncadd.s32 $0xFFFFD800  }
0x6e: {  	_ =	swait.ge [sflag:s0], $0x2800  }
0x6f: {  	[sflag:s0] =	ssyncset.done $0x0  }
0x70: {  	[sflag:s0] =	ssyncadd.s32 $0xFFFFD800  }
0x71: {  	_ =	swait.ge [sflag:s19], $0x2800  }
0x72: {  	[sflag:s19] =	ssyncset.done $0x0  }
0x73: {  	[sflag:s19] =	ssyncadd.s32 $0xFFFFD800  }
0x74: {  	_ =	swait.ge [sflag:s20], $0x2800  }
0x75: {  	[sflag:s20] =	ssyncset.done $0x0  }
0x76: {  	[sflag:s20] =	ssyncadd.s32 $0xFFFFD800  }
0x77: {  	[bflag:$0x0] =	sbarrier.arrive $0xFFFF  }
0x78: {  	s5 =	rddreg [dreg:$0x9]  }
0x79: {  	[hbm:s5], [sflag:s6] =	dma.local [spmem:s17], $0x2800  }
0x7a: {  	_ =	swait.ge [sflag:s18], $0x2800  }
0x7b: {  	s21 =	sadd.s32 $0x1, s21;
	s16 =	rddreg [dreg:$0xa]  }
0x7c: {  	p0 =	sne.s32 s21, s16  }
.Ltmp1:
0x7d: {  	_ = 	snop;
	(pc) =	sbr.rel @p0 .LBB2_1-.Ltmp1, $3  }
0x7e: {  	_ =	sdelay $0x1  }
0x7f: {  	[sflag:s18] =	ssyncset.done $0x0  }
0x80: {  	[sflag:s18] =	ssyncadd.s32 $0xFFFFD800  }
0x81: {  	_ =	sfence.sel $0x180000  }
0x82: {  	[bflag:$0x0] =	sbarrier.arrive $0xFFFF  }
0x83: {  	_ =	strace $0x9000004A  }
0x84: {  	s0 =	stileid.u32;
	[bflag:$0x2] =	sbarrier.arrive $0xFFFF  }
0x85: {  	p0 =	sne.s32 s0, $0x0;
	s0 =	rddreg [dreg:$0x3]  }
0x86: {  	s0 =	sadd.s32 @!p0 $0x100000, s0  }
0x87: {  	[sflag:s0] =	ssyncadd.tile.s32 @!p0 $0x1;
	_ =	shalt  }
.Lfunc_end2:
_tile_overlayer_lowered:
.L_overlay_start_2:
0x88: {  	(tag) =	ssettag $0x2  }
0x89: {  	s0 =	rddreg [dreg:$0x0];
	s2 =	stileid.u32  }
0x8a: {  	s1 =	rddreg [dreg:$0x1];
	p0 =	sne.s32 s2, $0x0  }
0x8b: {  	s3 =	rddreg [dreg:$0x2];
	[bflag:$0x3] =	sbarrier.arrive $0xFFFF;
	s2 =	simm.s32 @!p0 $0x1C11  }
0x8c: {  	[timem:s3], [sflag:s2] =	dma.local @!p0 [hbm:s0], s1  }
0x8d: {  	s0 =	simm.s32 @!p0 $0x11  }
0x8e: {  	_ =	swait.ge @!p0 [sflag:s0], s1  }
0x8f: {  	s1 =	ssub.s32 @!p0 $0x0, s1;
	[sflag:s0] =	ssyncset.done @!p0 $0x0  }
0x90: {  	[sflag:s0] =	ssyncadd.s32 @!p0 s1  }
0x91: {  	[bflag:$0x3] =	sbarrier.arrive $0xFFFF  }
0x92: {  	_ =	shalt  }

// kernel: kernel.15.cloned.1.call-start
scs
__scs_entry_jumppad:
0x0: {  	(pc) =	sbr.rel $0x88, $3  }
0x1: {  	(tag) =	ssettag $0x0;
	lr =	simm.s32 $0x1  }
0x2: {  	[smem:$0x3F9B] =	sst lr;
	_ =	strace $0xD0000000  }
0x3: {  	_ = 	snop  }
0x4: {  	_ = 	snop  }
0x5: {  	_ = 	snop  }
0x6: {  	_ = 	snop  }
0x7: {  	_ = 	snop  }
__scs_overlays_trampoline_lowered:
0x8: {  	[smem:$0x3FAA] =	sst s0  }
0x9: {  	[smem:$0x3FAB] =	sst s1  }
0xa: {  	[smem:$0x3FAC] =	sst s2  }
0xb: {  	[smem:$0x3FAD] =	sst s3  }
0xc: {  	[smem:$0x3FAE] =	sst s4  }
0xd: {  	[smem:$0x3FAF] =	sst s5  }
0xe: {  	[smem:$0x3FB0] =	sst s6  }
0xf: {  	[smem:$0x3FB1] =	sst s7  }
0x10: {  	[smem:$0x3FB2] =	sst s8  }
0x11: {  	[smem:$0x3FB3] =	sst s9;
	s0 =	simm.s32 @!p0 $0x0  }
0x12: {  	s1 =	sld [smem:$0x3F99];
	s0 =	simm.s32 @p0 $0x1  }
0x13: {  	[smem:$0x3FB4] =	sst s0;
	s0 =	simm.s32 @!p1 $0x0  }
0x14: {  	s2 =	sld [smem:$0x3F98];
	s0 =	simm.s32 @p1 $0x1  }
0x15: {  	[smem:$0x3FB5] =	sst s0;
	s0 =	simm.s32 @!p2 $0x0  }
0x16: {  	s3 =	sld [smem:$0x3FDB];
	s0 =	simm.s32 @p2 $0x1  }
0x17: {  	s4 =	simm.s32 $0x1BF5;
	[smem:$0x3FB7] =	sst s0  }
0x18: {  	s0 =	sld [smem:$0x3F9A];
	_ =	swait.ge [sflag:s4], $0x0  }
0x19: {  	s7 =	sld [smem:$0x3F9B]  }
0x1a: {  	s8 =	sadd.s32 $0xFFFFE003, lr  }
0x1b: {  	s9 =	sadd.s32 $0xFFFFFEF7, lr;
	s5 =	simm.s32 $0xFFFFFFFF;
	p2 =	slt.u32 s8, $0xFFFFF086  }
0x1c: {  	p1 =	slt.u32 s9, $0xF7A;
	s5 =	simm.s32 @!p2 $0x0  }
0x1d: {  	s5 =	simm.s32 @p1 $0x1;
	p0 =	seq.s32 s7, s2  }
0x1e: {  	s7 =	smul.u32 @!p0 $0xF7A, s2;
	p2 =	seq.s32 @!p0 s5, $0x0  }
0x1f: {  	s9 =	smul.u32 $0xF7A, s1;
	s8 =	simm.s32 @!p0 $0x1BF5;
	p2 =	por !p2, p0  }
0x20: {  	[sflag:s8] =	ssyncset.s32 @!p0 $0xFFFFF086;
	s6 =	sadd.s32 @!p0 s3, s7;
	s7 =	simm.s32 @!p0 $0x108  }
0x21: {  	s3 =	sadd.s32 s3, s9;
	s6 =	sadd.s32 @!p0 $0x88, s6;
	s7 =	simm.s32 @p2 $0x1082  }
0x22: {  	[simem:s7], [sflag:s8] =	dma.local @!p0 [hbm:s6], $0xF7A  }
0x23: {  	s9 =	sor.u32 $0xD0000000, s2;
	s6 =	simm.s32 $0x108;
	_ =	swait.ge @!p0 [sflag:s8], $0x0  }
0x24: {  	s3 =	sadd.s32 $0x88, s3;
	s6 =	simm.s32 @!p1 $0x1082;
	[sflag:s4] =	ssyncset.s32 $0xFFFFF086  }
0x25: {  	[simem:s6], [sflag:s4] =	dma.local [hbm:s3], $0xF7A  }
0x26: {  	[smem:$0x3F9B] =	sst s1;
	(tag) =	ssettag s2;
	_ =	strace s9  }
0x27: {  	s1 =	sld [smem:$0x3FAB]  }
0x28: {  	s2 =	sld [smem:$0x3FAC]  }
0x29: {  	s4 =	sld [smem:$0x3FAE]  }
0x2a: {  	p0 =	seq.s32 s5, $0x0;
	s5 =	sld [smem:$0x3FAF]  }
0x2b: {  	s6 =	sld [smem:$0x3FB0]  }
0x2c: {  	s7 =	sld [smem:$0x3FB1]  }
0x2d: {  	s3 =	simm.s32 $0x108;
	s8 =	sld [smem:$0x3FB2]  }
0x2e: {  	s3 =	simm.s32 @!p0 $0x1082;
	s9 =	sld [smem:$0x3FB3]  }
0x2f: {  	lr =	sadd.s32 s0, s3;
	s0 =	sld [smem:$0x3FAA]  }
0x30: {  	s3 =	sld [smem:$0x3FAD]  }
0x31: {  	[smem:$0x3FB6] =	sst s10  }
0x32: {  	s10 =	sld [smem:$0x3FB4];
	_ =	sdelay $0x3  }
0x33: {  	p0 =	seq.s32 s10, $0x1;
	s10 =	sld [smem:$0x3FB6];
	_ =	sdelay $0x3  }
0x34: {  	[smem:$0x3FB6] =	sst s10  }
0x35: {  	s10 =	sld [smem:$0x3FB5];
	_ =	sdelay $0x3  }
0x36: {  	p1 =	seq.s32 s10, $0x1;
	s10 =	sld [smem:$0x3FB6];
	_ =	sdelay $0x3  }
0x37: {  	[smem:$0x3FB6] =	sst s10  }
0x38: {  	s10 =	sld [smem:$0x3FB7]  }
0x39: {  	_ = 	snop;
	(pc) =	sbr.ind lr, $3  }
0x3a: {  	_ = 	snop  }
0x3b: {  	_ = 	snop  }
0x3c: {  	p2 =	seq.s32 s10, $0x1;
	s10 =	sld [smem:$0x3FB6]  }
0x3d: {  	_ =	shalt  }
0x3e: {  	_ =	shalt  }
0x3f: {  	_ =	shalt  }
0x40: {  	_ =	shalt  }
0x41: {  	_ =	shalt  }
0x42: {  	_ =	shalt  }
0x43: {  	_ =	shalt  }
0x44: {  	_ =	shalt  }
0x45: {  	_ =	shalt  }
0x46: {  	_ =	shalt  }
0x47: {  	_ =	shalt  }
0x48: {  	_ =	shalt  }
0x49: {  	_ =	shalt  }
0x4a: {  	_ =	shalt  }
0x4b: {  	_ =	shalt  }
0x4c: {  	_ =	shalt  }
0x4d: {  	_ =	shalt  }
0x4e: {  	_ =	shalt  }
0x4f: {  	_ =	shalt  }
0x50: {  	_ =	shalt  }
0x51: {  	_ =	shalt  }
0x52: {  	_ =	shalt  }
0x53: {  	_ =	shalt  }
0x54: {  	_ =	shalt  }
0x55: {  	_ =	shalt  }
0x56: {  	_ =	shalt  }
0x57: {  	_ =	shalt  }
0x58: {  	_ =	shalt  }
0x59: {  	_ =	shalt  }
0x5a: {  	_ =	shalt  }
0x5b: {  	_ =	shalt  }
0x5c: {  	_ =	shalt  }
0x5d: {  	_ =	shalt  }
0x5e: {  	_ =	shalt  }
0x5f: {  	_ =	shalt  }
0x60: {  	_ =	shalt  }
0x61: {  	_ =	shalt  }
0x62: {  	_ =	shalt  }
0x63: {  	_ =	shalt  }
0x64: {  	_ =	shalt  }
0x65: {  	_ =	shalt  }
0x66: {  	_ =	shalt  }
0x67: {  	_ =	shalt  }
0x68: {  	_ =	shalt  }
0x69: {  	_ =	shalt  }
0x6a: {  	_ =	shalt  }
0x6b: {  	_ =	shalt  }
0x6c: {  	_ =	shalt  }
0x6d: {  	_ =	shalt  }
0x6e: {  	_ =	shalt  }
0x6f: {  	_ =	shalt  }
0x70: {  	_ =	shalt  }
0x71: {  	_ =	shalt  }
0x72: {  	_ =	shalt  }
0x73: {  	_ =	shalt  }
0x74: {  	_ =	shalt  }
0x75: {  	_ =	shalt  }
0x76: {  	_ =	shalt  }
0x77: {  	_ =	shalt  }
0x78: {  	_ =	shalt  }
0x79: {  	_ =	shalt  }
0x7a: {  	_ =	shalt  }
0x7b: {  	_ =	shalt  }
0x7c: {  	_ =	shalt  }
0x7d: {  	_ =	shalt  }
0x7e: {  	_ =	shalt  }
0x7f: {  	_ =	shalt  }
0x80: {  	_ =	shalt  }
0x81: {  	_ =	shalt  }
0x82: {  	_ =	shalt  }
0x83: {  	_ =	shalt  }
0x84: {  	_ =	shalt  }
0x85: {  	_ =	shalt  }
0x86: {  	_ =	shalt  }
0x87: {  	_ =	shalt  }
.Lfunc_end0:
.L_simem_size_0:
called_computation.2_lowered:
.L_overlay_start_0:
0x88: {  	s2 =	sld [smem:$0x3FD9]  }
0x89: {  	s3 =	sld [smem:$0x3FFE];
	_ =	sdelay $0x1  }
0x8a: {  	s1 =	srdreg.scid  }
0x8b: {  	s0 =	sand.u32 $0x1, s1  }
0x8c: {  	s17 =	sshll.u32 s0, $0xA;
	s2 =	sadd.s32 s3, s2  }
0x8d: {  	s2 =	sadd.s32 s2, s17  }
0x8e: {  	[smem:$0x3FC2] =	sst s2  }
0x8f: {  	_ = 	snop  }
0x90: {  	s2 =	sld [smem:$0x3FD0];
	(tm) =	ssettm $0x1  }
0x91: {  	s18 =	sld [smem:$0x3FFB];
	_ =	sdelay $0x3  }
0x92: {  	_ =	strace s18  }
0x93: {  	s3 =	sld [smem:$0x3FFC];
	_ =	sdelay $0x3  }
0x94: {  	_ =	strace s3  }
0x95: {  	s3 =	sld [smem:$0x3FFD];
	_ =	sdelay $0x3  }
0x96: {  	_ =	strace s3  }
0x97: {  	_ =	strace $0x8FFFFFFF  }
0x98: {  	s19 =	sld [smem:$0x3FDB];
	_ =	sdelay $0x1  }
0x99: {  	s4 =	simm.s32 $_scs_section_size  }
0x9a: {  	s5 =	simm.s32 $_size__tile_overlayer_lowered;
	s6 =	simm.s32 $_tile_overlayer_lowered  }
0x9b: {  	s22 =	simm.s32 $0x1BFF;
	s21 =	sshll.u32 s6, $0x1;
	s3 =	sadd.s32 s4, s19  }
0x9c: {  	s7 =	simm.s32 $0x0;
	s20 =	sshll.u32 s5, $0x1;
	s5 =	sadd.s32 s21, s3  }
0x9d: {  	[timem:s7], [sflag:s22] =	dma.local [hbm:s5], s20  }
0x9e: {  	_ =	swait.ge [sflag:s22], s20  }
0x9f: {  	s4 =	ssub.s32 $0x0, s20;
	[sflag:s22] =	ssyncset.done $0x0  }
0xa0: {  	[sflag:s22] =	ssyncadd.s32 s4;
	_ =	sdelay $0x1  }
0xa1: {  	s23 =	simm.s32 $0x1B8B  }
0xa2: {  	_ =	swait.ge [sflag:s23], $0x1  }
0xa3: {  	[sflag:s23] =	ssyncset.done $0x0  }
0xa4: {  	s25 =	simm.s32 $0x1B8E;
	s24 =	sld [smem:$0x3FFE];
	[sflag:s23] =	ssyncadd.s32 $0xFFFFFFFF  }
0xa5: {  	s26 =	simm.s32 $execute0_lowered;
	[smem:$0x3FD2] =	sst s25  }
0xa6: {  	s5 =	sshll.u32 s26, $0x1;
	_ =	strace $0x8000004C;
	[dreg:$0x1] =	wrdreg $0xFFFFFFFF  }
0xa7: {  	s28 =	simm.s32 $_size_execute0_lowered;
	s3 =	sadd.s32 s3, s5;
	[dreg:$0x0] =	wrdreg $0x0  }
0xa8: {  	s5 =	sshll.u32 s28, $0x1;
	[dreg:$0x2] =	wrdreg s3  }
0xa9: {  	[dreg:$0x3] =	wrdreg s5  }
0xaa: {  	[dreg:$0x4] =	wrdreg $0xC0  }
0xab: {  	_ =	task [dreg:s7], $0x5FFFF  }
0xac: {  	[dreg:$0x1] =	wrdreg $0xFFFFFFFF  }
0xad: {  	[dreg:$0x0] =	wrdreg $0x60  }
0xae: {  	[dreg:$0x2] =	wrdreg s24  }
0xaf: {  	[dreg:$0x3] =	wrdreg s2  }
0xb0: {  	[dreg:$0x4] =	wrdreg $0xA8000  }
0xb1: {  	[dreg:$0x5] =	wrdreg $0x9  }
0xb2: {  	_ =	task.clear_ibuf [dreg:s7], $0x6FFFF;
	_ =	strace $0x9000004C  }
0xb3: {  	s29 =	simm.s32 $0x9;
	_ =	strace $0x8000004E  }
0xb4: {  	_ =	swait.ge [sflag:s29], $0x1  }
0xb5: {  	[sflag:s29] =	ssyncadd.s32 $0xFFFFFFFF  }
0xb6: {  	_ =	strace $0x9000004E  }
0xb7: {  	_ =	sfence  }
0xb8: {  	s30 =	sld [smem:$0x0];
	_ =	sdelay $0x2  }
0xb9: {  	s31 =	sshll.u32 s1, $0xD;
	s1 =	sshrl.u32 s1, $0x2  }
0xba: {  	s3 =	sand.u32 $0x4000, s31;
	s1 =	sadd.s32 s1, s30  }
0xbb: {  	s0 =	sor.u32 s3, s0;
	s1 =	sshll.u32 s1, $0x11  }
0xbc: {  	s0 =	sor.u32 s1, s0  }
0xbd: {  	s0 =	sadd.s32 $0x8F2B, s0  }
0xbe: {  	[sflag:s0] =	ssyncadd.remote.s32 $0x1  }
0xbf: {  	_ =	sfence.sel $0xFFFF  }
0xc0: {  	[dreg:$0x0] =	wrdreg $0xFFFFFFFF;
	(pc) =	sbr.abs _section_cstart, $3  }
0xc1: {  	[dreg:$0x1] =	wrdreg $0xFFFFFFFF  }
0xc2: {  	_ =	task.clear_ibuf [dreg:s7], $0x2FFFF;
	_ =	strace $0x9FFFFFFF  }
0xc3: {  	(tm) =	ssettm $0x7FFFFFFF  }
tec
execute0_lowered:
.L_overlay_start_1:
0x0: {  	(tag) =	ssettag $0x1  }
0x1: {  	s0 =	rddreg [dreg:$0x0]  }
0x2: {  	s1 =	rddreg [dreg:$0x1];
	s11 =	stileid.u32  }
0x3: {  	s3 =	srdreg.scid;
	s2 =	rddreg [dreg:$0x2];
	s28 =	simm.s32 $0x9  }
0x4: {  	s29 =	simm.s32 $0xA;
	s30 =	simm.s32 $0xB;
	s31 =	simm.s32 $0xC  }
0x5: {  	s4 =	smul.u32 $0x14000, s11;
	s5 =	sand.u32 $0x1, s3;
	s3 =	simm.s32 $0x0  }
0x6: {  	s8 =	smul.u32 $0x50000, s11;
	s10 =	sshll.u32 s11, $0xF;
	s16 =	sshll.u32 s11, $0x6  }
0x7: {  	s6 =	smul.u32 $0x140000, s5;
	[smem:$0x7FF] =	sst s3;
	s13 =	ssub.s32 $0x2, s5  }
0x8: {  	s5 =	sshll.u32 s5, $0x13;
	_ =	strace $0x8000004D;
	s7 =	sshrl.u32 s4, $0x3  }
0x9: {  	s9 =	sshrl.u32 s13, $0x1;
	s14 =	sshrl.u32 s8, $0x2;
	s5 =	sor.u32 s10, s5  }
0xa: {  	s6 =	sadd.s32 s4, s6;
	s4 =	sadd.s32 $0x2200, s0;
	s7 =	sadd.s32 s7, s0  }
0xb: {  	s9 =	ssub.s32 s13, s9;
	s15 =	sadd.s32 s14, s2;
	s17 =	sshrl.u32 s5, $0x3  }
0xc: {  	s20 =	sor.u32 $0x400, s5;
	s23 =	sor.u32 $0x500, s5;
	s24 =	sor.u32 $0x600, s5  }
0xd: {  	s5 =	sor.u32 $0x700, s5;
	s6 =	sshrl.u32 s6, $0x3;
	s7 =	sadd.s32 $0x2A200, s7  }
0xe: {  	s8 =	sadd.s32 s1, s17;
	s21 =	sshrl.u32 s20, $0x3;
	s22 =	smax.u32 s9, $0x1  }
0xf: {  	s25 =	sshrl.u32 s24, $0x3;
	s5 =	sshrl.u32 s5, $0x3;
	[dreg:$0x4] =	wrdreg s7  }
0x10: {  	s17 =	sshrl.u32 s15, $0x3;
	s24 =	simm.s32 $0x3000;
	[dreg:$0x5] =	wrdreg s8  }
0x11: {  	s20 =	simm.s32 $0x10;
	s18 =	sadd.s32 $0x20, s8;
	[dreg:$0xa] =	wrdreg s22  }
0x12: {  	s0 =	sadd.s32 s6, s0;
	s19 =	sadd.s32 $0x40, s8;
	[dreg:$0x6] =	wrdreg s18  }
0x13: {  	s6 =	sor.u32 $0x1C11, s16;
	s8 =	sadd.s32 $0x60, s8;
	[dreg:$0x7] =	wrdreg s19  }
0x14: {  	s26 =	sadd.s32 s5, s1;
	s22 =	simm.s32 $0x50;
	[dreg:$0x8] =	wrdreg s8  }
0x15: {  	s0 =	sadd.s32 $0x52200, s0;
	[dreg:$0xe] =	wrdreg s26;
	s18 =	simm.s32 $0x11  }
0x16: {  	s26 =	simm.s32 $0x8000;
	[dreg:$0x9] =	wrdreg s0;
	s0 =	sadd.s32 s21, s1  }
0x17: {  	s19 =	simm.s32 $0xF;
	[dreg:$0xb] =	wrdreg s0;
	s0 =	sshrl.u32 s23, $0x3  }
0x18: {  	s21 =	simm.s32 $0x0;
	s23 =	simm.s32 $0x800;
	s0 =	sadd.s32 s0, s1  }
0x19: {  	[dreg:$0xc] =	wrdreg s0;
	s0 =	sadd.s32 s25, s1;
	s25 =	simm.s32 $0x5800  }
0x1a: {  	s1 =	simm.s32 $0xD;
	[dreg:$0xd] =	wrdreg s0;
	s0 =	simm.s32 $0xE  }
.LBB2_1:
0x1b: {  	s5 =	rddreg [dreg:$0x4]  }
0x1c: {  	[spmem:s17], [sflag:s6] =	dma.local [hbm:s5], $0x2800  }
0x1d: {  	_ =	swait.ge [sflag:s18], $0x2800  }
0x1e: {  	[sflag:s18] =	ssyncset.done $0x0  }
0x1f: {  	s11 =	rddreg [dreg:$0x5];
	[sflag:s18] =	ssyncadd.s32 $0xFFFFD800  }
0x20: {  	[tilespmem:s3], [sflag:$0x1] =	stream.linear.gather [hbm4b:s11+s3], $0x100, $0x38;
	[tilespmem:$0x1E800] =	vst v63  }
0x21: {  	s7 =	simm.s32 $0x100;
	s12 =	rddreg [dreg:$0x6]  }
0x22: {  	[tilespmem:s7], [sflag:$0x2] =	stream.linear.gather [hbm4b:s12+s3], $0x100, $0x38;
	[tilespmem:$0x1E800] =	vst v63  }
0x23: {  	s14 =	simm.s32 $0x200;
	s13 =	rddreg [dreg:$0x7]  }
0x24: {  	[tilespmem:s14], [sflag:$0x3] =	stream.linear.gather [hbm4b:s13+s3], $0x100, $0x38;
	[tilespmem:$0x1E800] =	vst v63  }
0x25: {  	s16 =	simm.s32 $0x300;
	s15 =	rddreg [dreg:$0x8]  }
0x26: {  	[tilespmem:s16], [sflag:$0x4] =	stream.linear.gather [hbm4b:s15+s3], $0x100, $0x38;
	[tilespmem:$0x1E800] =	vst v63  }
0x27: {  	[bflag:$0x0] =	sbarrier.arrive $0xFFFF  }
0x28: {  	s16 =	rddreg [dreg:$0xe]  }
0x29: {  	s15 =	rddreg [dreg:$0xd]  }
0x2a: {  	s14 =	rddreg [dreg:$0xc]  }
0x2b: {  	s11 =	simm.s32 $0x0;
	s13 =	rddreg [dreg:$0xb]  }
.LBB2_2:
0x2c: {  	p0 =	seq.s32 s11, $0x0  }
0x2d: {  	s7 =	simm.s32 @!p0 $0xD  }
0x2e: {  	p1 =	seq.s32 @!p0 s11, $0x7C;
	_ =	swait.ge @!p0 [sflag:s7], $0x2800  }
0x2f: {  	p1 =	por p0, !p1;
	[sflag:s7] =	ssyncset.done @!p0 $0x0  }
0x30: {  	[sflag:s7] =	ssyncadd.s32 @!p0 $0xFFFFD800;
	s7 =	sxor.u32 @p1 $0xFFFFFFFF, s11  }
0x31: {  	s10 =	sand.u32 $0x4, s11;
	s7 =	sand.u32 @p1 $0x4, s7  }
0x32: {  	s12 =	sadd.s32 $0x1, s10;
	s9 =	sshll.u32 @p1 s7, $0x8;
	s7 =	sor.u32 @p1 $0x1, s7  }
0x33: {  	[tilespmem:s9], [sflag:s7] =	stream.linear.gather @p1 [hbm4b:s13+s3], $0x100, $0x38;
	[tilespmem:$0x1E800] =	vst v63  }
0x34: {  	_ =	swait.ge [sflag:s12], $0x100  }
0x35: {  	[sflag:s12] =	ssyncset.done $0x0  }
0x36: {  	s7 =	simm.s32 @!p0 $0xE;
	[sflag:s12] =	ssyncadd.s32 $0xFFFFFF00;
	s12 =	sshll.u32 s10, $0x8  }
0x37: {  	[tilespmem:s23], [sflag:$0x9] =	stream.indirect.gather [hbm4b:s4+s22], $0x80, s12, s22, $0xb8;
	[tilespmem:$0x1E800] =	vst v63  }
0x38: {  	_ =	swait.ge @!p0 [sflag:s7], $0x2800  }
0x39: {  	[sflag:s7] =	ssyncset.done @!p0 $0x0  }
0x3a: {  	[sflag:s7] =	ssyncadd.s32 @!p0 $0xFFFFD800;
	s7 =	sadd.s32 @p1 $0x5, s11  }
0x3b: {  	s5 =	sor.u32 $0x1, s10;
	s7 =	sand.u32 @p1 $0x5, s7  }
0x3c: {  	s8 =	sadd.s32 $0x1, s5;
	s9 =	sshll.u32 @p1 s7, $0x8;
	s7 =	sadd.s32 @p1 $0x1, s7  }
0x3d: {  	[tilespmem:s9], [sflag:s7] =	stream.linear.gather @p1 [hbm4b:s14+s3], $0x100, $0x38;
	[tilespmem:$0x1E800] =	vst v63  }
0x3e: {  	_ =	swait.ge [sflag:s8], $0x100  }
0x3f: {  	[sflag:s8] =	ssyncset.done $0x0  }
0x40: {  	s9 =	sshll.u32 s5, $0x8;
	s7 =	simm.s32 @!p0 $0xF;
	[sflag:s8] =	ssyncadd.s32 $0xFFFFFF00  }
0x41: {  	[tilespmem:s24], [sflag:$0xA] =	stream.indirect.gather [hbm4b:s4+s22], $0x80, s9, s22, $0xb8;
	[tilespmem:$0x1E800] =	vst v63  }
0x42: {  	_ =	swait.ge @!p0 [sflag:s7], $0x2800  }
0x43: {  	[sflag:s7] =	ssyncset.done @!p0 $0x0  }
0x44: {  	[sflag:s7] =	ssyncadd.s32 @!p0 $0xFFFFD800;
	s7 =	sadd.s32 @p1 $0x6, s11  }
0x45: {  	s7 =	sand.u32 @p1 $0x6, s7  }
0x46: {  	s8 =	sshll.u32 @p1 s7, $0x8;
	s7 =	sor.u32 @p1 $0x1, s7  }
0x47: {  	[tilespmem:s8], [sflag:s7] =	stream.linear.gather @p1 [hbm4b:s15+s3], $0x100, $0x38;
	[tilespmem:$0x1E800] =	vst v63  }
0x48: {  	s7 =	sor.u32 $0x2, s10  }
0x49: {  	s5 =	sadd.s32 $0x1, s7  }
0x4a: {  	_ =	swait.ge [sflag:s5], $0x100  }
0x4b: {  	[sflag:s5] =	ssyncset.done $0x0  }
0x4c: {  	s8 =	simm.s32 @!p0 $0x10;
	s7 =	sshll.u32 s7, $0x8;
	[sflag:s5] =	ssyncadd.s32 $0xFFFFFF00  }
0x4d: {  	[tilespmem:s25], [sflag:$0xB] =	stream.indirect.gather [hbm4b:s4+s22], $0x80, s7, s22, $0xb8;
	[tilespmem:$0x1E800] =	vst v63  }
0x4e: {  	_ =	swait.ge @!p0 [sflag:s8], $0x2800  }
0x4f: {  	[sflag:s8] =	ssyncset.done @!p0 $0x0  }
0x50: {  	[sflag:s8] =	ssyncadd.s32 @!p0 $0xFFFFD800;
	s8 =	sadd.s32 @p1 $0xFFFFFFFF, s11  }
0x51: {  	s8 =	sand.u32 @p1 $0x7, s8  }
0x52: {  	s5 =	sshll.u32 @p1 s8, $0x8;
	s8 =	sadd.s32 @p1 $0x1, s8  }
0x53: {  	[tilespmem:s5], [sflag:s8] =	stream.linear.gather @p1 [hbm4b:s16+s3], $0x100, $0x38;
	[tilespmem:$0x1E800] =	vst v63  }
0x54: {  	s5 =	sor.u32 $0x3, s10  }
0x55: {  	s10 =	sadd.s32 $0x1, s5  }
0x56: {  	_ =	swait.ge [sflag:s10], $0x100  }
0x57: {  	[sflag:s10] =	ssyncset.done $0x0  }
0x58: {  	s5 =	sshll.u32 s5, $0x8;
	[sflag:s10] =	ssyncadd.s32 $0xFFFFFF00  }
0x59: {  	[tilespmem:s26], [sflag:$0xC] =	stream.indirect.gather [hbm4b:s4+s22], $0x80, s5, s22, $0xb8;
	[tilespmem:$0x1E800] =	vst v63  }
0x5a: {  	_ =	swait.ge [sflag:s28], $0x2800  }
0x5b: {  	[sflag:s28] =	ssyncset.done $0x0  }
0x5c: {  	s10 =	sadd.s32 $0x80, s12;
	[sflag:s28] =	ssyncadd.s32 $0xFFFFD800  }
0x5d: {  	[spmem:s2] =	stream.indirect.scatter.add.f32 [tilespmem:s23], [sflag:$0xD], $0x80, s10, s22, $0xb8;
	[tilespmem:$0x1E800] =	vst v63  }
0x5e: {  	_ =	swait.ge [sflag:s29], $0x2800  }
0x5f: {  	[sflag:s29] =	ssyncset.done $0x0  }
0x60: {  	s12 =	sadd.s32 $0x80, s9;
	[sflag:s29] =	ssyncadd.s32 $0xFFFFD800  }
0x61: {  	[spmem:s2] =	stream.indirect.scatter.add.f32 [tilespmem:s24], [sflag:$0xE], $0x80, s12, s22, $0xb8;
	[tilespmem:$0x1E800] =	vst v63  }
0x62: {  	_ =	swait.ge [sflag:s30], $0x2800  }
0x63: {  	s11 =	sadd.s32 $0x4, s11;
	[sflag:s30] =	ssyncset.done $0x0  }
0x64: {  	s7 =	sadd.s32 $0x80, s7;
	p0 =	sne.s32 s11, $0x80;
	[sflag:s30] =	ssyncadd.s32 $0xFFFFD800  }
0x65: {  	[spmem:s2] =	stream.indirect.scatter.add.f32 [tilespmem:s25], [sflag:$0xF], $0x80, s7, s22, $0xb8;
	[tilespmem:$0x1E800] =	vst v63  }
.Ltmp0:
0x66: {  	_ = 	snop;
	(pc) =	sbr.rel @p0 .LBB2_2-.Ltmp0, $4  }
0x67: {  	s13 =	sadd.s32 $0x80, s13;
	_ =	swait.ge [sflag:s31], $0x2800  }
0x68: {  	s14 =	sadd.s32 $0x80, s14;
	s15 =	sadd.s32 $0x80, s15;
	[sflag:s31] =	ssyncset.done $0x0  }
0x69: {  	s16 =	sadd.s32 $0x80, s16;
	s5 =	sor.u32 $0x80, s5;
	[sflag:s31] =	ssyncadd.s32 $0xFFFFD800  }
0x6a: {  	[spmem:s2] =	stream.indirect.scatter.add.f32 [tilespmem:s26], [sflag:$0x10], $0x80, s5, s22, $0xb8;
	[tilespmem:$0x1E800] =	vst v63  }
0x6b: {  	_ =	swait.ge [sflag:s1], $0x2800  }
0x6c: {  	[sflag:s1] =	ssyncset.done $0x0  }
0x6d: {  	[sflag:s1] =	ssyncadd.s32 $0xFFFFD800  }
0x6e: {  	_ =	swait.ge [sflag:s0], $0x2800  }
0x6f: {  	[sflag:s0] =	ssyncset.done $0x0  }
0x70: {  	[sflag:s0] =	ssyncadd.s32 $0xFFFFD800  }
0x71: {  	_ =	swait.ge [sflag:s19], $0x2800  }
0x72: {  	[sflag:s19] =	ssyncset.done $0x0  }
0x73: {  	[sflag:s19] =	ssyncadd.s32 $0xFFFFD800  }
0x74: {  	_ =	swait.ge [sflag:s20], $0x2800  }
0x75: {  	[sflag:s20] =	ssyncset.done $0x0  }
0x76: {  	[sflag:s20] =	ssyncadd.s32 $0xFFFFD800  }
0x77: {  	[bflag:$0x0] =	sbarrier.arrive $0xFFFF  }
0x78: {  	s5 =	rddreg [dreg:$0x9]  }
0x79: {  	[hbm:s5], [sflag:s6] =	dma.local [spmem:s17], $0x2800  }
0x7a: {  	_ =	swait.ge [sflag:s18], $0x2800  }
0x7b: {  	s21 =	sadd.s32 $0x1, s21;
	s16 =	rddreg [dreg:$0xa]  }
0x7c: {  	p0 =	sne.s32 s21, s16  }
.Ltmp1:
0x7d: {  	_ = 	snop;
	(pc) =	sbr.rel @p0 .LBB2_1-.Ltmp1, $3  }
0x7e: {  	_ =	sdelay $0x1  }
0x7f: {  	[sflag:s18] =	ssyncset.done $0x0  }
0x80: {  	[sflag:s18] =	ssyncadd.s32 $0xFFFFD800  }
0x81: {  	_ =	sfence.sel $0x180000  }
0x82: {  	[bflag:$0x0] =	sbarrier.arrive $0xFFFF  }
0x83: {  	_ =	strace $0x9000004D  }
0x84: {  	s0 =	stileid.u32;
	[bflag:$0x2] =	sbarrier.arrive $0xFFFF  }
0x85: {  	p0 =	sne.s32 s0, $0x0;
	s0 =	rddreg [dreg:$0x3]  }
0x86: {  	s0 =	sadd.s32 @!p0 $0x100000, s0  }
0x87: {  	[sflag:s0] =	ssyncadd.tile.s32 @!p0 $0x1;
	_ =	shalt  }
.Lfunc_end2:
_tile_overlayer_lowered:
.L_overlay_start_2:
0x88: {  	(tag) =	ssettag $0x2  }
0x89: {  	s0 =	rddreg [dreg:$0x0];
	s2 =	stileid.u32  }
0x8a: {  	s1 =	rddreg [dreg:$0x1];
	p0 =	sne.s32 s2, $0x0  }
0x8b: {  	s3 =	rddreg [dreg:$0x2];
	[bflag:$0x3] =	sbarrier.arrive $0xFFFF;
	s2 =	simm.s32 @!p0 $0x1C11  }
0x8c: {  	[timem:s3], [sflag:s2] =	dma.local @!p0 [hbm:s0], s1  }
0x8d: {  	s0 =	simm.s32 @!p0 $0x11  }
0x8e: {  	_ =	swait.ge @!p0 [sflag:s0], s1  }
0x8f: {  	s1 =	ssub.s32 @!p0 $0x0, s1;
	[sflag:s0] =	ssyncset.done @!p0 $0x0  }
0x90: {  	[sflag:s0] =	ssyncadd.s32 @!p0 s1  }
0x91: {  	[bflag:$0x3] =	sbarrier.arrive $0xFFFF  }
0x92: {  	_ =	shalt  }

// kernel: kernel.9.cloned.1.call-start
scs
__scs_entry_jumppad:
0x0: {  	(pc) =	sbr.rel $0x88, $3  }
0x1: {  	(tag) =	ssettag $0x0;
	lr =	simm.s32 $0x1  }
0x2: {  	[smem:$0x3F9B] =	sst lr;
	_ =	strace $0xD0000000  }
0x3: {  	_ = 	snop  }
0x4: {  	_ = 	snop  }
0x5: {  	_ = 	snop  }
0x6: {  	_ = 	snop  }
0x7: {  	_ = 	snop  }
__scs_overlays_trampoline_lowered:
0x8: {  	[smem:$0x3FAA] =	sst s0  }
0x9: {  	[smem:$0x3FAB] =	sst s1  }
0xa: {  	[smem:$0x3FAC] =	sst s2  }
0xb: {  	[smem:$0x3FAD] =	sst s3  }
0xc: {  	[smem:$0x3FAE] =	sst s4  }
0xd: {  	[smem:$0x3FAF] =	sst s5  }
0xe: {  	[smem:$0x3FB0] =	sst s6  }
0xf: {  	[smem:$0x3FB1] =	sst s7  }
0x10: {  	[smem:$0x3FB2] =	sst s8  }
0x11: {  	[smem:$0x3FB3] =	sst s9;
	s0 =	simm.s32 @!p0 $0x0  }
0x12: {  	s1 =	sld [smem:$0x3F99];
	s0 =	simm.s32 @p0 $0x1  }
0x13: {  	[smem:$0x3FB4] =	sst s0;
	s0 =	simm.s32 @!p1 $0x0  }
0x14: {  	s2 =	sld [smem:$0x3F98];
	s0 =	simm.s32 @p1 $0x1  }
0x15: {  	[smem:$0x3FB5] =	sst s0;
	s0 =	simm.s32 @!p2 $0x0  }
0x16: {  	s3 =	sld [smem:$0x3FDB];
	s0 =	simm.s32 @p2 $0x1  }
0x17: {  	s4 =	simm.s32 $0x1BF5;
	[smem:$0x3FB7] =	sst s0  }
0x18: {  	s0 =	sld [smem:$0x3F9A];
	_ =	swait.ge [sflag:s4], $0x0  }
0x19: {  	s7 =	sld [smem:$0x3F9B]  }
0x1a: {  	s8 =	sadd.s32 $0xFFFFE003, lr  }
0x1b: {  	s9 =	sadd.s32 $0xFFFFFEF7, lr;
	s5 =	simm.s32 $0xFFFFFFFF;
	p2 =	slt.u32 s8, $0xFFFFF086  }
0x1c: {  	p1 =	slt.u32 s9, $0xF7A;
	s5 =	simm.s32 @!p2 $0x0  }
0x1d: {  	s5 =	simm.s32 @p1 $0x1;
	p0 =	seq.s32 s7, s2  }
0x1e: {  	s7 =	smul.u32 @!p0 $0xF7A, s2;
	p2 =	seq.s32 @!p0 s5, $0x0  }
0x1f: {  	s9 =	smul.u32 $0xF7A, s1;
	s8 =	simm.s32 @!p0 $0x1BF5;
	p2 =	por !p2, p0  }
0x20: {  	[sflag:s8] =	ssyncset.s32 @!p0 $0xFFFFF086;
	s6 =	sadd.s32 @!p0 s3, s7;
	s7 =	simm.s32 @!p0 $0x108  }
0x21: {  	s3 =	sadd.s32 s3, s9;
	s6 =	sadd.s32 @!p0 $0x88, s6;
	s7 =	simm.s32 @p2 $0x1082  }
0x22: {  	[simem:s7], [sflag:s8] =	dma.local @!p0 [hbm:s6], $0xF7A  }
0x23: {  	s9 =	sor.u32 $0xD0000000, s2;
	s6 =	simm.s32 $0x108;
	_ =	swait.ge @!p0 [sflag:s8], $0x0  }
0x24: {  	s3 =	sadd.s32 $0x88, s3;
	s6 =	simm.s32 @!p1 $0x1082;
	[sflag:s4] =	ssyncset.s32 $0xFFFFF086  }
0x25: {  	[simem:s6], [sflag:s4] =	dma.local [hbm:s3], $0xF7A  }
0x26: {  	[smem:$0x3F9B] =	sst s1;
	(tag) =	ssettag s2;
	_ =	strace s9  }
0x27: {  	s1 =	sld [smem:$0x3FAB]  }
0x28: {  	s2 =	sld [smem:$0x3FAC]  }
0x29: {  	s4 =	sld [smem:$0x3FAE]  }
0x2a: {  	p0 =	seq.s32 s5, $0x0;
	s5 =	sld [smem:$0x3FAF]  }
0x2b: {  	s6 =	sld [smem:$0x3FB0]  }
0x2c: {  	s7 =	sld [smem:$0x3FB1]  }
0x2d: {  	s3 =	simm.s32 $0x108;
	s8 =	sld [smem:$0x3FB2]  }
0x2e: {  	s3 =	simm.s32 @!p0 $0x1082;
	s9 =	sld [smem:$0x3FB3]  }
0x2f: {  	lr =	sadd.s32 s0, s3;
	s0 =	sld [smem:$0x3FAA]  }
0x30: {  	s3 =	sld [smem:$0x3FAD]  }
0x31: {  	[smem:$0x3FB6] =	sst s10  }
0x32: {  	s10 =	sld [smem:$0x3FB4];
	_ =	sdelay $0x3  }
0x33: {  	p0 =	seq.s32 s10, $0x1;
	s10 =	sld [smem:$0x3FB6];
	_ =	sdelay $0x3  }
0x34: {  	[smem:$0x3FB6] =	sst s10  }
0x35: {  	s10 =	sld [smem:$0x3FB5];
	_ =	sdelay $0x3  }
0x36: {  	p1 =	seq.s32 s10, $0x1;
	s10 =	sld [smem:$0x3FB6];
	_ =	sdelay $0x3  }
0x37: {  	[smem:$0x3FB6] =	sst s10  }
0x38: {  	s10 =	sld [smem:$0x3FB7]  }
0x39: {  	_ = 	snop;
	(pc) =	sbr.ind lr, $3  }
0x3a: {  	_ = 	snop  }
0x3b: {  	_ = 	snop  }
0x3c: {  	p2 =	seq.s32 s10, $0x1;
	s10 =	sld [smem:$0x3FB6]  }
0x3d: {  	_ =	shalt  }
0x3e: {  	_ =	shalt  }
0x3f: {  	_ =	shalt  }
0x40: {  	_ =	shalt  }
0x41: {  	_ =	shalt  }
0x42: {  	_ =	shalt  }
0x43: {  	_ =	shalt  }
0x44: {  	_ =	shalt  }
0x45: {  	_ =	shalt  }
0x46: {  	_ =	shalt  }
0x47: {  	_ =	shalt  }
0x48: {  	_ =	shalt  }
0x49: {  	_ =	shalt  }
0x4a: {  	_ =	shalt  }
0x4b: {  	_ =	shalt  }
0x4c: {  	_ =	shalt  }
0x4d: {  	_ =	shalt  }
0x4e: {  	_ =	shalt  }
0x4f: {  	_ =	shalt  }
0x50: {  	_ =	shalt  }
0x51: {  	_ =	shalt  }
0x52: {  	_ =	shalt  }
0x53: {  	_ =	shalt  }
0x54: {  	_ =	shalt  }
0x55: {  	_ =	shalt  }
0x56: {  	_ =	shalt  }
0x57: {  	_ =	shalt  }
0x58: {  	_ =	shalt  }
0x59: {  	_ =	shalt  }
0x5a: {  	_ =	shalt  }
0x5b: {  	_ =	shalt  }
0x5c: {  	_ =	shalt  }
0x5d: {  	_ =	shalt  }
0x5e: {  	_ =	shalt  }
0x5f: {  	_ =	shalt  }
0x60: {  	_ =	shalt  }
0x61: {  	_ =	shalt  }
0x62: {  	_ =	shalt  }
0x63: {  	_ =	shalt  }
0x64: {  	_ =	shalt  }
0x65: {  	_ =	shalt  }
0x66: {  	_ =	shalt  }
0x67: {  	_ =	shalt  }
0x68: {  	_ =	shalt  }
0x69: {  	_ =	shalt  }
0x6a: {  	_ =	shalt  }
0x6b: {  	_ =	shalt  }
0x6c: {  	_ =	shalt  }
0x6d: {  	_ =	shalt  }
0x6e: {  	_ =	shalt  }
0x6f: {  	_ =	shalt  }
0x70: {  	_ =	shalt  }
0x71: {  	_ =	shalt  }
0x72: {  	_ =	shalt  }
0x73: {  	_ =	shalt  }
0x74: {  	_ =	shalt  }
0x75: {  	_ =	shalt  }
0x76: {  	_ =	shalt  }
0x77: {  	_ =	shalt  }
0x78: {  	_ =	shalt  }
0x79: {  	_ =	shalt  }
0x7a: {  	_ =	shalt  }
0x7b: {  	_ =	shalt  }
0x7c: {  	_ =	shalt  }
0x7d: {  	_ =	shalt  }
0x7e: {  	_ =	shalt  }
0x7f: {  	_ =	shalt  }
0x80: {  	_ =	shalt  }
0x81: {  	_ =	shalt  }
0x82: {  	_ =	shalt  }
0x83: {  	_ =	shalt  }
0x84: {  	_ =	shalt  }
0x85: {  	_ =	shalt  }
0x86: {  	_ =	shalt  }
0x87: {  	_ =	shalt  }
.Lfunc_end0:
.L_simem_size_0:
called_computation_lowered:
.L_overlay_start_0:
0x88: {  	s2 =	sld [smem:$0x3FD9]  }
0x89: {  	s3 =	sld [smem:$0x3FFE];
	_ =	sdelay $0x1  }
0x8a: {  	s1 =	srdreg.scid  }
0x8b: {  	s0 =	sand.u32 $0x1, s1  }
0x8c: {  	s16 =	sshll.u32 s0, $0xA;
	s2 =	sadd.s32 s3, s2  }
0x8d: {  	s2 =	sadd.s32 s2, s16  }
0x8e: {  	[smem:$0x3FC2] =	sst s2  }
0x8f: {  	_ = 	snop  }
0x90: {  	(tm) =	ssettm $0x1  }
0x91: {  	s17 =	sld [smem:$0x3FFB];
	_ =	sdelay $0x3  }
0x92: {  	_ =	strace s17  }
0x93: {  	s2 =	sld [smem:$0x3FFC];
	_ =	sdelay $0x3  }
0x94: {  	_ =	strace s2  }
0x95: {  	s2 =	sld [smem:$0x3FFD];
	_ =	sdelay $0x3  }
0x96: {  	_ =	strace s2  }
0x97: {  	_ =	strace $0x8FFFFFFF  }
0x98: {  	s18 =	sld [smem:$0x3FDB];
	_ =	sdelay $0x1  }
0x99: {  	s19 =	simm.s32 $_scs_section_size  }
0x9a: {  	s4 =	simm.s32 $_size__tile_overlayer_lowered;
	s5 =	simm.s32 $_tile_overlayer_lowered  }
0x9b: {  	s22 =	simm.s32 $0x1BFF;
	s21 =	sshll.u32 s5, $0x1;
	s2 =	sadd.s32 s19, s18  }
0x9c: {  	s6 =	simm.s32 $0x0;
	s20 =	sshll.u32 s4, $0x1;
	s4 =	sadd.s32 s21, s2  }
0x9d: {  	[timem:s6], [sflag:s22] =	dma.local [hbm:s4], s20  }
0x9e: {  	_ =	swait.ge [sflag:s22], s20  }
0x9f: {  	s3 =	ssub.s32 $0x0, s20;
	[sflag:s22] =	ssyncset.done $0x0  }
0xa0: {  	[sflag:s22] =	ssyncadd.s32 s3;
	_ =	sdelay $0x1  }
0xa1: {  	s23 =	simm.s32 $0x1B8B  }
0xa2: {  	_ =	swait.ge [sflag:s23], $0x1  }
0xa3: {  	[sflag:s23] =	ssyncset.done $0x0  }
0xa4: {  	s25 =	simm.s32 $0x1B8E;
	s24 =	sld [smem:$0x3FFE];
	[sflag:s23] =	ssyncadd.s32 $0xFFFFFFFF  }
0xa5: {  	s26 =	simm.s32 $execute0_lowered;
	[smem:$0x3FD2] =	sst s25  }
0xa6: {  	s4 =	sshll.u32 s26, $0x1;
	_ =	strace $0x80000046;
	[dreg:$0x1] =	wrdreg $0xFFFFFFFF  }
0xa7: {  	s28 =	simm.s32 $_size_execute0_lowered;
	s2 =	sadd.s32 s2, s4;
	[dreg:$0x0] =	wrdreg $0x0  }
0xa8: {  	s4 =	sshll.u32 s28, $0x1;
	[dreg:$0x2] =	wrdreg s2  }
0xa9: {  	[dreg:$0x3] =	wrdreg s4  }
0xaa: {  	[dreg:$0x4] =	wrdreg $0xC0  }
0xab: {  	_ =	task [dreg:s6], $0x5FFFF  }
0xac: {  	[dreg:$0x1] =	wrdreg $0xFFFFFFFF  }
0xad: {  	[dreg:$0x0] =	wrdreg $0x60  }
0xae: {  	[dreg:$0x2] =	wrdreg s24  }
0xaf: {  	[dreg:$0x3] =	wrdreg $0x9  }
0xb0: {  	_ =	task.clear_ibuf [dreg:s6], $0x4FFFF;
	_ =	strace $0x90000046  }
0xb1: {  	s29 =	simm.s32 $0x9;
	_ =	strace $0x80000048  }
0xb2: {  	_ =	swait.ge [sflag:s29], $0x1  }
0xb3: {  	[sflag:s29] =	ssyncadd.s32 $0xFFFFFFFF  }
0xb4: {  	_ =	strace $0x90000048  }
0xb5: {  	_ =	sfence  }
0xb6: {  	s30 =	sld [smem:$0x0];
	_ =	sdelay $0x2  }
0xb7: {  	s31 =	sshll.u32 s1, $0xD;
	s1 =	sshrl.u32 s1, $0x2  }
0xb8: {  	s3 =	sand.u32 $0x4000, s31;
	s1 =	sadd.s32 s1, s30  }
0xb9: {  	s0 =	sor.u32 s3, s0;
	s1 =	sshll.u32 s1, $0x11  }
0xba: {  	s0 =	sor.u32 s1, s0  }
0xbb: {  	s0 =	sadd.s32 $0x8F2B, s0  }
0xbc: {  	[sflag:s0] =	ssyncadd.remote.s32 $0x1  }
0xbd: {  	_ =	sfence.sel $0xFFFF  }
0xbe: {  	[dreg:$0x0] =	wrdreg $0xFFFFFFFF;
	(pc) =	sbr.abs _section_cstart, $3  }
0xbf: {  	[dreg:$0x1] =	wrdreg $0xFFFFFFFF  }
0xc0: {  	_ =	task.clear_ibuf [dreg:s6], $0x2FFFF;
	_ =	strace $0x9FFFFFFF  }
0xc1: {  	(tm) =	ssettm $0x7FFFFFFF  }
tec
execute0_lowered:
.L_overlay_start_1:
0x0: {  	(tag) =	ssettag $0x1  }
0x1: {  	s0 =	srdreg.scid  }
0x2: {  	s3 =	sand.u32 $0x1, s0  }
0x3: {  	s0 =	stileid.u32;
	s1 =	sshll.u32 s3, $0x4  }
0x4: {  	s6 =	rddreg [dreg:$0x0];
	s2 =	simm.s32 $0x0;
	s4 =	sor.u32 s0, s1  }
0x5: {  	s8 =	simm.s32 $0x400;
	s9 =	simm.s32 $0x1;
	s1 =	sshrl.u32 s4, $0x3  }
0x6: {  	s10 =	simm.s32 $0x2800;
	s29 =	sshll.u32 s0, $0x7;
	s5 =	smul.u32 $0x14000, s1  }
0x7: {  	s11 =	simm.s32 $0x0;
	[smem:$0x7FF] =	sst s2;
	s7 =	sand.u32 $0x380, s29  }
0x8: {  	s30 =	ssub.s32 $0x2, s3;
	s3 =	sadd.s32 $0xC200, s6;
	s5 =	sor.u32 s7, s5  }
0x9: {  	s31 =	sshrl.u32 s30, $0x1;
	s4 =	smul.u32 $0x500, s4;
	s5 =	sshrl.u32 s5, $0x3  }
0xa: {  	s1 =	rddreg [dreg:$0x1];
	_ =	strace $0x80000047;
	s5 =	sadd.s32 s5, s6  }
0xb: {  	s7 =	ssub.s32 s30, s31;
	s6 =	sadd.s32 s4, s6;
	s4 =	sadd.s32 $0x2200, s5  }
0xc: {  	v0 =	vimm.f32 $1.000000000e+00;
	s5 =	sadd.s32 $0xC800, s6;
	s6 =	smax.u32 s7, $0x1;
	s7 =	simm.s32 $0x80  }
.LBB2_1:
0xd: {  	[tilespmem:s2], [sflag:$0x1] =	stream.strided.gather [hbm4b:s4+s7], $0x2800, s8, s7, $0x38;
	[tilespmem:$0x5000] =	vst v63  }
0xe: {  	_ =	swait.ge [sflag:s9], $0x2800  }
0xf: {  	[sflag:s9] =	ssyncset.done $0x0  }
0x10: {  	[sflag:s9] =	ssyncadd.s32 $0xFFFFD800  }
0x11: {  	[tilespmem:s10], [sflag:$0x1] =	stream.linear.gather [hbm4b:s3+s2], $0x2800, $0x38;
	[tilespmem:$0x5000] =	vst v63  }
0x12: {  	_ =	swait.ge [sflag:s9], $0x2800  }
0x13: {  	[sflag:s9] =	ssyncset.done $0x0  }
0x14: {  	s13 =	simm.s32 $0x0;
	s12 =	simm.s32 $0x40;
	[sflag:s9] =	ssyncadd.s32 $0xFFFFD800  }
.LBB2_2:
0x15: {  	p0 =	sne.s32 s12, $0x9FC0;
	v1 =	vld [tilespmem:s13+$0x0];
	_ =	sdelay $0x3  }
.Ltmp0:
0x16: {  	(pc) =	sbr.rel @p0 .LBB2_2-.Ltmp0, $2  }
0x17: {  	_ =	sdelay $0x2  }
0x18: {  	s13 =	sshra.s32 s12, $0x2;
	s12 =	sadd.s32 $0x40, s12;
	[tilespmem:v1+s10+$0x0] =	vst.idx.add.f32.msk $0xffff, v0  }
0x19: {  	v1 =	vld [tilespmem:s13+$0x0];
	_ =	sdelay $0x5  }
0x1a: {  	s11 =	sadd.s32 $0x1, s11  }
0x1b: {  	p0 =	sne.s32 s11, s6  }
.Ltmp1:
0x1c: {  	[tilespmem:v1+s10+$0x0] =	vst.idx.add.f32.msk $0xffff, v0;
	(pc) =	sbr.rel @p0 .LBB2_1-.Ltmp1, $4  }
0x1d: {  	[hbm4b:s5+s2] =	stream.linear.scatter [tilespmem:s10], [sflag:$0x1], $0x2800, $0x38;
	[tilespmem:$0x5000] =	vst v63  }
0x1e: {  	_ =	swait.ge [sflag:s9], $0x2800  }
0x1f: {  	[sflag:s9] =	ssyncset.done $0x0  }
0x20: {  	[sflag:s9] =	ssyncadd.s32 $0xFFFFD800  }
0x21: {  	_ =	sfence.sel $0x180000  }
0x22: {  	[bflag:$0x0] =	sbarrier.arrive $0xFFFF  }
0x23: {  	p0 =	sne.s32 s0, $0x0;
	_ =	strace $0x90000047  }
0x24: {  	s0 =	sadd.s32 @!p0 $0x100000, s1;
	[bflag:$0x2] =	sbarrier.arrive $0xFFFF  }
0x25: {  	[sflag:s0] =	ssyncadd.tile.s32 @!p0 $0x1;
	_ =	shalt  }
.Lfunc_end2:
_tile_overlayer_lowered:
.L_overlay_start_2:
0x26: {  	(tag) =	ssettag $0x2  }
0x27: {  	s0 =	rddreg [dreg:$0x0];
	s2 =	stileid.u32  }
0x28: {  	s1 =	rddreg [dreg:$0x1];
	p0 =	sne.s32 s2, $0x0  }
0x29: {  	s3 =	rddreg [dreg:$0x2];
	[bflag:$0x3] =	sbarrier.arrive $0xFFFF;
	s2 =	simm.s32 @!p0 $0x1C01  }
0x2a: {  	[timem:s3], [sflag:s2] =	dma.local @!p0 [hbm:s0], s1  }
0x2b: {  	s0 =	simm.s32 @!p0 $0x1  }
0x2c: {  	_ =	swait.ge @!p0 [sflag:s0], s1  }
0x2d: {  	s1 =	ssub.s32 @!p0 $0x0, s1;
	[sflag:s0] =	ssyncset.done @!p0 $0x0  }
0x2e: {  	[sflag:s0] =	ssyncadd.s32 @!p0 s1  }
0x2f: {  	[bflag:$0x3] =	sbarrier.arrive $0xFFFF  }
0x30: {  	_ =	shalt  }

</sc_bundles>
